<compile_context>
chip_gen: v7x
topology: tpu7x:2x2x1
jax: 0.10.2.dev20260603
libtpu: 0.0.44.dev20260713+nightly
codegen_flags: <defaults>
</compile_context>

<pallas_src>
import functools

import jax
import jax.numpy as jnp
from jax import lax
from jax.experimental import pallas as pl
from jax.experimental.pallas import tpu as pltpu
from jax.experimental.pallas import tpu_sc as plsc

NC = 2
NS = 16
NW = NC * NS
CHUNK = 320
NBUF = 2
LANE = 16


@functools.lru_cache(maxsize=None)
def _build(n_chunks: int, vocab: int, dim: int):
    assert n_chunks % NBUF == 0
    assert dim % LANE == 0
    n_groups = n_chunks // NBUF
    mesh = plsc.VectorSubcoreMesh(core_axis_name="c", subcore_axis_name="s")

    @functools.partial(
        pl.kernel,
        out_type=jax.ShapeDtypeStruct((NW, n_chunks, CHUNK, dim), jnp.float32),
        mesh=mesh,
        compiler_params=pltpu.CompilerParams(needs_layout_passes=False),
        scratch_types=[
            pltpu.VMEM((vocab, dim), jnp.float32),
            pltpu.VMEM((n_chunks * CHUNK,), jnp.int32),
            [pltpu.VMEM((CHUNK, dim), jnp.float32) for _ in range(NBUF)],
            pltpu.SemaphoreType.DMA((NBUF,)),
        ],
    )
    def emb(table_hbm, aa_hbm, out_hbm, table_v, idx_v, rows, ssem):
        wid = lax.axis_index("s") * NC + lax.axis_index("c")
        pltpu.sync_copy(table_hbm, table_v)
        pltpu.sync_copy(aa_hbm.at[wid], idx_v)

        cols = [lax.iota(jnp.int32, LANE) + c * LANE for c in range(dim // LANE)]

        def fill(j, b):
            base = j * CHUNK

            @plsc.parallel_loop(0, CHUNK, unroll=8)
            def row(k):
                pv = jnp.full((LANE,), base + k, jnp.int32)
                ridx = plsc.load_gather(idx_v, [pv])
                for c in range(dim // LANE):
                    v = plsc.load_gather(table_v, [ridx, cols[c]])
                    rows[b][k, pl.ds(c * LANE, LANE)] = v

        def start_scatter(j, b):
            pltpu.async_copy(rows[b], out_hbm.at[wid, j], ssem.at[b])

        def wait_scatter(b):
            pltpu.make_async_copy(rows[b], out_hbm.at[0, 0], ssem.at[b]).wait()

        for b in range(NBUF):
            fill(b, b)
            start_scatter(b, b)

        def step(t, carry):
            for b in range(NBUF):
                wait_scatter(b)
                j = (t + 1) * NBUF + b
                fill(j, b)
                start_scatter(j, b)
            return carry

        lax.fori_loop(0, n_groups - 1, step, 0)
        for b in range(NBUF):
            wait_scatter(b)

    return emb


def kernel(aa, restype_emb):
    B, S = aa.shape
    V, D = restype_emb.shape
    n = B * S
    assert n % (NW * CHUNK) == 0
    n_chunks = n // (NW * CHUNK)
    aa3 = aa.reshape(NW, n_chunks * CHUNK)
    out = _build(n_chunks, V, D)(restype_emb, aa3)
    return out.reshape(B, S, D)

# --- scband reference (transcript-rebuilt; emitter-appended) ---
"""Pipeline reference for scband-tox-internal-residue-embedding-45002667327964 (READ-ONLY COPY).

The authoritative reference and input builder live on the scoring server;
editing this copy changes nothing except your own understanding.
"""

import jax, jax.numpy as jnp
import numpy as np

PADDING_IDX = 1  # VOCAB.padding_idx for ESM-style Alphabet
NUM_RESIDUES = 33
EMBEDDING_DIM = 128
BATCH = 4096
SEQ_LEN = 200


def setup_inputs(seed: int = 0) -> dict:
    key = jax.random.key(seed)
    k1, k2 = jax.random.split(key)
    aa = jax.random.randint(k1, (BATCH, SEQ_LEN), 0, NUM_RESIDUES, dtype=jnp.int32)
    restype_emb = jax.random.normal(k2, (NUM_RESIDUES, EMBEDDING_DIM), dtype=jnp.float32) * 0.02
    # nn.Embedding with padding_idx initializes that row to zero
    restype_emb = restype_emb.at[PADDING_IDX].set(0.0)
    return {"aa": aa, "restype_emb": restype_emb}


def reference(aa, restype_emb):
    # forward: x = self.restype_emb(batched_data['input']['aa'])
    x = jnp.take(restype_emb, aa, axis=0)
    return x

if __name__ == "__main__":
    import jax
    _d = setup_inputs()
    print(jax.jit(kernel)(*tuple(_d.values())))

</pallas_src>

<mosaic_0001>
#map = affine_map<(d0, d1) -> (0, 0)>
#map1 = affine_map<(d0, d1) -> (0, 0, 0, 0)>
module attributes {stable_mosaic.version = 14 : i64} {
  func.func @emb(%arg0: i32, %arg1: i32, %arg2: memref<33x128xf32, #tpu.memory_space<hbm>>, %arg3: memref<32x25600xi32, #tpu.memory_space<hbm>>, %arg4: memref<32x80x320x128xf32, #tpu.memory_space<hbm>>, %arg5: memref<33x128xf32, #tpu.memory_space<vmem>>, %arg6: memref<25600xi32, #tpu.memory_space<vmem>>, %arg7: memref<320x128xf32, #tpu.memory_space<vmem>>, %arg8: memref<320x128xf32, #tpu.memory_space<vmem>>, %arg9: memref<2x!tpu.dma_semaphore, #tpu.memory_space<semaphore_mem>>) attributes {dimension_semantics = [#tpu.dimension_semantics<core_parallel>, #tpu.dimension_semantics<subcore_parallel>], iteration_bounds = array<i64: 2, 16>, scalar_prefetch = 0 : i64, scratch_operands = 5 : i64, tpu.core_type = #tpu.core_type<sc_vector_subcore>, window_params = [{transform_indices = #map}, {transform_indices = #map}, {transform_indices = #map1}]} {
    %mul3A = arith.constant 2 : i32
    %mul3A_0 = arith.muli %arg1, %mul3A : i32
    %add3A = arith.addi %mul3A_0, %arg0 : i32
    "tpu.region"() ({
      %run_scoped3A = tpu.sem_alloc : memref<!tpu.dma_semaphore, #tpu.memory_space<semaphore_mem>>
      tpu.enqueue_dma source(%arg2 : memref<33x128xf32, #tpu.memory_space<hbm>>) target(%arg5 : memref<33x128xf32, #tpu.memory_space<vmem>>) target_semaphore(%run_scoped3A : memref<!tpu.dma_semaphore, #tpu.memory_space<semaphore_mem>>)
      tpu.wait_dma2 semaphore(%run_scoped3A : memref<!tpu.dma_semaphore, #tpu.memory_space<semaphore_mem>>) src(%arg2 : memref<33x128xf32, #tpu.memory_space<hbm>>) dst(%arg5 : memref<33x128xf32, #tpu.memory_space<vmem>>)
      tpu.yield
    }) : () -> ()
    "tpu.region"() ({
      %run_scoped3A = tpu.sem_alloc : memref<!tpu.dma_semaphore, #tpu.memory_space<semaphore_mem>>
      %dma_start3A_90 = arith.constant 0 : i32
      %dma_start3A_91 = tpu.memref_slice %arg3[%add3A, %dma_start3A_90] : memref<32x25600xi32, #tpu.memory_space<hbm>> -> memref<1x25600xi32, #tpu.memory_space<hbm>>
      %dma_start3A_92 = tpu.memref_squeeze %dma_start3A_91 : memref<1x25600xi32, #tpu.memory_space<hbm>> -> memref<25600xi32, #tpu.memory_space<hbm>>
      %dma_start3A_93 = arith.constant 0 : i32
      %dma_start3A_94 = tpu.memref_slice %arg3[%add3A, %dma_start3A_93] : memref<32x25600xi32, #tpu.memory_space<hbm>> -> memref<1x25600xi32, #tpu.memory_space<hbm>>
      %dma_start3A_95 = tpu.memref_squeeze %dma_start3A_94 : memref<1x25600xi32, #tpu.memory_space<hbm>> -> memref<25600xi32, #tpu.memory_space<hbm>>
      tpu.enqueue_dma source(%dma_start3A_95 : memref<25600xi32, #tpu.memory_space<hbm>>) target(%arg6 : memref<25600xi32, #tpu.memory_space<vmem>>) target_semaphore(%run_scoped3A : memref<!tpu.dma_semaphore, #tpu.memory_space<semaphore_mem>>)
      %dma_wait3A_96 = arith.constant 0 : i32
      %dma_wait3A_97 = tpu.memref_slice %arg3[%add3A, %dma_wait3A_96] : memref<32x25600xi32, #tpu.memory_space<hbm>> -> memref<1x25600xi32, #tpu.memory_space<hbm>>
      %dma_wait3A_98 = tpu.memref_squeeze %dma_wait3A_97 : memref<1x25600xi32, #tpu.memory_space<hbm>> -> memref<25600xi32, #tpu.memory_space<hbm>>
      %dma_wait3A_99 = arith.constant 0 : i32
      %dma_wait3A_100 = tpu.memref_slice %arg3[%add3A, %dma_wait3A_99] : memref<32x25600xi32, #tpu.memory_space<hbm>> -> memref<1x25600xi32, #tpu.memory_space<hbm>>
      %dma_wait3A_101 = tpu.memref_squeeze %dma_wait3A_100 : memref<1x25600xi32, #tpu.memory_space<hbm>> -> memref<25600xi32, #tpu.memory_space<hbm>>
      tpu.wait_dma2 semaphore(%run_scoped3A : memref<!tpu.dma_semaphore, #tpu.memory_space<semaphore_mem>>) src(%dma_wait3A_101 : memref<25600xi32, #tpu.memory_space<hbm>>) dst(%arg6 : memref<25600xi32, #tpu.memory_space<vmem>>)
      tpu.yield
    }) : () -> ()
    %iota3A = tpu.iota {dimensions = array<i32: 0>} : vector<16xi32>
    %add3A_1 = arith.constant 0 : i32
    %add3A_2 = vector.broadcast %add3A_1 : i32 to vector<16xi32>
    %add3A_3 = arith.addi %iota3A, %add3A_2 : vector<16xi32>
    %iota3A_4 = tpu.iota {dimensions = array<i32: 0>} : vector<16xi32>
    %add3A_5 = arith.constant 16 : i32
    %add3A_6 = vector.broadcast %add3A_5 : i32 to vector<16xi32>
    %add3A_7 = arith.addi %iota3A_4, %add3A_6 : vector<16xi32>
    %iota3A_8 = tpu.iota {dimensions = array<i32: 0>} : vector<16xi32>
    %add3A_9 = arith.constant 32 : i32
    %add3A_10 = vector.broadcast %add3A_9 : i32 to vector<16xi32>
    %add3A_11 = arith.addi %iota3A_8, %add3A_10 : vector<16xi32>
    %iota3A_12 = tpu.iota {dimensions = array<i32: 0>} : vector<16xi32>
    %add3A_13 = arith.constant 48 : i32
    %add3A_14 = vector.broadcast %add3A_13 : i32 to vector<16xi32>
    %add3A_15 = arith.addi %iota3A_12, %add3A_14 : vector<16xi32>
    %iota3A_16 = tpu.iota {dimensions = array<i32: 0>} : vector<16xi32>
    %add3A_17 = arith.constant 64 : i32
    %add3A_18 = vector.broadcast %add3A_17 : i32 to vector<16xi32>
    %add3A_19 = arith.addi %iota3A_16, %add3A_18 : vector<16xi32>
    %iota3A_20 = tpu.iota {dimensions = array<i32: 0>} : vector<16xi32>
    %add3A_21 = arith.constant 80 : i32
    %add3A_22 = vector.broadcast %add3A_21 : i32 to vector<16xi32>
    %add3A_23 = arith.addi %iota3A_20, %add3A_22 : vector<16xi32>
    %iota3A_24 = tpu.iota {dimensions = array<i32: 0>} : vector<16xi32>
    %add3A_25 = arith.constant 96 : i32
    %add3A_26 = vector.broadcast %add3A_25 : i32 to vector<16xi32>
    %add3A_27 = arith.addi %iota3A_24, %add3A_26 : vector<16xi32>
    %iota3A_28 = tpu.iota {dimensions = array<i32: 0>} : vector<16xi32>
    %add3A_29 = arith.constant 112 : i32
    %add3A_30 = vector.broadcast %add3A_29 : i32 to vector<16xi32>
    %add3A_31 = arith.addi %iota3A_28, %add3A_30 : vector<16xi32>
    %parallel_loop3A = arith.constant 0 : i32
    %parallel_loop3A_32 = arith.constant 320 : i32
    %parallel_loop3A_33 = arith.constant 1 : i32
    scf.for %parallel_loop3A_90 = %parallel_loop3A to %parallel_loop3A_32 step %parallel_loop3A_33  : i32 {
      %parallel_loop3A_91 = arith.constant 0 : i32
      %parallel_loop3A_92 = arith.addi %parallel_loop3A_91, %parallel_loop3A_90 : i32
      %parallel_loop3A_93 = vector.broadcast %parallel_loop3A_92 : i32 to vector<16xi32>
      %parallel_loop3A_94 = tpu.vector_load_idx %arg6[%parallel_loop3A_93] : memref<25600xi32, #tpu.memory_space<vmem>>[vector<16xi32>], vector<16xi32>,
      %parallel_loop3A_95 = tpu.vector_load_idx %arg5[%parallel_loop3A_94, %add3A_3] : memref<33x128xf32, #tpu.memory_space<vmem>>[vector<16xi32>, vector<16xi32>], vector<16xf32>,
      %parallel_loop3A_96 = arith.index_cast %parallel_loop3A_90 : i32 to index
      %parallel_loop3A_97 = arith.constant 0 : index
      %parallel_loop3A_98 = tpu.vector_load %arg7[%parallel_loop3A_96, %parallel_loop3A_97] {strides = array<i32>} : memref<320x128xf32, #tpu.memory_space<vmem>>, vector<16xf32>,
      tpu.vector_store %arg7[%parallel_loop3A_96, %parallel_loop3A_97], %parallel_loop3A_95 {strides = array<i32>} : memref<320x128xf32, #tpu.memory_space<vmem>>, vector<16xf32>,
      %parallel_loop3A_99 = tpu.vector_load_idx %arg5[%parallel_loop3A_94, %add3A_7] : memref<33x128xf32, #tpu.memory_space<vmem>>[vector<16xi32>, vector<16xi32>], vector<16xf32>,
      %parallel_loop3A_100 = arith.index_cast %parallel_loop3A_90 : i32 to index
      %parallel_loop3A_101 = arith.constant 16 : index
      %parallel_loop3A_102 = tpu.vector_load %arg7[%parallel_loop3A_100, %parallel_loop3A_101] {strides = array<i32>} : memref<320x128xf32, #tpu.memory_space<vmem>>, vector<16xf32>,
      tpu.vector_store %arg7[%parallel_loop3A_100, %parallel_loop3A_101], %parallel_loop3A_99 {strides = array<i32>} : memref<320x128xf32, #tpu.memory_space<vmem>>, vector<16xf32>,
      %parallel_loop3A_103 = tpu.vector_load_idx %arg5[%parallel_loop3A_94, %add3A_11] : memref<33x128xf32, #tpu.memory_space<vmem>>[vector<16xi32>, vector<16xi32>], vector<16xf32>,
      %parallel_loop3A_104 = arith.index_cast %parallel_loop3A_90 : i32 to index
      %parallel_loop3A_105 = arith.constant 32 : index
      %parallel_loop3A_106 = tpu.vector_load %arg7[%parallel_loop3A_104, %parallel_loop3A_105] {strides = array<i32>} : memref<320x128xf32, #tpu.memory_space<vmem>>, vector<16xf32>,
      tpu.vector_store %arg7[%parallel_loop3A_104, %parallel_loop3A_105], %parallel_loop3A_103 {strides = array<i32>} : memref<320x128xf32, #tpu.memory_space<vmem>>, vector<16xf32>,
      %parallel_loop3A_107 = tpu.vector_load_idx %arg5[%parallel_loop3A_94, %add3A_15] : memref<33x128xf32, #tpu.memory_space<vmem>>[vector<16xi32>, vector<16xi32>], vector<16xf32>,
      %parallel_loop3A_108 = arith.index_cast %parallel_loop3A_90 : i32 to index
      %parallel_loop3A_109 = arith.constant 48 : index
      %parallel_loop3A_110 = tpu.vector_load %arg7[%parallel_loop3A_108, %parallel_loop3A_109] {strides = array<i32>} : memref<320x128xf32, #tpu.memory_space<vmem>>, vector<16xf32>,
      tpu.vector_store %arg7[%parallel_loop3A_108, %parallel_loop3A_109], %parallel_loop3A_107 {strides = array<i32>} : memref<320x128xf32, #tpu.memory_space<vmem>>, vector<16xf32>,
      %parallel_loop3A_111 = tpu.vector_load_idx %arg5[%parallel_loop3A_94, %add3A_19] : memref<33x128xf32, #tpu.memory_space<vmem>>[vector<16xi32>, vector<16xi32>], vector<16xf32>,
      %parallel_loop3A_112 = arith.index_cast %parallel_loop3A_90 : i32 to index
      %parallel_loop3A_113 = arith.constant 64 : index
      %parallel_loop3A_114 = tpu.vector_load %arg7[%parallel_loop3A_112, %parallel_loop3A_113] {strides = array<i32>} : memref<320x128xf32, #tpu.memory_space<vmem>>, vector<16xf32>,
      tpu.vector_store %arg7[%parallel_loop3A_112, %parallel_loop3A_113], %parallel_loop3A_111 {strides = array<i32>} : memref<320x128xf32, #tpu.memory_space<vmem>>, vector<16xf32>,
      %parallel_loop3A_115 = tpu.vector_load_idx %arg5[%parallel_loop3A_94, %add3A_23] : memref<33x128xf32, #tpu.memory_space<vmem>>[vector<16xi32>, vector<16xi32>], vector<16xf32>,
      %parallel_loop3A_116 = arith.index_cast %parallel_loop3A_90 : i32 to index
      %parallel_loop3A_117 = arith.constant 80 : index
      %parallel_loop3A_118 = tpu.vector_load %arg7[%parallel_loop3A_116, %parallel_loop3A_117] {strides = array<i32>} : memref<320x128xf32, #tpu.memory_space<vmem>>, vector<16xf32>,
      tpu.vector_store %arg7[%parallel_loop3A_116, %parallel_loop3A_117], %parallel_loop3A_115 {strides = array<i32>} : memref<320x128xf32, #tpu.memory_space<vmem>>, vector<16xf32>,
      %parallel_loop3A_119 = tpu.vector_load_idx %arg5[%parallel_loop3A_94, %add3A_27] : memref<33x128xf32, #tpu.memory_space<vmem>>[vector<16xi32>, vector<16xi32>], vector<16xf32>,
      %parallel_loop3A_120 = arith.index_cast %parallel_loop3A_90 : i32 to index
      %parallel_loop3A_121 = arith.constant 96 : index
      %parallel_loop3A_122 = tpu.vector_load %arg7[%parallel_loop3A_120, %parallel_loop3A_121] {strides = array<i32>} : memref<320x128xf32, #tpu.memory_space<vmem>>, vector<16xf32>,
      tpu.vector_store %arg7[%parallel_loop3A_120, %parallel_loop3A_121], %parallel_loop3A_119 {strides = array<i32>} : memref<320x128xf32, #tpu.memory_space<vmem>>, vector<16xf32>,
      %parallel_loop3A_123 = tpu.vector_load_idx %arg5[%parallel_loop3A_94, %add3A_31] : memref<33x128xf32, #tpu.memory_space<vmem>>[vector<16xi32>, vector<16xi32>], vector<16xf32>,
      %parallel_loop3A_124 = arith.index_cast %parallel_loop3A_90 : i32 to index
      %parallel_loop3A_125 = arith.constant 112 : index
      %parallel_loop3A_126 = tpu.vector_load %arg7[%parallel_loop3A_124, %parallel_loop3A_125] {strides = array<i32>} : memref<320x128xf32, #tpu.memory_space<vmem>>, vector<16xf32>,
      tpu.vector_store %arg7[%parallel_loop3A_124, %parallel_loop3A_125], %parallel_loop3A_123 {strides = array<i32>} : memref<320x128xf32, #tpu.memory_space<vmem>>, vector<16xf32>,
    } {sc.loop_unroll_factor = 8 : i64, sc.parallel_access}
    %dma_start3A = arith.constant 0 : i32
    %dma_start3A_34 = arith.constant 0 : i32
    %dma_start3A_35 = arith.constant 0 : i32
    %dma_start3A_36 = arith.constant 0 : i32
    %dma_start3A_37 = tpu.memref_slice %arg4[%add3A, %dma_start3A, %dma_start3A_35, %dma_start3A_36] : memref<32x80x320x128xf32, #tpu.memory_space<hbm>> -> memref<1x1x320x128xf32, #tpu.memory_space<hbm>>
    %dma_start3A_38 = tpu.memref_squeeze %dma_start3A_37 : memref<1x1x320x128xf32, #tpu.memory_space<hbm>> -> memref<320x128xf32, #tpu.memory_space<hbm>>
    %dma_start3A_39 = tpu.memref_slice %arg9[%dma_start3A_34] : memref<2x!tpu.dma_semaphore, #tpu.memory_space<semaphore_mem>> -> memref<1x!tpu.dma_semaphore, #tpu.memory_space<semaphore_mem>>
    %dma_start3A_40 = tpu.memref_squeeze %dma_start3A_39 : memref<1x!tpu.dma_semaphore, #tpu.memory_space<semaphore_mem>> -> memref<!tpu.dma_semaphore, #tpu.memory_space<semaphore_mem>>
    %dma_start3A_41 = arith.constant 0 : i32
    %dma_start3A_42 = arith.constant 0 : i32
    %dma_start3A_43 = tpu.memref_slice %arg4[%add3A, %dma_start3A, %dma_start3A_41, %dma_start3A_42] : memref<32x80x320x128xf32, #tpu.memory_space<hbm>> -> memref<1x1x320x128xf32, #tpu.memory_space<hbm>>
    %dma_start3A_44 = tpu.memref_squeeze %dma_start3A_43 : memref<1x1x320x128xf32, #tpu.memory_space<hbm>> -> memref<320x128xf32, #tpu.memory_space<hbm>>
    tpu.enqueue_dma source(%arg7 : memref<320x128xf32, #tpu.memory_space<vmem>>) target(%dma_start3A_44 : memref<320x128xf32, #tpu.memory_space<hbm>>) target_semaphore(%dma_start3A_40 : memref<!tpu.dma_semaphore, #tpu.memory_space<semaphore_mem>>)
    %parallel_loop3A_45 = arith.constant 0 : i32
    %parallel_loop3A_46 = arith.constant 320 : i32
    %parallel_loop3A_47 = arith.constant 1 : i32
    scf.for %parallel_loop3A_90 = %parallel_loop3A_45 to %parallel_loop3A_46 step %parallel_loop3A_47  : i32 {
      %parallel_loop3A_91 = arith.constant 320 : i32
      %parallel_loop3A_92 = arith.addi %parallel_loop3A_91, %parallel_loop3A_90 : i32
      %parallel_loop3A_93 = vector.broadcast %parallel_loop3A_92 : i32 to vector<16xi32>
      %parallel_loop3A_94 = tpu.vector_load_idx %arg6[%parallel_loop3A_93] : memref<25600xi32, #tpu.memory_space<vmem>>[vector<16xi32>], vector<16xi32>,
      %parallel_loop3A_95 = tpu.vector_load_idx %arg5[%parallel_loop3A_94, %add3A_3] : memref<33x128xf32, #tpu.memory_space<vmem>>[vector<16xi32>, vector<16xi32>], vector<16xf32>,
      %parallel_loop3A_96 = arith.index_cast %parallel_loop3A_90 : i32 to index
      %parallel_loop3A_97 = arith.constant 0 : index
      %parallel_loop3A_98 = tpu.vector_load %arg8[%parallel_loop3A_96, %parallel_loop3A_97] {strides = array<i32>} : memref<320x128xf32, #tpu.memory_space<vmem>>, vector<16xf32>,
      tpu.vector_store %arg8[%parallel_loop3A_96, %parallel_loop3A_97], %parallel_loop3A_95 {strides = array<i32>} : memref<320x128xf32, #tpu.memory_space<vmem>>, vector<16xf32>,
      %parallel_loop3A_99 = tpu.vector_load_idx %arg5[%parallel_loop3A_94, %add3A_7] : memref<33x128xf32, #tpu.memory_space<vmem>>[vector<16xi32>, vector<16xi32>], vector<16xf32>,
      %parallel_loop3A_100 = arith.index_cast %parallel_loop3A_90 : i32 to index
      %parallel_loop3A_101 = arith.constant 16 : index
      %parallel_loop3A_102 = tpu.vector_load %arg8[%parallel_loop3A_100, %parallel_loop3A_101] {strides = array<i32>} : memref<320x128xf32, #tpu.memory_space<vmem>>, vector<16xf32>,
      tpu.vector_store %arg8[%parallel_loop3A_100, %parallel_loop3A_101], %parallel_loop3A_99 {strides = array<i32>} : memref<320x128xf32, #tpu.memory_space<vmem>>, vector<16xf32>,
      %parallel_loop3A_103 = tpu.vector_load_idx %arg5[%parallel_loop3A_94, %add3A_11] : memref<33x128xf32, #tpu.memory_space<vmem>>[vector<16xi32>, vector<16xi32>], vector<16xf32>,
      %parallel_loop3A_104 = arith.index_cast %parallel_loop3A_90 : i32 to index
      %parallel_loop3A_105 = arith.constant 32 : index
      %parallel_loop3A_106 = tpu.vector_load %arg8[%parallel_loop3A_104, %parallel_loop3A_105] {strides = array<i32>} : memref<320x128xf32, #tpu.memory_space<vmem>>, vector<16xf32>,
      tpu.vector_store %arg8[%parallel_loop3A_104, %parallel_loop3A_105], %parallel_loop3A_103 {strides = array<i32>} : memref<320x128xf32, #tpu.memory_space<vmem>>, vector<16xf32>,
      %parallel_loop3A_107 = tpu.vector_load_idx %arg5[%parallel_loop3A_94, %add3A_15] : memref<33x128xf32, #tpu.memory_space<vmem>>[vector<16xi32>, vector<16xi32>], vector<16xf32>,
      %parallel_loop3A_108 = arith.index_cast %parallel_loop3A_90 : i32 to index
      %parallel_loop3A_109 = arith.constant 48 : index
      %parallel_loop3A_110 = tpu.vector_load %arg8[%parallel_loop3A_108, %parallel_loop3A_109] {strides = array<i32>} : memref<320x128xf32, #tpu.memory_space<vmem>>, vector<16xf32>,
      tpu.vector_store %arg8[%parallel_loop3A_108, %parallel_loop3A_109], %parallel_loop3A_107 {strides = array<i32>} : memref<320x128xf32, #tpu.memory_space<vmem>>, vector<16xf32>,
      %parallel_loop3A_111 = tpu.vector_load_idx %arg5[%parallel_loop3A_94, %add3A_19] : memref<33x128xf32, #tpu.memory_space<vmem>>[vector<16xi32>, vector<16xi32>], vector<16xf32>,
      %parallel_loop3A_112 = arith.index_cast %parallel_loop3A_90 : i32 to index
      %parallel_loop3A_113 = arith.constant 64 : index
      %parallel_loop3A_114 = tpu.vector_load %arg8[%parallel_loop3A_112, %parallel_loop3A_113] {strides = array<i32>} : memref<320x128xf32, #tpu.memory_space<vmem>>, vector<16xf32>,
      tpu.vector_store %arg8[%parallel_loop3A_112, %parallel_loop3A_113], %parallel_loop3A_111 {strides = array<i32>} : memref<320x128xf32, #tpu.memory_space<vmem>>, vector<16xf32>,
      %parallel_loop3A_115 = tpu.vector_load_idx %arg5[%parallel_loop3A_94, %add3A_23] : memref<33x128xf32, #tpu.memory_space<vmem>>[vector<16xi32>, vector<16xi32>], vector<16xf32>,
      %parallel_loop3A_116 = arith.index_cast %parallel_loop3A_90 : i32 to index
      %parallel_loop3A_117 = arith.constant 80 : index
      %parallel_loop3A_118 = tpu.vector_load %arg8[%parallel_loop3A_116, %parallel_loop3A_117] {strides = array<i32>} : memref<320x128xf32, #tpu.memory_space<vmem>>, vector<16xf32>,
      tpu.vector_store %arg8[%parallel_loop3A_116, %parallel_loop3A_117], %parallel_loop3A_115 {strides = array<i32>} : memref<320x128xf32, #tpu.memory_space<vmem>>, vector<16xf32>,
      %parallel_loop3A_119 = tpu.vector_load_idx %arg5[%parallel_loop3A_94, %add3A_27] : memref<33x128xf32, #tpu.memory_space<vmem>>[vector<16xi32>, vector<16xi32>], vector<16xf32>,
      %parallel_loop3A_120 = arith.index_cast %parallel_loop3A_90 : i32 to index
      %parallel_loop3A_121 = arith.constant 96 : index
      %parallel_loop3A_122 = tpu.vector_load %arg8[%parallel_loop3A_120, %parallel_loop3A_121] {strides = array<i32>} : memref<320x128xf32, #tpu.memory_space<vmem>>, vector<16xf32>,
      tpu.vector_store %arg8[%parallel_loop3A_120, %parallel_loop3A_121], %parallel_loop3A_119 {strides = array<i32>} : memref<320x128xf32, #tpu.memory_space<vmem>>, vector<16xf32>,
      %parallel_loop3A_123 = tpu.vector_load_idx %arg5[%parallel_loop3A_94, %add3A_31] : memref<33x128xf32, #tpu.memory_space<vmem>>[vector<16xi32>, vector<16xi32>], vector<16xf32>,
      %parallel_loop3A_124 = arith.index_cast %parallel_loop3A_90 : i32 to index
      %parallel_loop3A_125 = arith.constant 112 : index
      %parallel_loop3A_126 = tpu.vector_load %arg8[%parallel_loop3A_124, %parallel_loop3A_125] {strides = array<i32>} : memref<320x128xf32, #tpu.memory_space<vmem>>, vector<16xf32>,
      tpu.vector_store %arg8[%parallel_loop3A_124, %parallel_loop3A_125], %parallel_loop3A_123 {strides = array<i32>} : memref<320x128xf32, #tpu.memory_space<vmem>>, vector<16xf32>,
    } {sc.loop_unroll_factor = 8 : i64, sc.parallel_access}
    %dma_start3A_48 = arith.constant 1 : i32
    %dma_start3A_49 = arith.constant 1 : i32
    %dma_start3A_50 = arith.constant 0 : i32
    %dma_start3A_51 = arith.constant 0 : i32
    %dma_start3A_52 = tpu.memref_slice %arg4[%add3A, %dma_start3A_48, %dma_start3A_50, %dma_start3A_51] : memref<32x80x320x128xf32, #tpu.memory_space<hbm>> -> memref<1x1x320x128xf32, #tpu.memory_space<hbm>>
    %dma_start3A_53 = tpu.memref_squeeze %dma_start3A_52 : memref<1x1x320x128xf32, #tpu.memory_space<hbm>> -> memref<320x128xf32, #tpu.memory_space<hbm>>
    %dma_start3A_54 = tpu.memref_slice %arg9[%dma_start3A_49] : memref<2x!tpu.dma_semaphore, #tpu.memory_space<semaphore_mem>> -> memref<1x!tpu.dma_semaphore, #tpu.memory_space<semaphore_mem>>
    %dma_start3A_55 = tpu.memref_squeeze %dma_start3A_54 : memref<1x!tpu.dma_semaphore, #tpu.memory_space<semaphore_mem>> -> memref<!tpu.dma_semaphore, #tpu.memory_space<semaphore_mem>>
    %dma_start3A_56 = arith.constant 0 : i32
    %dma_start3A_57 = arith.constant 0 : i32
    %dma_start3A_58 = tpu.memref_slice %arg4[%add3A, %dma_start3A_48, %dma_start3A_56, %dma_start3A_57] : memref<32x80x320x128xf32, #tpu.memory_space<hbm>> -> memref<1x1x320x128xf32, #tpu.memory_space<hbm>>
    %dma_start3A_59 = tpu.memref_squeeze %dma_start3A_58 : memref<1x1x320x128xf32, #tpu.memory_space<hbm>> -> memref<320x128xf32, #tpu.memory_space<hbm>>
    tpu.enqueue_dma source(%arg8 : memref<320x128xf32, #tpu.memory_space<vmem>>) target(%dma_start3A_59 : memref<320x128xf32, #tpu.memory_space<hbm>>) target_semaphore(%dma_start3A_55 : memref<!tpu.dma_semaphore, #tpu.memory_space<semaphore_mem>>)
    %scan3A = arith.constant 0 : i32
    %scan3A_60 = arith.constant 0 : i32
    %scan3A_61 = arith.constant 39 : i32
    %scan3A_62 = arith.addi %scan3A_60, %scan3A_61 : i32
    %scan3A_63 = arith.constant 1 : i32
    scf.for %scan3A_90 = %scan3A_60 to %scan3A_62 step %scan3A_63  : i32 {
      %dma_wait3A_91 = arith.constant 0 : i32
      %dma_wait3A_92 = arith.constant 0 : i32
      %dma_wait3A_93 = arith.constant 0 : i32
      %dma_wait3A_94 = arith.constant 0 : i32
      %dma_wait3A_95 = arith.constant 0 : i32
      %dma_wait3A_96 = tpu.memref_slice %arg4[%dma_wait3A_91, %dma_wait3A_92, %dma_wait3A_94, %dma_wait3A_95] : memref<32x80x320x128xf32, #tpu.memory_space<hbm>> -> memref<1x1x320x128xf32, #tpu.memory_space<hbm>>
      %dma_wait3A_97 = tpu.memref_squeeze %dma_wait3A_96 : memref<1x1x320x128xf32, #tpu.memory_space<hbm>> -> memref<320x128xf32, #tpu.memory_space<hbm>>
      %dma_wait3A_98 = tpu.memref_slice %arg9[%dma_wait3A_93] : memref<2x!tpu.dma_semaphore, #tpu.memory_space<semaphore_mem>> -> memref<1x!tpu.dma_semaphore, #tpu.memory_space<semaphore_mem>>
      %dma_wait3A_99 = tpu.memref_squeeze %dma_wait3A_98 : memref<1x!tpu.dma_semaphore, #tpu.memory_space<semaphore_mem>> -> memref<!tpu.dma_semaphore, #tpu.memory_space<semaphore_mem>>
      %dma_wait3A_100 = arith.constant 0 : i32
      %dma_wait3A_101 = arith.constant 0 : i32
      %dma_wait3A_102 = tpu.memref_slice %arg4[%dma_wait3A_91, %dma_wait3A_92, %dma_wait3A_100, %dma_wait3A_101] : memref<32x80x320x128xf32, #tpu.memory_space<hbm>> -> memref<1x1x320x128xf32, #tpu.memory_space<hbm>>
      %dma_wait3A_103 = tpu.memref_squeeze %dma_wait3A_102 : memref<1x1x320x128xf32, #tpu.memory_space<hbm>> -> memref<320x128xf32, #tpu.memory_space<hbm>>
      tpu.wait_dma2 semaphore(%dma_wait3A_99 : memref<!tpu.dma_semaphore, #tpu.memory_space<semaphore_mem>>) src(%arg7 : memref<320x128xf32, #tpu.memory_space<vmem>>) dst(%dma_wait3A_103 : memref<320x128xf32, #tpu.memory_space<hbm>>)
      %add3A_104 = arith.constant 1 : i32
      %add3A_105 = arith.addi %scan3A_90, %add3A_104 : i32
      %mul3A_106 = arith.constant 2 : i32
      %mul3A_107 = arith.muli %add3A_105, %mul3A_106 : i32
      %add3A_108 = arith.constant 0 : i32
      %add3A_109 = arith.addi %mul3A_107, %add3A_108 : i32
      %mul3A_110 = arith.constant 320 : i32
      %mul3A_111 = arith.muli %add3A_109, %mul3A_110 : i32
      %parallel_loop3A_112 = arith.constant 0 : i32
      %parallel_loop3A_113 = arith.constant 320 : i32
      %parallel_loop3A_114 = arith.constant 1 : i32
      scf.for %parallel_loop3A_161 = %parallel_loop3A_112 to %parallel_loop3A_113 step %parallel_loop3A_114  : i32 {
        %parallel_loop3A_162 = arith.addi %mul3A_111, %parallel_loop3A_161 : i32
        %parallel_loop3A_163 = vector.broadcast %parallel_loop3A_162 : i32 to vector<16xi32>
        %parallel_loop3A_164 = tpu.vector_load_idx %arg6[%parallel_loop3A_163] : memref<25600xi32, #tpu.memory_space<vmem>>[vector<16xi32>], vector<16xi32>,
        %parallel_loop3A_165 = tpu.vector_load_idx %arg5[%parallel_loop3A_164, %add3A_3] : memref<33x128xf32, #tpu.memory_space<vmem>>[vector<16xi32>, vector<16xi32>], vector<16xf32>,
        %parallel_loop3A_166 = arith.index_cast %parallel_loop3A_161 : i32 to index
        %parallel_loop3A_167 = arith.constant 0 : index
        %parallel_loop3A_168 = tpu.vector_load %arg7[%parallel_loop3A_166, %parallel_loop3A_167] {strides = array<i32>} : memref<320x128xf32, #tpu.memory_space<vmem>>, vector<16xf32>,
        tpu.vector_store %arg7[%parallel_loop3A_166, %parallel_loop3A_167], %parallel_loop3A_165 {strides = array<i32>} : memref<320x128xf32, #tpu.memory_space<vmem>>, vector<16xf32>,
        %parallel_loop3A_169 = tpu.vector_load_idx %arg5[%parallel_loop3A_164, %add3A_7] : memref<33x128xf32, #tpu.memory_space<vmem>>[vector<16xi32>, vector<16xi32>], vector<16xf32>,
        %parallel_loop3A_170 = arith.index_cast %parallel_loop3A_161 : i32 to index
        %parallel_loop3A_171 = arith.constant 16 : index
        %parallel_loop3A_172 = tpu.vector_load %arg7[%parallel_loop3A_170, %parallel_loop3A_171] {strides = array<i32>} : memref<320x128xf32, #tpu.memory_space<vmem>>, vector<16xf32>,
        tpu.vector_store %arg7[%parallel_loop3A_170, %parallel_loop3A_171], %parallel_loop3A_169 {strides = array<i32>} : memref<320x128xf32, #tpu.memory_space<vmem>>, vector<16xf32>,
        %parallel_loop3A_173 = tpu.vector_load_idx %arg5[%parallel_loop3A_164, %add3A_11] : memref<33x128xf32, #tpu.memory_space<vmem>>[vector<16xi32>, vector<16xi32>], vector<16xf32>,
        %parallel_loop3A_174 = arith.index_cast %parallel_loop3A_161 : i32 to index
        %parallel_loop3A_175 = arith.constant 32 : index
        %parallel_loop3A_176 = tpu.vector_load %arg7[%parallel_loop3A_174, %parallel_loop3A_175] {strides = array<i32>} : memref<320x128xf32, #tpu.memory_space<vmem>>, vector<16xf32>,
        tpu.vector_store %arg7[%parallel_loop3A_174, %parallel_loop3A_175], %parallel_loop3A_173 {strides = array<i32>} : memref<320x128xf32, #tpu.memory_space<vmem>>, vector<16xf32>,
        %parallel_loop3A_177 = tpu.vector_load_idx %arg5[%parallel_loop3A_164, %add3A_15] : memref<33x128xf32, #tpu.memory_space<vmem>>[vector<16xi32>, vector<16xi32>], vector<16xf32>,
        %parallel_loop3A_178 = arith.index_cast %parallel_loop3A_161 : i32 to index
        %parallel_loop3A_179 = arith.constant 48 : index
        %parallel_loop3A_180 = tpu.vector_load %arg7[%parallel_loop3A_178, %parallel_loop3A_179] {strides = array<i32>} : memref<320x128xf32, #tpu.memory_space<vmem>>, vector<16xf32>,
        tpu.vector_store %arg7[%parallel_loop3A_178, %parallel_loop3A_179], %parallel_loop3A_177 {strides = array<i32>} : memref<320x128xf32, #tpu.memory_space<vmem>>, vector<16xf32>,
        %parallel_loop3A_181 = tpu.vector_load_idx %arg5[%parallel_loop3A_164, %add3A_19] : memref<33x128xf32, #tpu.memory_space<vmem>>[vector<16xi32>, vector<16xi32>], vector<16xf32>,
        %parallel_loop3A_182 = arith.index_cast %parallel_loop3A_161 : i32 to index
        %parallel_loop3A_183 = arith.constant 64 : index
        %parallel_loop3A_184 = tpu.vector_load %arg7[%parallel_loop3A_182, %parallel_loop3A_183] {strides = array<i32>} : memref<320x128xf32, #tpu.memory_space<vmem>>, vector<16xf32>,
        tpu.vector_store %arg7[%parallel_loop3A_182, %parallel_loop3A_183], %parallel_loop3A_181 {strides = array<i32>} : memref<320x128xf32, #tpu.memory_space<vmem>>, vector<16xf32>,
        %parallel_loop3A_185 = tpu.vector_load_idx %arg5[%parallel_loop3A_164, %add3A_23] : memref<33x128xf32, #tpu.memory_space<vmem>>[vector<16xi32>, vector<16xi32>], vector<16xf32>,
        %parallel_loop3A_186 = arith.index_cast %parallel_loop3A_161 : i32 to index
        %parallel_loop3A_187 = arith.constant 80 : index
        %parallel_loop3A_188 = tpu.vector_load %arg7[%parallel_loop3A_186, %parallel_loop3A_187] {strides = array<i32>} : memref<320x128xf32, #tpu.memory_space<vmem>>, vector<16xf32>,
        tpu.vector_store %arg7[%parallel_loop3A_186, %parallel_loop3A_187], %parallel_loop3A_185 {strides = array<i32>} : memref<320x128xf32, #tpu.memory_space<vmem>>, vector<16xf32>,
        %parallel_loop3A_189 = tpu.vector_load_idx %arg5[%parallel_loop3A_164, %add3A_27] : memref<33x128xf32, #tpu.memory_space<vmem>>[vector<16xi32>, vector<16xi32>], vector<16xf32>,
        %parallel_loop3A_190 = arith.index_cast %parallel_loop3A_161 : i32 to index
        %parallel_loop3A_191 = arith.constant 96 : index
        %parallel_loop3A_192 = tpu.vector_load %arg7[%parallel_loop3A_190, %parallel_loop3A_191] {strides = array<i32>} : memref<320x128xf32, #tpu.memory_space<vmem>>, vector<16xf32>,
        tpu.vector_store %arg7[%parallel_loop3A_190, %parallel_loop3A_191], %parallel_loop3A_189 {strides = array<i32>} : memref<320x128xf32, #tpu.memory_space<vmem>>, vector<16xf32>,
        %parallel_loop3A_193 = tpu.vector_load_idx %arg5[%parallel_loop3A_164, %add3A_31] : memref<33x128xf32, #tpu.memory_space<vmem>>[vector<16xi32>, vector<16xi32>], vector<16xf32>,
        %parallel_loop3A_194 = arith.index_cast %parallel_loop3A_161 : i32 to index
        %parallel_loop3A_195 = arith.constant 112 : index
        %parallel_loop3A_196 = tpu.vector_load %arg7[%parallel_loop3A_194, %parallel_loop3A_195] {strides = array<i32>} : memref<320x128xf32, #tpu.memory_space<vmem>>, vector<16xf32>,
        tpu.vector_store %arg7[%parallel_loop3A_194, %parallel_loop3A_195], %parallel_loop3A_193 {strides = array<i32>} : memref<320x128xf32, #tpu.memory_space<vmem>>, vector<16xf32>,
      } {sc.loop_unroll_factor = 8 : i64, sc.parallel_access}
      %dma_start3A_115 = arith.constant 0 : i32
      %dma_start3A_116 = arith.constant 0 : i32
      %dma_start3A_117 = arith.constant 0 : i32
      %dma_start3A_118 = tpu.memref_slice %arg4[%add3A, %add3A_109, %dma_start3A_116, %dma_start3A_117] : memref<32x80x320x128xf32, #tpu.memory_space<hbm>> -> memref<1x1x320x128xf32, #tpu.memory_space<hbm>>
      %dma_start3A_119 = tpu.memref_squeeze %dma_start3A_118 : memref<1x1x320x128xf32, #tpu.memory_space<hbm>> -> memref<320x128xf32, #tpu.memory_space<hbm>>
      %dma_start3A_120 = tpu.memref_slice %arg9[%dma_start3A_115] : memref<2x!tpu.dma_semaphore, #tpu.memory_space<semaphore_mem>> -> memref<1x!tpu.dma_semaphore, #tpu.memory_space<semaphore_mem>>
      %dma_start3A_121 = tpu.memref_squeeze %dma_start3A_120 : memref<1x!tpu.dma_semaphore, #tpu.memory_space<semaphore_mem>> -> memref<!tpu.dma_semaphore, #tpu.memory_space<semaphore_mem>>
      %dma_start3A_122 = arith.constant 0 : i32
      %dma_start3A_123 = arith.constant 0 : i32
      %dma_start3A_124 = tpu.memref_slice %arg4[%add3A, %add3A_109, %dma_start3A_122, %dma_start3A_123] : memref<32x80x320x128xf32, #tpu.memory_space<hbm>> -> memref<1x1x320x128xf32, #tpu.memory_space<hbm>>
      %dma_start3A_125 = tpu.memref_squeeze %dma_start3A_124 : memref<1x1x320x128xf32, #tpu.memory_space<hbm>> -> memref<320x128xf32, #tpu.memory_space<hbm>>
      tpu.enqueue_dma source(%arg7 : memref<320x128xf32, #tpu.memory_space<vmem>>) target(%dma_start3A_125 : memref<320x128xf32, #tpu.memory_space<hbm>>) target_semaphore(%dma_start3A_121 : memref<!tpu.dma_semaphore, #tpu.memory_space<semaphore_mem>>)
      %dma_wait3A_126 = arith.constant 0 : i32
      %dma_wait3A_127 = arith.constant 0 : i32
      %dma_wait3A_128 = arith.constant 1 : i32
      %dma_wait3A_129 = arith.constant 0 : i32
      %dma_wait3A_130 = arith.constant 0 : i32
      %dma_wait3A_131 = tpu.memref_slice %arg4[%dma_wait3A_126, %dma_wait3A_127, %dma_wait3A_129, %dma_wait3A_130] : memref<32x80x320x128xf32, #tpu.memory_space<hbm>> -> memref<1x1x320x128xf32, #tpu.memory_space<hbm>>
      %dma_wait3A_132 = tpu.memref_squeeze %dma_wait3A_131 : memref<1x1x320x128xf32, #tpu.memory_space<hbm>> -> memref<320x128xf32, #tpu.memory_space<hbm>>
      %dma_wait3A_133 = tpu.memref_slice %arg9[%dma_wait3A_128] : memref<2x!tpu.dma_semaphore, #tpu.memory_space<semaphore_mem>> -> memref<1x!tpu.dma_semaphore, #tpu.memory_space<semaphore_mem>>
      %dma_wait3A_134 = tpu.memref_squeeze %dma_wait3A_133 : memref<1x!tpu.dma_semaphore, #tpu.memory_space<semaphore_mem>> -> memref<!tpu.dma_semaphore, #tpu.memory_space<semaphore_mem>>
      %dma_wait3A_135 = arith.constant 0 : i32
      %dma_wait3A_136 = arith.constant 0 : i32
      %dma_wait3A_137 = tpu.memref_slice %arg4[%dma_wait3A_126, %dma_wait3A_127, %dma_wait3A_135, %dma_wait3A_136] : memref<32x80x320x128xf32, #tpu.memory_space<hbm>> -> memref<1x1x320x128xf32, #tpu.memory_space<hbm>>
      %dma_wait3A_138 = tpu.memref_squeeze %dma_wait3A_137 : memref<1x1x320x128xf32, #tpu.memory_space<hbm>> -> memref<320x128xf32, #tpu.memory_space<hbm>>
      tpu.wait_dma2 semaphore(%dma_wait3A_134 : memref<!tpu.dma_semaphore, #tpu.memory_space<semaphore_mem>>) src(%arg8 : memref<320x128xf32, #tpu.memory_space<vmem>>) dst(%dma_wait3A_138 : memref<320x128xf32, #tpu.memory_space<hbm>>)
      %add3A_139 = arith.constant 1 : i32
      %add3A_140 = arith.addi %scan3A_90, %add3A_139 : i32
      %mul3A_141 = arith.constant 2 : i32
      %mul3A_142 = arith.muli %add3A_140, %mul3A_141 : i32
      %add3A_143 = arith.constant 1 : i32
      %add3A_144 = arith.addi %mul3A_142, %add3A_143 : i32
      %mul3A_145 = arith.constant 320 : i32
      %mul3A_146 = arith.muli %add3A_144, %mul3A_145 : i32
      %parallel_loop3A_147 = arith.constant 0 : i32
      %parallel_loop3A_148 = arith.constant 320 : i32
      %parallel_loop3A_149 = arith.constant 1 : i32
      scf.for %parallel_loop3A_161 = %parallel_loop3A_147 to %parallel_loop3A_148 step %parallel_loop3A_149  : i32 {
        %parallel_loop3A_162 = arith.addi %mul3A_146, %parallel_loop3A_161 : i32
        %parallel_loop3A_163 = vector.broadcast %parallel_loop3A_162 : i32 to vector<16xi32>
        %parallel_loop3A_164 = tpu.vector_load_idx %arg6[%parallel_loop3A_163] : memref<25600xi32, #tpu.memory_space<vmem>>[vector<16xi32>], vector<16xi32>,
        %parallel_loop3A_165 = tpu.vector_load_idx %arg5[%parallel_loop3A_164, %add3A_3] : memref<33x128xf32, #tpu.memory_space<vmem>>[vector<16xi32>, vector<16xi32>], vector<16xf32>,
        %parallel_loop3A_166 = arith.index_cast %parallel_loop3A_161 : i32 to index
        %parallel_loop3A_167 = arith.constant 0 : index
        %parallel_loop3A_168 = tpu.vector_load %arg8[%parallel_loop3A_166, %parallel_loop3A_167] {strides = array<i32>} : memref<320x128xf32, #tpu.memory_space<vmem>>, vector<16xf32>,
        tpu.vector_store %arg8[%parallel_loop3A_166, %parallel_loop3A_167], %parallel_loop3A_165 {strides = array<i32>} : memref<320x128xf32, #tpu.memory_space<vmem>>, vector<16xf32>,
        %parallel_loop3A_169 = tpu.vector_load_idx %arg5[%parallel_loop3A_164, %add3A_7] : memref<33x128xf32, #tpu.memory_space<vmem>>[vector<16xi32>, vector<16xi32>], vector<16xf32>,
        %parallel_loop3A_170 = arith.index_cast %parallel_loop3A_161 : i32 to index
        %parallel_loop3A_171 = arith.constant 16 : index
        %parallel_loop3A_172 = tpu.vector_load %arg8[%parallel_loop3A_170, %parallel_loop3A_171] {strides = array<i32>} : memref<320x128xf32, #tpu.memory_space<vmem>>, vector<16xf32>,
        tpu.vector_store %arg8[%parallel_loop3A_170, %parallel_loop3A_171], %parallel_loop3A_169 {strides = array<i32>} : memref<320x128xf32, #tpu.memory_space<vmem>>, vector<16xf32>,
        %parallel_loop3A_173 = tpu.vector_load_idx %arg5[%parallel_loop3A_164, %add3A_11] : memref<33x128xf32, #tpu.memory_space<vmem>>[vector<16xi32>, vector<16xi32>], vector<16xf32>,
        %parallel_loop3A_174 = arith.index_cast %parallel_loop3A_161 : i32 to index
        %parallel_loop3A_175 = arith.constant 32 : index
        %parallel_loop3A_176 = tpu.vector_load %arg8[%parallel_loop3A_174, %parallel_loop3A_175] {strides = array<i32>} : memref<320x128xf32, #tpu.memory_space<vmem>>, vector<16xf32>,
        tpu.vector_store %arg8[%parallel_loop3A_174, %parallel_loop3A_175], %parallel_loop3A_173 {strides = array<i32>} : memref<320x128xf32, #tpu.memory_space<vmem>>, vector<16xf32>,
        %parallel_loop3A_177 = tpu.vector_load_idx %arg5[%parallel_loop3A_164, %add3A_15] : memref<33x128xf32, #tpu.memory_space<vmem>>[vector<16xi32>, vector<16xi32>], vector<16xf32>,
        %parallel_loop3A_178 = arith.index_cast %parallel_loop3A_161 : i32 to index
        %parallel_loop3A_179 = arith.constant 48 : index
        %parallel_loop3A_180 = tpu.vector_load %arg8[%parallel_loop3A_178, %parallel_loop3A_179] {strides = array<i32>} : memref<320x128xf32, #tpu.memory_space<vmem>>, vector<16xf32>,
        tpu.vector_store %arg8[%parallel_loop3A_178, %parallel_loop3A_179], %parallel_loop3A_177 {strides = array<i32>} : memref<320x128xf32, #tpu.memory_space<vmem>>, vector<16xf32>,
        %parallel_loop3A_181 = tpu.vector_load_idx %arg5[%parallel_loop3A_164, %add3A_19] : memref<33x128xf32, #tpu.memory_space<vmem>>[vector<16xi32>, vector<16xi32>], vector<16xf32>,
        %parallel_loop3A_182 = arith.index_cast %parallel_loop3A_161 : i32 to index
        %parallel_loop3A_183 = arith.constant 64 : index
        %parallel_loop3A_184 = tpu.vector_load %arg8[%parallel_loop3A_182, %parallel_loop3A_183] {strides = array<i32>} : memref<320x128xf32, #tpu.memory_space<vmem>>, vector<16xf32>,
        tpu.vector_store %arg8[%parallel_loop3A_182, %parallel_loop3A_183], %parallel_loop3A_181 {strides = array<i32>} : memref<320x128xf32, #tpu.memory_space<vmem>>, vector<16xf32>,
        %parallel_loop3A_185 = tpu.vector_load_idx %arg5[%parallel_loop3A_164, %add3A_23] : memref<33x128xf32, #tpu.memory_space<vmem>>[vector<16xi32>, vector<16xi32>], vector<16xf32>,
        %parallel_loop3A_186 = arith.index_cast %parallel_loop3A_161 : i32 to index
        %parallel_loop3A_187 = arith.constant 80 : index
        %parallel_loop3A_188 = tpu.vector_load %arg8[%parallel_loop3A_186, %parallel_loop3A_187] {strides = array<i32>} : memref<320x128xf32, #tpu.memory_space<vmem>>, vector<16xf32>,
        tpu.vector_store %arg8[%parallel_loop3A_186, %parallel_loop3A_187], %parallel_loop3A_185 {strides = array<i32>} : memref<320x128xf32, #tpu.memory_space<vmem>>, vector<16xf32>,
        %parallel_loop3A_189 = tpu.vector_load_idx %arg5[%parallel_loop3A_164, %add3A_27] : memref<33x128xf32, #tpu.memory_space<vmem>>[vector<16xi32>, vector<16xi32>], vector<16xf32>,
        %parallel_loop3A_190 = arith.index_cast %parallel_loop3A_161 : i32 to index
        %parallel_loop3A_191 = arith.constant 96 : index
        %parallel_loop3A_192 = tpu.vector_load %arg8[%parallel_loop3A_190, %parallel_loop3A_191] {strides = array<i32>} : memref<320x128xf32, #tpu.memory_space<vmem>>, vector<16xf32>,
        tpu.vector_store %arg8[%parallel_loop3A_190, %parallel_loop3A_191], %parallel_loop3A_189 {strides = array<i32>} : memref<320x128xf32, #tpu.memory_space<vmem>>, vector<16xf32>,
        %parallel_loop3A_193 = tpu.vector_load_idx %arg5[%parallel_loop3A_164, %add3A_31] : memref<33x128xf32, #tpu.memory_space<vmem>>[vector<16xi32>, vector<16xi32>], vector<16xf32>,
        %parallel_loop3A_194 = arith.index_cast %parallel_loop3A_161 : i32 to index
        %parallel_loop3A_195 = arith.constant 112 : index
        %parallel_loop3A_196 = tpu.vector_load %arg8[%parallel_loop3A_194, %parallel_loop3A_195] {strides = array<i32>} : memref<320x128xf32, #tpu.memory_space<vmem>>, vector<16xf32>,
        tpu.vector_store %arg8[%parallel_loop3A_194, %parallel_loop3A_195], %parallel_loop3A_193 {strides = array<i32>} : memref<320x128xf32, #tpu.memory_space<vmem>>, vector<16xf32>,
      } {sc.loop_unroll_factor = 8 : i64, sc.parallel_access}
      %dma_start3A_150 = arith.constant 1 : i32
      %dma_start3A_151 = arith.constant 0 : i32
      %dma_start3A_152 = arith.constant 0 : i32
      %dma_start3A_153 = tpu.memref_slice %arg4[%add3A, %add3A_144, %dma_start3A_151, %dma_start3A_152] : memref<32x80x320x128xf32, #tpu.memory_space<hbm>> -> memref<1x1x320x128xf32, #tpu.memory_space<hbm>>
      %dma_start3A_154 = tpu.memref_squeeze %dma_start3A_153 : memref<1x1x320x128xf32, #tpu.memory_space<hbm>> -> memref<320x128xf32, #tpu.memory_space<hbm>>
      %dma_start3A_155 = tpu.memref_slice %arg9[%dma_start3A_150] : memref<2x!tpu.dma_semaphore, #tpu.memory_space<semaphore_mem>> -> memref<1x!tpu.dma_semaphore, #tpu.memory_space<semaphore_mem>>
      %dma_start3A_156 = tpu.memref_squeeze %dma_start3A_155 : memref<1x!tpu.dma_semaphore, #tpu.memory_space<semaphore_mem>> -> memref<!tpu.dma_semaphore, #tpu.memory_space<semaphore_mem>>
      %dma_start3A_157 = arith.constant 0 : i32
      %dma_start3A_158 = arith.constant 0 : i32
      %dma_start3A_159 = tpu.memref_slice %arg4[%add3A, %add3A_144, %dma_start3A_157, %dma_start3A_158] : memref<32x80x320x128xf32, #tpu.memory_space<hbm>> -> memref<1x1x320x128xf32, #tpu.memory_space<hbm>>
      %dma_start3A_160 = tpu.memref_squeeze %dma_start3A_159 : memref<1x1x320x128xf32, #tpu.memory_space<hbm>> -> memref<320x128xf32, #tpu.memory_space<hbm>>
      tpu.enqueue_dma source(%arg8 : memref<320x128xf32, #tpu.memory_space<vmem>>) target(%dma_start3A_160 : memref<320x128xf32, #tpu.memory_space<hbm>>) target_semaphore(%dma_start3A_156 : memref<!tpu.dma_semaphore, #tpu.memory_space<semaphore_mem>>)
    }
    %scan3A_64 = arith.constant 39 : i32
    %dma_wait3A = arith.constant 0 : i32
    %dma_wait3A_65 = arith.constant 0 : i32
    %dma_wait3A_66 = arith.constant 0 : i32
    %dma_wait3A_67 = arith.constant 0 : i32
    %dma_wait3A_68 = arith.constant 0 : i32
    %dma_wait3A_69 = tpu.memref_slice %arg4[%dma_wait3A, %dma_wait3A_65, %dma_wait3A_67, %dma_wait3A_68] : memref<32x80x320x128xf32, #tpu.memory_space<hbm>> -> memref<1x1x320x128xf32, #tpu.memory_space<hbm>>
    %dma_wait3A_70 = tpu.memref_squeeze %dma_wait3A_69 : memref<1x1x320x128xf32, #tpu.memory_space<hbm>> -> memref<320x128xf32, #tpu.memory_space<hbm>>
    %dma_wait3A_71 = tpu.memref_slice %arg9[%dma_wait3A_66] : memref<2x!tpu.dma_semaphore, #tpu.memory_space<semaphore_mem>> -> memref<1x!tpu.dma_semaphore, #tpu.memory_space<semaphore_mem>>
    %dma_wait3A_72 = tpu.memref_squeeze %dma_wait3A_71 : memref<1x!tpu.dma_semaphore, #tpu.memory_space<semaphore_mem>> -> memref<!tpu.dma_semaphore, #tpu.memory_space<semaphore_mem>>
    %dma_wait3A_73 = arith.constant 0 : i32
    %dma_wait3A_74 = arith.constant 0 : i32
    %dma_wait3A_75 = tpu.memref_slice %arg4[%dma_wait3A, %dma_wait3A_65, %dma_wait3A_73, %dma_wait3A_74] : memref<32x80x320x128xf32, #tpu.memory_space<hbm>> -> memref<1x1x320x128xf32, #tpu.memory_space<hbm>>
    %dma_wait3A_76 = tpu.memref_squeeze %dma_wait3A_75 : memref<1x1x320x128xf32, #tpu.memory_space<hbm>> -> memref<320x128xf32, #tpu.memory_space<hbm>>
    tpu.wait_dma2 semaphore(%dma_wait3A_72 : memref<!tpu.dma_semaphore, #tpu.memory_space<semaphore_mem>>) src(%arg7 : memref<320x128xf32, #tpu.memory_space<vmem>>) dst(%dma_wait3A_76 : memref<320x128xf32, #tpu.memory_space<hbm>>)
    %dma_wait3A_77 = arith.constant 0 : i32
    %dma_wait3A_78 = arith.constant 0 : i32
    %dma_wait3A_79 = arith.constant 1 : i32
    %dma_wait3A_80 = arith.constant 0 : i32
    %dma_wait3A_81 = arith.constant 0 : i32
    %dma_wait3A_82 = tpu.memref_slice %arg4[%dma_wait3A_77, %dma_wait3A_78, %dma_wait3A_80, %dma_wait3A_81] : memref<32x80x320x128xf32, #tpu.memory_space<hbm>> -> memref<1x1x320x128xf32, #tpu.memory_space<hbm>>
    %dma_wait3A_83 = tpu.memref_squeeze %dma_wait3A_82 : memref<1x1x320x128xf32, #tpu.memory_space<hbm>> -> memref<320x128xf32, #tpu.memory_space<hbm>>
    %dma_wait3A_84 = tpu.memref_slice %arg9[%dma_wait3A_79] : memref<2x!tpu.dma_semaphore, #tpu.memory_space<semaphore_mem>> -> memref<1x!tpu.dma_semaphore, #tpu.memory_space<semaphore_mem>>
    %dma_wait3A_85 = tpu.memref_squeeze %dma_wait3A_84 : memref<1x!tpu.dma_semaphore, #tpu.memory_space<semaphore_mem>> -> memref<!tpu.dma_semaphore, #tpu.memory_space<semaphore_mem>>
    %dma_wait3A_86 = arith.constant 0 : i32
    %dma_wait3A_87 = arith.constant 0 : i32
    %dma_wait3A_88 = tpu.memref_slice %arg4[%dma_wait3A_77, %dma_wait3A_78, %dma_wait3A_86, %dma_wait3A_87] : memref<32x80x320x128xf32, #tpu.memory_space<hbm>> -> memref<1x1x320x128xf32, #tpu.memory_space<hbm>>
    %dma_wait3A_89 = tpu.memref_squeeze %dma_wait3A_88 : memref<1x1x320x128xf32, #tpu.memory_space<hbm>> -> memref<320x128xf32, #tpu.memory_space<hbm>>
    tpu.wait_dma2 semaphore(%dma_wait3A_85 : memref<!tpu.dma_semaphore, #tpu.memory_space<semaphore_mem>>) src(%arg8 : memref<320x128xf32, #tpu.memory_space<vmem>>) dst(%dma_wait3A_89 : memref<320x128xf32, #tpu.memory_space<hbm>>)
    return
  }
}

</mosaic_0001>

<sc_bundles>
// kernel: kernel.3.cloned.1.call-start
scs
__scs_entry_jumppad:
0x0: {  	(pc) =	sbr.rel $0x88, $3  }
0x1: {  	(tag) =	ssettag $0x0;
	lr =	simm.s32 $0x1  }
0x2: {  	[smem:$0x3F9F] =	sst lr;
	_ =	strace $0xD0000000  }
0x3: {  	_ = 	snop  }
0x4: {  	_ = 	snop  }
0x5: {  	_ = 	snop  }
0x6: {  	_ = 	snop  }
0x7: {  	_ = 	snop  }
__scs_overlays_trampoline_lowered:
0x8: {  	[smem:$0x3FAE] =	sst s0  }
0x9: {  	[smem:$0x3FAF] =	sst s1  }
0xa: {  	[smem:$0x3FB0] =	sst s2  }
0xb: {  	[smem:$0x3FB1] =	sst s3  }
0xc: {  	[smem:$0x3FB2] =	sst s4  }
0xd: {  	[smem:$0x3FB3] =	sst s5  }
0xe: {  	[smem:$0x3FB4] =	sst s6  }
0xf: {  	[smem:$0x3FB5] =	sst s7  }
0x10: {  	[smem:$0x3FB6] =	sst s8  }
0x11: {  	[smem:$0x3FB7] =	sst s9;
	s0 =	simm.s32 @!p0 $0x0  }
0x12: {  	s1 =	sld [smem:$0x3F9D];
	s0 =	simm.s32 @p0 $0x1  }
0x13: {  	[smem:$0x3FB8] =	sst s0;
	s0 =	simm.s32 @!p1 $0x0  }
0x14: {  	s2 =	sld [smem:$0x3F9C];
	s0 =	simm.s32 @p1 $0x1  }
0x15: {  	[smem:$0x3FB9] =	sst s0;
	s0 =	simm.s32 @!p2 $0x0  }
0x16: {  	s3 =	sld [smem:$0x3FDB];
	s0 =	simm.s32 @p2 $0x1  }
0x17: {  	s4 =	simm.s32 $0x1BF5;
	[smem:$0x3FBB] =	sst s0  }
0x18: {  	s0 =	sld [smem:$0x3F9E];
	_ =	swait.ge [sflag:s4], $0x0  }
0x19: {  	s7 =	sld [smem:$0x3F9F]  }
0x1a: {  	s8 =	sadd.s32 $0xFFFFE003, lr  }
0x1b: {  	s9 =	sadd.s32 $0xFFFFFEF7, lr;
	s5 =	simm.s32 $0xFFFFFFFF;
	p2 =	slt.u32 s8, $0xFFFFF086  }
0x1c: {  	p1 =	slt.u32 s9, $0xF7A;
	s5 =	simm.s32 @!p2 $0x0  }
0x1d: {  	s5 =	simm.s32 @p1 $0x1;
	p0 =	seq.s32 s7, s2  }
0x1e: {  	s7 =	smul.u32 @!p0 $0xF7A, s2;
	p2 =	seq.s32 @!p0 s5, $0x0  }
0x1f: {  	s9 =	smul.u32 $0xF7A, s1;
	s8 =	simm.s32 @!p0 $0x1BF5;
	p2 =	por !p2, p0  }
0x20: {  	[sflag:s8] =	ssyncset.s32 @!p0 $0xFFFFF086;
	s6 =	sadd.s32 @!p0 s3, s7;
	s7 =	simm.s32 @!p0 $0x108  }
0x21: {  	s3 =	sadd.s32 s3, s9;
	s6 =	sadd.s32 @!p0 $0x88, s6;
	s7 =	simm.s32 @p2 $0x1082  }
0x22: {  	[simem:s7], [sflag:s8] =	dma.local @!p0 [hbm:s6], $0xF7A  }
0x23: {  	s9 =	sor.u32 $0xD0000000, s2;
	s6 =	simm.s32 $0x108;
	_ =	swait.ge @!p0 [sflag:s8], $0x0  }
0x24: {  	s3 =	sadd.s32 $0x88, s3;
	s6 =	simm.s32 @!p1 $0x1082;
	[sflag:s4] =	ssyncset.s32 $0xFFFFF086  }
0x25: {  	[simem:s6], [sflag:s4] =	dma.local [hbm:s3], $0xF7A  }
0x26: {  	[smem:$0x3F9F] =	sst s1;
	(tag) =	ssettag s2;
	_ =	strace s9  }
0x27: {  	s1 =	sld [smem:$0x3FAF]  }
0x28: {  	s2 =	sld [smem:$0x3FB0]  }
0x29: {  	s4 =	sld [smem:$0x3FB2]  }
0x2a: {  	p0 =	seq.s32 s5, $0x0;
	s5 =	sld [smem:$0x3FB3]  }
0x2b: {  	s6 =	sld [smem:$0x3FB4]  }
0x2c: {  	s7 =	sld [smem:$0x3FB5]  }
0x2d: {  	s3 =	simm.s32 $0x108;
	s8 =	sld [smem:$0x3FB6]  }
0x2e: {  	s3 =	simm.s32 @!p0 $0x1082;
	s9 =	sld [smem:$0x3FB7]  }
0x2f: {  	lr =	sadd.s32 s0, s3;
	s0 =	sld [smem:$0x3FAE]  }
0x30: {  	s3 =	sld [smem:$0x3FB1]  }
0x31: {  	[smem:$0x3FBA] =	sst s10  }
0x32: {  	s10 =	sld [smem:$0x3FB8];
	_ =	sdelay $0x3  }
0x33: {  	p0 =	seq.s32 s10, $0x1;
	s10 =	sld [smem:$0x3FBA];
	_ =	sdelay $0x3  }
0x34: {  	[smem:$0x3FBA] =	sst s10  }
0x35: {  	s10 =	sld [smem:$0x3FB9];
	_ =	sdelay $0x3  }
0x36: {  	p1 =	seq.s32 s10, $0x1;
	s10 =	sld [smem:$0x3FBA];
	_ =	sdelay $0x3  }
0x37: {  	[smem:$0x3FBA] =	sst s10  }
0x38: {  	s10 =	sld [smem:$0x3FBB]  }
0x39: {  	_ = 	snop;
	(pc) =	sbr.ind lr, $3  }
0x3a: {  	_ = 	snop  }
0x3b: {  	_ = 	snop  }
0x3c: {  	p2 =	seq.s32 s10, $0x1;
	s10 =	sld [smem:$0x3FBA]  }
0x3d: {  	_ =	shalt  }
0x3e: {  	_ =	shalt  }
0x3f: {  	_ =	shalt  }
0x40: {  	_ =	shalt  }
0x41: {  	_ =	shalt  }
0x42: {  	_ =	shalt  }
0x43: {  	_ =	shalt  }
0x44: {  	_ =	shalt  }
0x45: {  	_ =	shalt  }
0x46: {  	_ =	shalt  }
0x47: {  	_ =	shalt  }
0x48: {  	_ =	shalt  }
0x49: {  	_ =	shalt  }
0x4a: {  	_ =	shalt  }
0x4b: {  	_ =	shalt  }
0x4c: {  	_ =	shalt  }
0x4d: {  	_ =	shalt  }
0x4e: {  	_ =	shalt  }
0x4f: {  	_ =	shalt  }
0x50: {  	_ =	shalt  }
0x51: {  	_ =	shalt  }
0x52: {  	_ =	shalt  }
0x53: {  	_ =	shalt  }
0x54: {  	_ =	shalt  }
0x55: {  	_ =	shalt  }
0x56: {  	_ =	shalt  }
0x57: {  	_ =	shalt  }
0x58: {  	_ =	shalt  }
0x59: {  	_ =	shalt  }
0x5a: {  	_ =	shalt  }
0x5b: {  	_ =	shalt  }
0x5c: {  	_ =	shalt  }
0x5d: {  	_ =	shalt  }
0x5e: {  	_ =	shalt  }
0x5f: {  	_ =	shalt  }
0x60: {  	_ =	shalt  }
0x61: {  	_ =	shalt  }
0x62: {  	_ =	shalt  }
0x63: {  	_ =	shalt  }
0x64: {  	_ =	shalt  }
0x65: {  	_ =	shalt  }
0x66: {  	_ =	shalt  }
0x67: {  	_ =	shalt  }
0x68: {  	_ =	shalt  }
0x69: {  	_ =	shalt  }
0x6a: {  	_ =	shalt  }
0x6b: {  	_ =	shalt  }
0x6c: {  	_ =	shalt  }
0x6d: {  	_ =	shalt  }
0x6e: {  	_ =	shalt  }
0x6f: {  	_ =	shalt  }
0x70: {  	_ =	shalt  }
0x71: {  	_ =	shalt  }
0x72: {  	_ =	shalt  }
0x73: {  	_ =	shalt  }
0x74: {  	_ =	shalt  }
0x75: {  	_ =	shalt  }
0x76: {  	_ =	shalt  }
0x77: {  	_ =	shalt  }
0x78: {  	_ =	shalt  }
0x79: {  	_ =	shalt  }
0x7a: {  	_ =	shalt  }
0x7b: {  	_ =	shalt  }
0x7c: {  	_ =	shalt  }
0x7d: {  	_ =	shalt  }
0x7e: {  	_ =	shalt  }
0x7f: {  	_ =	shalt  }
0x80: {  	_ =	shalt  }
0x81: {  	_ =	shalt  }
0x82: {  	_ =	shalt  }
0x83: {  	_ =	shalt  }
0x84: {  	_ =	shalt  }
0x85: {  	_ =	shalt  }
0x86: {  	_ =	shalt  }
0x87: {  	_ =	shalt  }
.Lfunc_end0:
.L_simem_size_0:
called_computation_lowered:
.L_overlay_start_0:
0x88: {  	s2 =	sld [smem:$0x3FD9]  }
0x89: {  	s3 =	sld [smem:$0x3FFE];
	_ =	sdelay $0x1  }
0x8a: {  	s1 =	srdreg.scid  }
0x8b: {  	s0 =	sand.u32 $0x1, s1  }
0x8c: {  	s17 =	sshll.u32 s0, $0xA;
	s2 =	sadd.s32 s3, s2  }
0x8d: {  	s2 =	sadd.s32 s2, s17  }
0x8e: {  	[smem:$0x3FC6] =	sst s2  }
0x8f: {  	_ = 	snop  }
0x90: {  	s2 =	sld [smem:$0x3FC8]  }
0x91: {  	s18 =	sld [smem:$0x3FD0];
	(tm) =	ssettm $0x1  }
0x92: {  	s4 =	sld [smem:$0x3FFB];
	_ =	sdelay $0x3  }
0x93: {  	_ =	strace s4  }
0x94: {  	s4 =	sld [smem:$0x3FFC];
	_ =	sdelay $0x3  }
0x95: {  	_ =	strace s4  }
0x96: {  	s4 =	sld [smem:$0x3FFD];
	_ =	sdelay $0x3  }
0x97: {  	_ =	strace s4  }
0x98: {  	_ =	strace $0x8FFFFFFF  }
0x99: {  	s19 =	sld [smem:$0x3FDB];
	_ =	sdelay $0x1  }
0x9a: {  	s5 =	simm.s32 $_scs_section_size  }
0x9b: {  	s6 =	simm.s32 $_size__tile_overlayer_lowered;
	s7 =	simm.s32 $_tile_overlayer_lowered  }
0x9c: {  	s22 =	simm.s32 $0x1BFF;
	s21 =	sshll.u32 s7, $0x1;
	s4 =	sadd.s32 s5, s19  }
0x9d: {  	s8 =	simm.s32 $0x0;
	s20 =	sshll.u32 s6, $0x1;
	s6 =	sadd.s32 s21, s4  }
0x9e: {  	[timem:s8], [sflag:s22] =	dma.local [hbm:s6], s20  }
0x9f: {  	_ =	swait.ge [sflag:s22], s20  }
0xa0: {  	s5 =	ssub.s32 $0x0, s20;
	[sflag:s22] =	ssyncset.done $0x0  }
0xa1: {  	[sflag:s22] =	ssyncadd.s32 s5;
	_ =	sdelay $0x1  }
0xa2: {  	s23 =	simm.s32 $0x1B8B  }
0xa3: {  	_ =	swait.ge [sflag:s23], $0x1  }
0xa4: {  	[sflag:s23] =	ssyncset.done $0x0  }
0xa5: {  	s25 =	simm.s32 $0x1B8E;
	s24 =	sld [smem:$0x3FFE];
	[sflag:s23] =	ssyncadd.s32 $0xFFFFFFFF  }
0xa6: {  	s26 =	simm.s32 $execute0_lowered;
	[smem:$0x3FD2] =	sst s25  }
0xa7: {  	s6 =	sshll.u32 s26, $0x1;
	_ =	strace $0x80000046;
	[dreg:$0x1] =	wrdreg $0xFFFFFFFF  }
0xa8: {  	s28 =	simm.s32 $_size_execute0_lowered;
	s4 =	sadd.s32 s4, s6;
	[dreg:$0x0] =	wrdreg $0x0  }
0xa9: {  	s6 =	sshll.u32 s28, $0x1;
	[dreg:$0x2] =	wrdreg s4  }
0xaa: {  	[dreg:$0x3] =	wrdreg s6  }
0xab: {  	[dreg:$0x4] =	wrdreg $0xC0  }
0xac: {  	_ =	task [dreg:s8], $0x5FFFF  }
0xad: {  	[dreg:$0x1] =	wrdreg $0xFFFFFFFF  }
0xae: {  	[dreg:$0x0] =	wrdreg $0x60  }
0xaf: {  	[dreg:$0x2] =	wrdreg s2  }
0xb0: {  	[dreg:$0x3] =	wrdreg s24  }
0xb1: {  	[dreg:$0x4] =	wrdreg s18  }
0xb2: {  	[dreg:$0x5] =	wrdreg $0x9  }
0xb3: {  	_ =	task.clear_ibuf [dreg:s8], $0x6FFFF;
	_ =	strace $0x90000046  }
0xb4: {  	s29 =	simm.s32 $0x9;
	_ =	strace $0x80000048  }
0xb5: {  	_ =	swait.ge [sflag:s29], $0x1  }
0xb6: {  	[sflag:s29] =	ssyncadd.s32 $0xFFFFFFFF  }
0xb7: {  	_ =	strace $0x90000048  }
0xb8: {  	_ =	sfence  }
0xb9: {  	s30 =	sld [smem:$0x0];
	_ =	sdelay $0x2  }
0xba: {  	s31 =	sshll.u32 s1, $0xD;
	s1 =	sshrl.u32 s1, $0x2  }
0xbb: {  	s3 =	sand.u32 $0x4000, s31;
	s1 =	sadd.s32 s1, s30  }
0xbc: {  	s0 =	sor.u32 s3, s0;
	s1 =	sshll.u32 s1, $0x11  }
0xbd: {  	s0 =	sor.u32 s1, s0  }
0xbe: {  	s0 =	sadd.s32 $0x8F2B, s0  }
0xbf: {  	[sflag:s0] =	ssyncadd.remote.s32 $0x1  }
0xc0: {  	_ =	sfence.sel $0xFFFF  }
0xc1: {  	[dreg:$0x0] =	wrdreg $0xFFFFFFFF;
	(pc) =	sbr.abs _section_cstart, $3  }
0xc2: {  	[dreg:$0x1] =	wrdreg $0xFFFFFFFF  }
0xc3: {  	_ =	task.clear_ibuf [dreg:s8], $0x2FFFF;
	_ =	strace $0x9FFFFFFF  }
0xc4: {  	(tm) =	ssettm $0x7FFFFFFF  }
0xc5: {  	_ =	shalt  }
tec
execute0_lowered:
.L_overlay_start_1:
0x0: {  	(tag) =	ssettag $0x1  }
0x1: {  	s1 =	rddreg [dreg:$0x0]  }
0x2: {  	s6 =	rddreg [dreg:$0x1]  }
0x3: {  	s2 =	srdreg.scid;
	s0 =	stileid.u32  }
0x4: {  	s3 =	rddreg [dreg:$0x2];
	s11 =	simm.s32 $0x80;
	s12 =	simm.s32 $0x400  }
0x5: {  	s13 =	simm.s32 $0x1400;
	s14 =	simm.s32 $0x7800;
	s15 =	simm.s32 $0x11800  }
0x6: {  	s16 =	simm.s32 $0x1;
	s17 =	simm.s32 $0x2;
	s18 =	simm.s32 $0x0  }
0x7: {  	s7 =	sand.u32 $0x1, s2;
	s4 =	sshll.u32 s0, $0x1;
	s2 =	rddreg [dreg:$0x3]  }
0x8: {  	s8 =	sshrl.u32 s0, $0x2;
	s5 =	sor.u32 s7, s4;
	s4 =	simm.s32 $0x0  }
0x9: {  	s8 =	smul.u32 $0x32000, s8;
	s7 =	ssub.s32 $0x2, s7;
	s9 =	sshll.u32 s5, $0x7  }
0xa: {  	[smem:$0x7FF] =	sst s4;
	s5 =	smul.u32 $0x320000, s5;
	s9 =	sand.u32 $0x380, s9  }
0xb: {  	v0 =	vlaneseq.u32;
	s31 =	sshrl.u32 s7, $0x1;
	_ =	strace $0x80000047;
	s8 =	sor.u32 s8, s9  }
0xc: {  	v1 =	vor.u32 $0x10, v0;
	s10 =	sshrl.u32 s5, $0x3;
	s9 =	ssub.s32 s7, s31;
	s8 =	sshrl.u32 s8, $0x3  }
0xd: {  	v2 =	vor.u32 $0x20, v0;
	v3 =	vor.u32 $0x30, v0;
	v4 =	vor.u32 $0x40, v0;
	s9 =	smax.u32 s9, $0x1;
	s8 =	sadd.s32 s8, s6;
	s6 =	sadd.s32 s3, s10  }
0xe: {  	v5 =	vor.u32 $0x50, v0;
	v6 =	vor.u32 $0x60, v0;
	v7 =	vor.u32 $0x70, v0;
	s10 =	simm.s32 $0x3;
	s7 =	sadd.s32 $0x400, s8;
	s8 =	sadd.s32 $0x1400, s6  }
.LBB2_1:
0xf: {  	[tilespmem:s4], [sflag:$0x3] =	stream.linear.gather [hbm4b:s1+s4], $0x1080, $0x38;
	[tilespmem:$0x1B800] =	vst v63  }
0x10: {  	s19 =	simm.s32 $0x1  }
0x11: {  	s20 =	simm.s32 $0x6;
	s21 =	simm.s32 $0x7;
	_ =	swait.ge [sflag:s10], $0x1080;
	v8 =	vmov s19  }
0x12: {  	s23 =	simm.s32 $0x3;
	v10 =	vmov s20;
	v11 =	vmov s21;
	[sflag:s10] =	ssyncset.done $0x0;
	v8 =	vand.u32 $0xFFFFFFF9, v8  }
0x13: {  	s22 =	simm.s32 $0x2;
	v12 =	vmov s23;
	v10 =	vand.u32 $0xFFFFFFFE, v10;
	[sflag:s10] =	ssyncadd.s32 $0xFFFFEF80;
	v8 =	vbroadcast v8, $0x0  }
0x14: {  	v15 =	vmov s4;
	v12 =	vand.u32 $0xFFFFFFFB, v12;
	v10 =	vbroadcast v10, $0x0;
	[tilespmem:s13], [sflag:$0x3] =	stream.strided.gather [hbm4b:s7+s11], $0x6400, s12, s11, $0x38;
	[tilespmem:$0x1B800] =	vst v63  }
0x15: {  	s25 =	simm.s32 $0x5;
	v9 =	vmov s22;
	v15 =	vand.u32 $0xFFFFFFF8, v15;
	v12 =	vbroadcast v12, $0x0;
	_ =	swait.ge [sflag:s10], $0x6400  }
0x16: {  	s24 =	simm.s32 $0x4;
	v14 =	vmov s25;
	v9 =	vand.u32 $0xFFFFFFFA, v9;
	v15 =	vbroadcast v15, $0x0;
	[sflag:s10] =	ssyncset.done $0x0  }
0x17: {  	v13 =	vmov s24;
	v14 =	vand.u32 $0xFFFFFFFD, v14;
	v9 =	vbroadcast v9, $0x0;
	[sflag:s10] =	ssyncadd.s32 $0xFFFF9C00  }
0x18: {  	s26 =	simm.s32 $0x9;
	v13 =	vand.u32 $0xFFFFFFFC, v13;
	v14 =	vbroadcast v14, $0x0;
	v11 =	vld.idx.msk [tilespmem:v11+s13+$0x0], $0xffff  }
0x19: {  	s28 =	simm.s32 $0xA;
	s29 =	simm.s32 $0xF;
	v13 =	vbroadcast v13, $0x0;
	v16 =	vld.idx.msk [tilespmem:v8+s13+$0x0], $0xffff;
	v8 =	vmov s26  }
0x1a: {  	s30 =	simm.s32 $0xB;
	v17 =	vmov s28;
	v18 =	vmov s29;
	v10 =	vld.idx.msk [tilespmem:v10+s13+$0x0], $0xffff;
	v8 =	vand.u32 $0xFFFFFFF9, v8  }
0x1b: {  	v21 =	vld.idx.msk [tilespmem:v12+s13+$0x0], $0xffff;
	v20 =	vbroadcast v8, $0x0;
	v8 =	vand.u32 $0xFFFFFFFA, v17;
	v17 =	vmov s30  }
0x1c: {  	v24 =	vld.idx.msk [tilespmem:v15+s13+$0x0], $0xffff;
	v22 =	vbroadcast v8, $0x0;
	v8 =	vand.u32 $0xFFFFFFFB, v17  }
0x1d: {  	v9 =	vld.idx.msk [tilespmem:v9+s13+$0x0], $0xffff;
	v23 =	vbroadcast v8, $0x0  }
0x1e: {  	v14 =	vld.idx.msk [tilespmem:v14+s13+$0x0], $0xffff;
	v12 =	vshll.u32 v11, $0x7  }
0x1f: {  	v13 =	vld.idx.msk [tilespmem:v13+s13+$0x0], $0xffff;
	v19 =	vshll.u32 v10, $0x7;
	v25 =	vor.u32 v0, v12  }
0x20: {  	v8 =	vld.idx.msk [tilespmem:v18+s13+$0x0], $0xffff;
	v17 =	vshll.u32 v16, $0x7;
	v16 =	vshll.u32 v21, $0x7;
	v26 =	vor.u32 v0, v19  }
0x21: {  	v21 =	vor.u32 v0, v16;
	v11 =	vld.idx.msk [tilespmem:v20+s13+$0x0], $0xffff  }
0x22: {  	v18 =	vshll.u32 v9, $0x7;
	v20 =	vor.u32 v0, v17;
	v10 =	vld.idx.msk [tilespmem:v22+s13+$0x0], $0xffff  }
0x23: {  	v14 =	vshll.u32 v14, $0x7;
	v22 =	vor.u32 v0, v18;
	v9 =	vld.idx.msk [tilespmem:v23+s13+$0x0], $0xffff  }
0x24: {  	v15 =	vshll.u32 v13, $0x7;
	v13 =	vshll.u32 v24, $0x7;
	v24 =	vor.u32 v0, v14;
	v25 =	vld.idx.msk [tilespmem:v25+s4+$0x0], $0xffff  }
0x25: {  	v23 =	vor.u32 v0, v15;
	v26 =	vld.idx.msk [tilespmem:v26+s4+$0x0], $0xffff  }
0x26: {  	v27 =	vor.u32 v0, v13;
	v21 =	vld.idx.msk [tilespmem:v21+s4+$0x0], $0xffff  }
0x27: {  	v28 =	vor.u32 v1, v19;
	v20 =	vld.idx.msk [tilespmem:v20+s4+$0x0], $0xffff  }
0x28: {  	v29 =	vor.u32 v1, v17;
	v22 =	vld.idx.msk [tilespmem:v22+s4+$0x0], $0xffff  }
0x29: {  	v30 =	vor.u32 v1, v18;
	v24 =	vld.idx.msk [tilespmem:v24+s4+$0x0], $0xffff  }
0x2a: {  	s19 =	simm.s32 $0x7A00;
	v31 =	vor.u32 v1, v16;
	v23 =	vld.idx.msk [tilespmem:v23+s4+$0x0], $0xffff  }
0x2b: {  	v32 =	vor.u32 v1, v15;
	v27 =	vld.idx.msk [tilespmem:v27+s4+$0x0], $0xffff;
	[tilespmem:s19+$0x100] =	vst v26  }
0x2c: {  	v26 =	vld.idx.msk [tilespmem:v28+s4+$0x0], $0xffff;
	v28 =	vor.u32 v1, v13;
	[tilespmem:s19+$0xFFFFFE80] =	vst v20  }
0x2d: {  	v20 =	vor.u32 v1, v14;
	v29 =	vld.idx.msk [tilespmem:v29+s4+$0x0], $0xffff;
	[tilespmem:s19+$0xFFFFFF00] =	vst v22  }
0x2e: {  	[tilespmem:s19+$0xFFFFFF80] =	vst v21;
	v21 =	vor.u32 v2, v19;
	v22 =	vld.idx.msk [tilespmem:v30+s4+$0x0], $0xffff  }
0x2f: {  	v30 =	vld.idx.msk [tilespmem:v31+s4+$0x0], $0xffff;
	[tilespmem:s19+$0x0] =	vst v23;
	v23 =	vor.u32 v1, v12  }
0x30: {  	[tilespmem:s19+$0xFFFFFE00] =	vst v27;
	v31 =	vor.u32 v2, v17;
	v32 =	vld.idx.msk [tilespmem:v32+s4+$0x0], $0xffff  }
0x31: {  	[tilespmem:s19+$0x80] =	vst v24;
	v24 =	vor.u32 v2, v18;
	v27 =	vld.idx.msk [tilespmem:v28+s4+$0x0], $0xffff  }
0x32: {  	v28 =	vor.u32 v2, v16;
	[tilespmem:s19+$0x110] =	vst v26;
	v20 =	vld.idx.msk [tilespmem:v20+s4+$0x0], $0xffff  }
0x33: {  	[tilespmem:s19+$0x180] =	vst v25;
	v26 =	vor.u32 v2, v15;
	v21 =	vld.idx.msk [tilespmem:v21+s4+$0x0], $0xffff  }
0x34: {  	v25 =	vor.u32 v2, v14;
	[tilespmem:s19+$0xFFFFFE90] =	vst v29;
	v23 =	vld.idx.msk [tilespmem:v23+s4+$0x0], $0xffff  }
0x35: {  	v29 =	vld.idx.msk [tilespmem:v31+s4+$0x0], $0xffff;
	[tilespmem:s19+$0xFFFFFF10] =	vst v22;
	v22 =	vor.u32 v3, v19  }
0x36: {  	v31 =	vor.u32 v2, v13;
	[tilespmem:s19+$0xFFFFFF90] =	vst v30;
	v24 =	vld.idx.msk [tilespmem:v24+s4+$0x0], $0xffff  }
0x37: {  	v30 =	vor.u32 v2, v12;
	[tilespmem:s19+$0x10] =	vst v32;
	v28 =	vld.idx.msk [tilespmem:v28+s4+$0x0], $0xffff  }
0x38: {  	v60 =	vor.u32 v3, v17;
	v26 =	vld.idx.msk [tilespmem:v26+s4+$0x0], $0xffff;
	[tilespmem:s19+$0x90] =	vst v20  }
0x39: {  	v20 =	vor.u32 v3, v18;
	[tilespmem:s19+$0x120] =	vst v21;
	v25 =	vld.idx.msk [tilespmem:v25+s4+$0x0], $0xffff  }
0x3a: {  	[tilespmem:s19+$0xFFFFFE10] =	vst v27;
	v21 =	vor.u32 v3, v16;
	v22 =	vld.idx.msk [tilespmem:v22+s4+$0x0], $0xffff  }
0x3b: {  	v27 =	vld.idx.msk [tilespmem:v31+s4+$0x0], $0xffff;
	v31 =	vor.u32 v3, v15;
	[tilespmem:s19+$0x190] =	vst v23  }
0x3c: {  	[tilespmem:s19+$0xFFFFFEA0] =	vst v29;
	v23 =	vor.u32 v4, v19;
	v29 =	vld.idx.msk [tilespmem:v30+s4+$0x0], $0xffff  }
0x3d: {  	v30 =	vld.idx.msk [tilespmem:v60+s4+$0x0], $0xffff;
	[tilespmem:s19+$0xFFFFFF20] =	vst v24;
	v24 =	vor.u32 v3, v14  }
0x3e: {  	v61 =	vor.u32 v3, v13;
	[tilespmem:s19+$0xFFFFFFA0] =	vst v28;
	v20 =	vld.idx.msk [tilespmem:v20+s4+$0x0], $0xffff  }
0x3f: {  	[tilespmem:s19+$0x20] =	vst v26;
	v26 =	vor.u32 v3, v12;
	v21 =	vld.idx.msk [tilespmem:v21+s4+$0x0], $0xffff  }
0x40: {  	v28 =	vor.u32 v4, v17;
	v31 =	vld.idx.msk [tilespmem:v31+s4+$0x0], $0xffff;
	[tilespmem:s19+$0x130] =	vst v22  }
0x41: {  	[tilespmem:s19+$0xA0] =	vst v25;
	v25 =	vor.u32 v4, v16;
	v23 =	vld.idx.msk [tilespmem:v23+s4+$0x0], $0xffff  }
0x42: {  	v22 =	vor.u32 v4, v18;
	[tilespmem:s19+$0xFFFFFE20] =	vst v27;
	v24 =	vld.idx.msk [tilespmem:v24+s4+$0x0], $0xffff  }
0x43: {  	v27 =	vld.idx.msk [tilespmem:v61+s4+$0x0], $0xffff;
	[tilespmem:s19+$0x1A0] =	vst v29;
	v29 =	vor.u32 v4, v15  }
0x44: {  	v62 =	vor.u32 v5, v19;
	[tilespmem:s19+$0xFFFFFEB0] =	vst v30;
	v26 =	vld.idx.msk [tilespmem:v26+s4+$0x0], $0xffff  }
0x45: {  	v30 =	vor.u32 v4, v13;
	v28 =	vld.idx.msk [tilespmem:v28+s4+$0x0], $0xffff;
	[tilespmem:s19+$0xFFFFFFB0] =	vst v21  }
0x46: {  	[tilespmem:s19+$0xFFFFFF30] =	vst v20;
	v20 =	vor.u32 v4, v14;
	v21 =	vld.idx.msk [tilespmem:v25+s4+$0x0], $0xffff  }
0x47: {  	v25 =	vor.u32 v5, v17;
	v22 =	vld.idx.msk [tilespmem:v22+s4+$0x0], $0xffff;
	[tilespmem:s19+$0x30] =	vst v31  }
0x48: {  	[tilespmem:s19+$0x140] =	vst v23;
	v23 =	vor.u32 v4, v12;
	v29 =	vld.idx.msk [tilespmem:v29+s4+$0x0], $0xffff  }
0x49: {  	v63 =	vor.u32 v5, v18;
	[tilespmem:s19+$0xFFFFFE30] =	vst v27;
	v31 =	vld.idx.msk [tilespmem:v62+s4+$0x0], $0xffff  }
0x4a: {  	[tilespmem:s19+$0xB0] =	vst v24;
	v27 =	vld.idx.msk [tilespmem:v30+s4+$0x0], $0xffff;
	v30 =	vor.u32 v5, v16  }
0x4b: {  	v24 =	vor.u32 v6, v19;
	[tilespmem:s19+$0xFFFFFEC0] =	vst v28;
	v20 =	vld.idx.msk [tilespmem:v20+s4+$0x0], $0xffff  }
0x4c: {  	[tilespmem:s19+$0x1B0] =	vst v26;
	v26 =	vor.u32 v5, v15;
	v33 =	vld.idx.msk [tilespmem:v25+s4+$0x0], $0xffff  }
0x4d: {  	[tilespmem:s19+$0xFFFFFF40] =	vst v22;
	v22 =	vor.u32 v5, v14;
	v28 =	vld.idx.msk [tilespmem:v23+s4+$0x0], $0xffff  }
0x4e: {  	[tilespmem:s19+$0xFFFFFFC0] =	vst v21;
	v23 =	vor.u32 v5, v13;
	v32 =	vld.idx.msk [tilespmem:v63+s4+$0x0], $0xffff  }
0x4f: {  	[tilespmem:s19+$0x150] =	vst v31;
	v31 =	vor.u32 v6, v17;
	v34 =	vld.idx.msk [tilespmem:v30+s4+$0x0], $0xffff  }
0x50: {  	[tilespmem:s19+$0x40] =	vst v29;
	v21 =	vld.idx.msk [tilespmem:v24+s4+$0x0], $0xffff;
	v24 =	vor.u32 v5, v12  }
0x51: {  	v35 =	vld.idx.msk [tilespmem:v26+s4+$0x0], $0xffff;
	[tilespmem:s19+$0xC0] =	vst v20;
	v20 =	vor.u32 v7, v19  }
0x52: {  	[tilespmem:s19+$0xFFFFFE40] =	vst v27;
	v26 =	vor.u32 v6, v18;
	v25 =	vld.idx.msk [tilespmem:v22+s4+$0x0], $0xffff  }
0x53: {  	v36 =	vor.u32 v6, v16;
	[tilespmem:s19+$0xFFFFFED0] =	vst v33;
	v23 =	vld.idx.msk [tilespmem:v23+s4+$0x0], $0xffff  }
0x54: {  	s31 =	simm.s32 $0xC;
	v30 =	vor.u32 v6, v15;
	[tilespmem:s19+$0x1C0] =	vst v28;
	v19 =	vld.idx.msk [tilespmem:v31+s4+$0x0], $0xffff  }
0x55: {  	v27 =	vor.u32 v6, v14;
	v22 =	vld.idx.msk [tilespmem:v24+s4+$0x0], $0xffff;
	[tilespmem:s19+$0x160] =	vst v21;
	v21 =	vmov s31  }
0x56: {  	v29 =	vor.u32 v6, v13;
	[tilespmem:s19+$0xFFFFFF50] =	vst v32;
	v20 =	vld.idx.msk [tilespmem:v20+s4+$0x0], $0xffff;
	v24 =	vand.u32 $0xFFFFFFFC, v21  }
0x57: {  	v28 =	vor.u32 v6, v12;
	[tilespmem:s19+$0xFFFFFFD0] =	vst v34;
	v21 =	vld.idx.msk [tilespmem:v26+s4+$0x0], $0xffff;
	v26 =	vbroadcast v24, $0x0  }
0x58: {  	s20 =	simm.s32 $0x8;
	s22 =	simm.s32 $0xE;
	s21 =	simm.s32 $0x10;
	[tilespmem:s19+$0x50] =	vst v35;
	v24 =	vld.idx.msk [tilespmem:v36+s4+$0x0], $0xffff  }
.LBB2_2:
0x59: {  	p0 =	slt.u32 s21, $0x138;
	v31 =	vmov s22;
	v17 =	vor.u32 v7, v17;
	v30 =	vld.idx.msk [tilespmem:v30+s4+$0x0], $0xffff;
	[tilespmem:s19+$0xD0] =	vst v25  }
0x5a: {  	v18 =	vor.u32 v7, v18;
	v25 =	vand.u32 $0xFFFFFFFE, v31;
	[tilespmem:s19+$0xFFFFFE50] =	vst v23;
	v23 =	vld.idx.msk [tilespmem:v27+s4+$0x0], $0xffff  }
0x5b: {  	v16 =	vor.u32 v7, v16;
	v25 =	vbroadcast v25, $0x0;
	v27 =	vld.idx.msk [tilespmem:v29+s4+$0x0], $0xffff;
	[tilespmem:s19+$0x1D0] =	vst v22  }
0x5c: {  	[tilespmem:s19+$0x170] =	vst v20;
	v20 =	vld.idx.msk [tilespmem:v28+s4+$0x0], $0xffff  }
0x5d: {  	s22 =	sadd.s32 $0x5, s20;
	v15 =	vor.u32 v7, v15;
	v22 =	vld.idx.msk [tilespmem:v26+s13+$0x0], $0xffff;
	[tilespmem:s19+$0xFFFFFEE0] =	vst v19  }
0x5e: {  	v14 =	vor.u32 v7, v14;
	v19 =	vmov s22;
	v17 =	vld.idx.msk [tilespmem:v17+s4+$0x0], $0xffff;
	[tilespmem:s19+$0xFFFFFF60] =	vst v21  }
0x5f: {  	v13 =	vor.u32 v7, v13;
	v21 =	vmov s20;
	v19 =	vand.u32 $0xFFFFFFFD, v19;
	s20 =	smov.u32 s21;
	v18 =	vld.idx.msk [tilespmem:v18+s4+$0x0], $0xffff;
	[tilespmem:s19+$0xFFFFFFE0] =	vst v24  }
0x60: {  	v12 =	vor.u32 v7, v12;
	s22 =	sadd.s32 $0x1, s21;
	v21 =	vand.u32 $0xFFFFFFF8, v21;
	v19 =	vbroadcast v19, $0x0;
	v16 =	vld.idx.msk [tilespmem:v16+s4+$0x0], $0xffff;
	[tilespmem:s19+$0x60] =	vst v30  }
0x61: {  	s23 =	sadd.s32 $0x7, s21;
	v24 =	vmov s22;
	s22 =	sadd.s32 $0x2, s21;
	v21 =	vbroadcast v21, $0x0;
	v25 =	vld.idx.msk [tilespmem:v25+s13+$0x0], $0xffff;
	[tilespmem:s19+$0xE0] =	vst v23  }
0x62: {  	v26 =	vmov s23;
	v23 =	vand.u32 $0xFFFFFFF9, v24;
	v24 =	vmov s22;
	s22 =	sadd.s32 $0x3, s21;
	[tilespmem:s19+$0xFFFFFE60] =	vst v27;
	v15 =	vld.idx.msk [tilespmem:v15+s4+$0x0], $0xffff  }
0x63: {  	v23 =	vbroadcast v23, $0x0;
	v24 =	vand.u32 $0xFFFFFFFA, v24;
	v27 =	vmov s22;
	v14 =	vld.idx.msk [tilespmem:v14+s4+$0x0], $0xffff;
	[tilespmem:s19+$0x1E0] =	vst v20  }
0x64: {  	v20 =	vbroadcast v24, $0x0;
	v24 =	vand.u32 $0xFFFFFFFB, v27;
	v13 =	vld.idx.msk [tilespmem:v13+s4+$0x0], $0xffff;
	[tilespmem:s19+$0xFFFFFEF0] =	vst v17  }
0x65: {  	v24 =	vbroadcast v24, $0x0;
	[tilespmem:s19+$0xFFFFFF70] =	vst v18;
	v27 =	vld.idx.msk [tilespmem:v12+s4+$0x0], $0xffff  }
0x66: {  	v12 =	vshll.u32 v8, $0x7;
	v28 =	vld.idx.msk [tilespmem:v19+s13+$0x0], $0xffff;
	[tilespmem:s19+$0xFFFFFFF0] =	vst v16  }
0x67: {  	v19 =	vshll.u32 v25, $0x7;
	v25 =	vor.u32 v0, v12;
	v21 =	vld.idx.msk [tilespmem:v21+s13+$0x0], $0xffff  }
0x68: {  	v17 =	vshll.u32 v11, $0x7;
	v8 =	vld.idx.msk [tilespmem:v26+s13+$0x0], $0xffff;
	v26 =	vor.u32 v0, v19;
	[tilespmem:s19+$0x70] =	vst v15  }
0x69: {  	v18 =	vshll.u32 v10, $0x7;
	v11 =	vld.idx.msk [tilespmem:v23+s13+$0x0], $0xffff;
	v23 =	vor.u32 v0, v17;
	[tilespmem:s19+$0xF0] =	vst v14  }
0x6a: {  	v16 =	vshll.u32 v9, $0x7;
	v10 =	vld.idx.msk [tilespmem:v20+s13+$0x0], $0xffff;
	v20 =	vor.u32 v0, v18;
	[tilespmem:s19+$0xFFFFFE70] =	vst v13  }
0x6b: {  	v15 =	vshll.u32 v22, $0x7;
	v9 =	vld.idx.msk [tilespmem:v24+s13+$0x0], $0xffff;
	v24 =	vor.u32 v0, v16;
	[tilespmem:s19+$0x1F0] =	vst v27  }
0x6c: {  	v22 =	vor.u32 v0, v15;
	v14 =	vshll.u32 v28, $0x7;
	v25 =	vld.idx.msk [tilespmem:v25+s4+$0x0], $0xffff  }
0x6d: {  	v13 =	vshll.u32 v21, $0x7;
	v21 =	vor.u32 v0, v14;
	v26 =	vld.idx.msk [tilespmem:v26+s4+$0x0], $0xffff  }
0x6e: {  	v27 =	vor.u32 v0, v13;
	v23 =	vld.idx.msk [tilespmem:v23+s4+$0x0], $0xffff  }
0x6f: {  	v28 =	vor.u32 v1, v19;
	v20 =	vld.idx.msk [tilespmem:v20+s4+$0x0], $0xffff  }
0x70: {  	v29 =	vor.u32 v1, v17;
	v24 =	vld.idx.msk [tilespmem:v24+s4+$0x0], $0xffff  }
0x71: {  	v30 =	vor.u32 v1, v18;
	v22 =	vld.idx.msk [tilespmem:v22+s4+$0x0], $0xffff  }
0x72: {  	v31 =	vor.u32 v1, v16;
	s19 =	sadd.s32 $0x400, s19;
	v21 =	vld.idx.msk [tilespmem:v21+s4+$0x0], $0xffff  }
0x73: {  	v32 =	vor.u32 v1, v15;
	v27 =	vld.idx.msk [tilespmem:v27+s4+$0x0], $0xffff;
	[tilespmem:s19+$0x100] =	vst v26  }
0x74: {  	[tilespmem:s19+$0xFFFFFE80] =	vst v23;
	v23 =	vor.u32 v1, v14;
	v26 =	vld.idx.msk [tilespmem:v28+s4+$0x0], $0xffff  }
0x75: {  	v28 =	vor.u32 v1, v13;
	v29 =	vld.idx.msk [tilespmem:v29+s4+$0x0], $0xffff;
	[tilespmem:s19+$0xFFFFFF00] =	vst v20  }
0x76: {  	v20 =	vld.idx.msk [tilespmem:v30+s4+$0x0], $0xffff;
	[tilespmem:s19+$0xFFFFFF80] =	vst v24;
	v24 =	vor.u32 v2, v19  }
0x77: {  	v30 =	vld.idx.msk [tilespmem:v31+s4+$0x0], $0xffff;
	[tilespmem:s19+$0x0] =	vst v22;
	v22 =	vor.u32 v1, v12  }
0x78: {  	v31 =	vor.u32 v2, v17;
	v32 =	vld.idx.msk [tilespmem:v32+s4+$0x0], $0xffff;
	[tilespmem:s19+$0x80] =	vst v21  }
0x79: {  	v21 =	vor.u32 v2, v18;
	[tilespmem:s19+$0xFFFFFE00] =	vst v27;
	v23 =	vld.idx.msk [tilespmem:v23+s4+$0x0], $0xffff  }
0x7a: {  	v27 =	vld.idx.msk [tilespmem:v28+s4+$0x0], $0xffff;
	v28 =	vor.u32 v2, v16;
	[tilespmem:s19+$0x110] =	vst v26  }
0x7b: {  	v26 =	vor.u32 v2, v15;
	v24 =	vld.idx.msk [tilespmem:v24+s4+$0x0], $0xffff;
	[tilespmem:s19+$0x180] =	vst v25  }
0x7c: {  	v25 =	vor.u32 v2, v14;
	[tilespmem:s19+$0xFFFFFE90] =	vst v29;
	v22 =	vld.idx.msk [tilespmem:v22+s4+$0x0], $0xffff  }
0x7d: {  	v29 =	vld.idx.msk [tilespmem:v31+s4+$0x0], $0xffff;
	[tilespmem:s19+$0xFFFFFF10] =	vst v20;
	v20 =	vor.u32 v3, v19  }
0x7e: {  	v31 =	vor.u32 v2, v13;
	v21 =	vld.idx.msk [tilespmem:v21+s4+$0x0], $0xffff;
	[tilespmem:s19+$0xFFFFFF90] =	vst v30  }
0x7f: {  	v30 =	vor.u32 v2, v12;
	v28 =	vld.idx.msk [tilespmem:v28+s4+$0x0], $0xffff;
	[tilespmem:s19+$0x10] =	vst v32  }
0x80: {  	v32 =	vor.u32 v3, v17;
	v26 =	vld.idx.msk [tilespmem:v26+s4+$0x0], $0xffff;
	[tilespmem:s19+$0x90] =	vst v23  }
0x81: {  	v23 =	vor.u32 v3, v18;
	v25 =	vld.idx.msk [tilespmem:v25+s4+$0x0], $0xffff;
	[tilespmem:s19+$0x120] =	vst v24  }
0x82: {  	v24 =	vor.u32 v3, v16;
	[tilespmem:s19+$0xFFFFFE10] =	vst v27;
	v20 =	vld.idx.msk [tilespmem:v20+s4+$0x0], $0xffff  }
0x83: {  	v27 =	vld.idx.msk [tilespmem:v31+s4+$0x0], $0xffff;
	v31 =	vor.u32 v3, v15;
	[tilespmem:s19+$0x190] =	vst v22  }
0x84: {  	v22 =	vor.u32 v4, v19;
	[tilespmem:s19+$0xFFFFFEA0] =	vst v29;
	v29 =	vld.idx.msk [tilespmem:v30+s4+$0x0], $0xffff  }
0x85: {  	v30 =	vld.idx.msk [tilespmem:v32+s4+$0x0], $0xffff;
	[tilespmem:s19+$0xFFFFFF20] =	vst v21;
	v21 =	vor.u32 v3, v14  }
0x86: {  	v32 =	vor.u32 v3, v13;
	v23 =	vld.idx.msk [tilespmem:v23+s4+$0x0], $0xffff;
	[tilespmem:s19+$0xFFFFFFA0] =	vst v28  }
0x87: {  	v24 =	vld.idx.msk [tilespmem:v24+s4+$0x0], $0xffff;
	[tilespmem:s19+$0x20] =	vst v26;
	v26 =	vor.u32 v3, v12  }
0x88: {  	v28 =	vor.u32 v4, v17;
	v31 =	vld.idx.msk [tilespmem:v31+s4+$0x0], $0xffff;
	[tilespmem:s19+$0x130] =	vst v20  }
0x89: {  	v20 =	vor.u32 v4, v18;
	[tilespmem:s19+$0xA0] =	vst v25;
	v22 =	vld.idx.msk [tilespmem:v22+s4+$0x0], $0xffff  }
0x8a: {  	v25 =	vor.u32 v4, v16;
	[tilespmem:s19+$0xFFFFFE20] =	vst v27;
	v21 =	vld.idx.msk [tilespmem:v21+s4+$0x0], $0xffff  }
0x8b: {  	v27 =	vld.idx.msk [tilespmem:v32+s4+$0x0], $0xffff;
	v32 =	vor.u32 v5, v19;
	[tilespmem:s19+$0x1A0] =	vst v29  }
0x8c: {  	v29 =	vor.u32 v4, v15;
	[tilespmem:s19+$0xFFFFFEB0] =	vst v30;
	v26 =	vld.idx.msk [tilespmem:v26+s4+$0x0], $0xffff  }
0x8d: {  	v28 =	vld.idx.msk [tilespmem:v28+s4+$0x0], $0xffff;
	[tilespmem:s19+$0xFFFFFF30] =	vst v23;
	v23 =	vor.u32 v4, v14  }
0x8e: {  	v30 =	vor.u32 v4, v13;
	v20 =	vld.idx.msk [tilespmem:v20+s4+$0x0], $0xffff;
	[tilespmem:s19+$0xFFFFFFB0] =	vst v24  }
0x8f: {  	v24 =	vld.idx.msk [tilespmem:v25+s4+$0x0], $0xffff;
	[tilespmem:s19+$0x140] =	vst v22;
	v22 =	vor.u32 v4, v12  }
0x90: {  	v25 =	vor.u32 v5, v17;
	[tilespmem:s19+$0x30] =	vst v31;
	v31 =	vld.idx.msk [tilespmem:v32+s4+$0x0], $0xffff  }
0x91: {  	v32 =	vor.u32 v5, v18;
	v29 =	vld.idx.msk [tilespmem:v29+s4+$0x0], $0xffff;
	[tilespmem:s19+$0xB0] =	vst v21  }
0x92: {  	[tilespmem:s19+$0xFFFFFE30] =	vst v27;
	v21 =	vld.idx.msk [tilespmem:v23+s4+$0x0], $0xffff;
	v23 =	vor.u32 v6, v19  }
0x93: {  	v27 =	vld.idx.msk [tilespmem:v30+s4+$0x0], $0xffff;
	v30 =	vor.u32 v5, v16;
	[tilespmem:s19+$0x1B0] =	vst v26  }
0x94: {  	v26 =	vor.u32 v5, v15;
	[tilespmem:s19+$0xFFFFFEC0] =	vst v28;
	v22 =	vld.idx.msk [tilespmem:v22+s4+$0x0], $0xffff  }
0x95: {  	v28 =	vld.idx.msk [tilespmem:v25+s4+$0x0], $0xffff;
	[tilespmem:s19+$0xFFFFFF40] =	vst v20;
	v20 =	vor.u32 v5, v14  }
0x96: {  	v33 =	vor.u32 v5, v13;
	v32 =	vld.idx.msk [tilespmem:v32+s4+$0x0], $0xffff;
	[tilespmem:s19+$0x150] =	vst v31  }
0x97: {  	v31 =	vor.u32 v5, v12;
	[tilespmem:s19+$0xFFFFFFC0] =	vst v24;
	v24 =	vld.idx.msk [tilespmem:v23+s4+$0x0], $0xffff  }
0x98: {  	v34 =	vor.u32 v6, v17;
	v35 =	vld.idx.msk [tilespmem:v30+s4+$0x0], $0xffff;
	[tilespmem:s19+$0x40] =	vst v29  }
0x99: {  	v36 =	vld.idx.msk [tilespmem:v26+s4+$0x0], $0xffff;
	[tilespmem:s19+$0xC0] =	vst v21;
	v21 =	vor.u32 v7, v19  }
0x9a: {  	v37 =	vor.u32 v6, v18;
	[tilespmem:s19+$0xFFFFFE40] =	vst v27;
	v25 =	vld.idx.msk [tilespmem:v20+s4+$0x0], $0xffff  }
0x9b: {  	v23 =	vld.idx.msk [tilespmem:v33+s4+$0x0], $0xffff;
	v33 =	vor.u32 v6, v16;
	[tilespmem:s19+$0x1C0] =	vst v22  }
.Ltmp0:
0x9c: {  	s22 =	sadd.s32 $0x4, s21;
	v30 =	vor.u32 v6, v15;
	[tilespmem:s19+$0xFFFFFED0] =	vst v28;
	v22 =	vld.idx.msk [tilespmem:v31+s4+$0x0], $0xffff;
	(pc) =	sbr.rel @p0 .LBB2_2-.Ltmp0, $4  }
0x9d: {  	v20 =	vmov s22;
	v27 =	vor.u32 v6, v14;
	v19 =	vld.idx.msk [tilespmem:v34+s4+$0x0], $0xffff;
	[tilespmem:s19+$0x160] =	vst v24  }
0x9e: {  	v29 =	vor.u32 v6, v13;
	v24 =	vand.u32 $0xFFFFFFFC, v20;
	[tilespmem:s19+$0xFFFFFF50] =	vst v32;
	v20 =	vld.idx.msk [tilespmem:v21+s4+$0x0], $0xffff  }
0x9f: {  	v28 =	vor.u32 v6, v12;
	v26 =	vbroadcast v24, $0x0;
	v21 =	vld.idx.msk [tilespmem:v37+s4+$0x0], $0xffff;
	[tilespmem:s19+$0xFFFFFFD0] =	vst v35  }
0xa0: {  	s21 =	sadd.s32 $0x8, s21;
	s22 =	sadd.s32 $0x6, s20;
	v24 =	vld.idx.msk [tilespmem:v33+s4+$0x0], $0xffff;
	[tilespmem:s19+$0x50] =	vst v36  }
0xa1: {  	_ =	sdelay $0x3  }
0xa2: {  	v31 =	vmov s22;
	v30 =	vld.idx.msk [tilespmem:v30+s4+$0x0], $0xffff;
	[tilespmem:s19+$0xD0] =	vst v25;
	v17 =	vor.u32 v7, v17  }
0xa3: {  	v18 =	vor.u32 v7, v18;
	[tilespmem:s19+$0x1D0] =	vst v22;
	v22 =	vmov s20;
	v26 =	vld.idx.msk [tilespmem:v26+s13+$0x0], $0xffff;
	v31 =	vand.u32 $0xFFFFFFFE, v31  }
0xa4: {  	s21 =	sadd.s32 $0x5, s20;
	[tilespmem:s19+$0xFFFFFE50] =	vst v23;
	v16 =	vor.u32 v7, v16;
	v23 =	vld.idx.msk [tilespmem:v27+s4+$0x0], $0xffff;
	v22 =	vand.u32 $0xFFFFFFF8, v22;
	v31 =	vbroadcast v31, $0x0  }
0xa5: {  	v25 =	vmov s21;
	v27 =	vld.idx.msk [tilespmem:v29+s4+$0x0], $0xffff;
	v22 =	vbroadcast v22, $0x0  }
0xa6: {  	v28 =	vld.idx.msk [tilespmem:v28+s4+$0x0], $0xffff;
	[tilespmem:s19+$0xFFFFFEE0] =	vst v19;
	v25 =	vand.u32 $0xFFFFFFFD, v25  }
0xa7: {  	v19 =	vor.u32 v7, v15;
	v25 =	vbroadcast v25, $0x0;
	[tilespmem:s19+$0xFFFFFF60] =	vst v21;
	v17 =	vld.idx.msk [tilespmem:v17+s4+$0x0], $0xffff  }
0xa8: {  	[tilespmem:s19+$0xFFFFFFE0] =	vst v24;
	v18 =	vld.idx.msk [tilespmem:v18+s4+$0x0], $0xffff  }
0xa9: {  	v14 =	vor.u32 v7, v14;
	v16 =	vld.idx.msk [tilespmem:v16+s4+$0x0], $0xffff  }
0xaa: {  	v11 =	vshll.u32 v11, $0x7;
	[tilespmem:s19+$0x170] =	vst v20;
	v20 =	vor.u32 v7, v12;
	v35 =	vld.idx.msk [tilespmem:v31+s13+$0x0], $0xffff  }
0xab: {  	v24 =	vor.u32 v0, v11;
	[tilespmem:s19+$0x60] =	vst v30;
	v22 =	vld.idx.msk [tilespmem:v22+s13+$0x0], $0xffff  }
0xac: {  	[tilespmem:s19+$0xE0] =	vst v23;
	v19 =	vld.idx.msk [tilespmem:v19+s4+$0x0], $0xffff  }
0xad: {  	v13 =	vor.u32 v7, v13;
	v9 =	vshll.u32 v9, $0x7;
	[tilespmem:s19+$0x1E0] =	vst v28;
	v21 =	vld.idx.msk [tilespmem:v25+s13+$0x0], $0xffff  }
0xae: {  	v12 =	vshll.u32 v26, $0x7;
	v25 =	vld.idx.msk [tilespmem:v14+s4+$0x0], $0xffff;
	[tilespmem:s19+$0xFFFFFEF0] =	vst v17;
	v17 =	vor.u32 v0, v9  }
0xaf: {  	[tilespmem:s19+$0xFFFFFF70] =	vst v18;
	v18 =	vld.idx.msk [tilespmem:v20+s4+$0x0], $0xffff;
	v20 =	vor.u32 v0, v12;
	v15 =	vshll.u32 v35, $0x7  }
0xb0: {  	v10 =	vshll.u32 v10, $0x7;
	v14 =	vshll.u32 v22, $0x7;
	v22 =	vld.idx.msk [tilespmem:v24+s4+$0x0], $0xffff;
	v23 =	vor.u32 v0, v15  }
0xb1: {  	[tilespmem:s19+$0xFFFFFE60] =	vst v27;
	v27 =	vor.u32 v0, v10  }
0xb2: {  	v36 =	vld.idx.msk [tilespmem:v13+s4+$0x0], $0xffff;
	[tilespmem:s19+$0x70] =	vst v19;
	v13 =	vshll.u32 v21, $0x7;
	v19 =	vor.u32 v0, v14  }
0xb3: {  	[tilespmem:s19+$0xFFFFFFF0] =	vst v16;
	v16 =	vor.u32 v0, v13;
	v17 =	vld.idx.msk [tilespmem:v17+s4+$0x0], $0xffff  }
0xb4: {  	s24 =	sadd.s32 $0x400, s19;
	[tilespmem:s19+$0x1F0] =	vst v18;
	v18 =	vor.u32 v1, v11;
	v20 =	vld.idx.msk [tilespmem:v20+s4+$0x0], $0xffff  }
0xb5: {  	v8 =	vshll.u32 v8, $0x7;
	[tilespmem:s24+$0xFFFFFE80] =	vst v22;
	v22 =	vor.u32 v1, v12;
	v21 =	vld.idx.msk [tilespmem:v23+s4+$0x0], $0xffff  }
0xb6: {  	[tilespmem:s19+$0xF0] =	vst v25;
	v25 =	vor.u32 v0, v8;
	v23 =	vld.idx.msk [tilespmem:v27+s4+$0x0], $0xffff  }
0xb7: {  	v24 =	vor.u32 v1, v15;
	v19 =	vld.idx.msk [tilespmem:v19+s4+$0x0], $0xffff  }
0xb8: {  	v26 =	vor.u32 v1, v10;
	v16 =	vld.idx.msk [tilespmem:v16+s4+$0x0], $0xffff;
	[tilespmem:s24+$0xFFFFFF80] =	vst v17  }
0xb9: {  	v17 =	vld.idx.msk [tilespmem:v18+s4+$0x0], $0xffff;
	[tilespmem:s24+$0x0] =	vst v20;
	v20 =	vor.u32 v1, v14  }
0xba: {  	v22 =	vld.idx.msk [tilespmem:v22+s4+$0x0], $0xffff;
	[tilespmem:s24+$0x100] =	vst v21  }
0xbb: {  	v21 =	vor.u32 v1, v9;
	[tilespmem:s24+$0xFFFFFF00] =	vst v23;
	v23 =	vld.idx.msk [tilespmem:v25+s4+$0x0], $0xffff  }
0xbc: {  	v25 =	vor.u32 v1, v13;
	v24 =	vld.idx.msk [tilespmem:v24+s4+$0x0], $0xffff  }
0xbd: {  	[tilespmem:s24+$0xFFFFFE00] =	vst v19;
	v19 =	vor.u32 v2, v11;
	v26 =	vld.idx.msk [tilespmem:v26+s4+$0x0], $0xffff  }
0xbe: {  	[tilespmem:s24+$0xFFFFFE90] =	vst v17;
	v17 =	vld.idx.msk [tilespmem:v20+s4+$0x0], $0xffff;
	v20 =	vor.u32 v2, v12  }
0xbf: {  	v18 =	vor.u32 v2, v15;
	[tilespmem:s24+$0x80] =	vst v16  }
0xc0: {  	[tilespmem:s24+$0x10] =	vst v22;
	v16 =	vld.idx.msk [tilespmem:v21+s4+$0x0], $0xffff  }
0xc1: {  	v21 =	vor.u32 v1, v8;
	v25 =	vld.idx.msk [tilespmem:v25+s4+$0x0], $0xffff;
	[tilespmem:s24+$0x180] =	vst v23  }
0xc2: {  	v22 =	vor.u32 v2, v14;
	v19 =	vld.idx.msk [tilespmem:v19+s4+$0x0], $0xffff;
	[tilespmem:s24+$0x110] =	vst v24  }
0xc3: {  	v24 =	vor.u32 v2, v10;
	[tilespmem:s24+$0xFFFFFF10] =	vst v26;
	v20 =	vld.idx.msk [tilespmem:v20+s4+$0x0], $0xffff  }
0xc4: {  	v23 =	vor.u32 v2, v9;
	[tilespmem:s24+$0xFFFFFE10] =	vst v17;
	v18 =	vld.idx.msk [tilespmem:v18+s4+$0x0], $0xffff  }
0xc5: {  	v26 =	vor.u32 v3, v15;
	[tilespmem:s24+$0xFFFFFF90] =	vst v16  }
0xc6: {  	v21 =	vld.idx.msk [tilespmem:v21+s4+$0x0], $0xffff;
	v16 =	vor.u32 v2, v13;
	[tilespmem:s24+$0x90] =	vst v25  }
0xc7: {  	v25 =	vor.u32 v2, v8;
	[tilespmem:s24+$0xFFFFFEA0] =	vst v19;
	v19 =	vld.idx.msk [tilespmem:v22+s4+$0x0], $0xffff  }
0xc8: {  	v24 =	vld.idx.msk [tilespmem:v24+s4+$0x0], $0xffff;
	[tilespmem:s24+$0x20] =	vst v20;
	v20 =	vor.u32 v3, v14  }
0xc9: {  	v23 =	vld.idx.msk [tilespmem:v23+s4+$0x0], $0xffff;
	[tilespmem:s24+$0x120] =	vst v18;
	v18 =	vor.u32 v3, v11  }
0xca: {  	v17 =	vor.u32 v3, v10;
	v26 =	vld.idx.msk [tilespmem:v26+s4+$0x0], $0xffff  }
0xcb: {  	v22 =	vor.u32 v4, v15;
	[tilespmem:s24+$0x190] =	vst v21;
	v16 =	vld.idx.msk [tilespmem:v16+s4+$0x0], $0xffff  }
0xcc: {  	v21 =	vor.u32 v3, v9;
	[tilespmem:s24+$0xFFFFFE20] =	vst v19;
	v25 =	vld.idx.msk [tilespmem:v25+s4+$0x0], $0xffff  }
0xcd: {  	[tilespmem:s24+$0xFFFFFF20] =	vst v24;
	v24 =	vor.u32 v3, v12;
	v20 =	vld.idx.msk [tilespmem:v20+s4+$0x0], $0xffff  }
0xce: {  	[tilespmem:s24+$0xFFFFFFA0] =	vst v23;
	v18 =	vld.idx.msk [tilespmem:v18+s4+$0x0], $0xffff  }
0xcf: {  	v23 =	vor.u32 v3, v13;
	v17 =	vld.idx.msk [tilespmem:v17+s4+$0x0], $0xffff;
	[tilespmem:s24+$0x130] =	vst v26  }
0xd0: {  	[tilespmem:s19+$0xFFFFFE70] =	vst v36;
	v26 =	vor.u32 v3, v8;
	v22 =	vld.idx.msk [tilespmem:v22+s4+$0x0], $0xffff  }
0xd1: {  	v21 =	vld.idx.msk [tilespmem:v21+s4+$0x0], $0xffff;
	[tilespmem:s24+$0xA0] =	vst v16;
	v16 =	vor.u32 v4, v11  }
0xd2: {  	v19 =	vld.idx.msk [tilespmem:v24+s4+$0x0], $0xffff;
	v24 =	vor.u32 v4, v10;
	[tilespmem:s24+$0x1A0] =	vst v25  }
0xd3: {  	v25 =	vor.u32 v5, v15;
	[tilespmem:s24+$0xFFFFFE30] =	vst v20  }
0xd4: {  	v23 =	vld.idx.msk [tilespmem:v23+s4+$0x0], $0xffff;
	[tilespmem:s24+$0xFFFFFEB0] =	vst v18;
	v18 =	vor.u32 v4, v9  }
0xd5: {  	[tilespmem:s24+$0xFFFFFF30] =	vst v17;
	v17 =	vor.u32 v4, v12;
	v26 =	vld.idx.msk [tilespmem:v26+s4+$0x0], $0xffff  }
0xd6: {  	[tilespmem:s24+$0xFFFFFFB0] =	vst v21;
	v16 =	vld.idx.msk [tilespmem:v16+s4+$0x0], $0xffff;
	v21 =	vor.u32 v4, v13  }
0xd7: {  	[tilespmem:s24+$0x140] =	vst v22;
	v22 =	vor.u32 v4, v14;
	v24 =	vld.idx.msk [tilespmem:v24+s4+$0x0], $0xffff  }
0xd8: {  	[tilespmem:s24+$0x30] =	vst v19;
	v19 =	vor.u32 v4, v8;
	v25 =	vld.idx.msk [tilespmem:v25+s4+$0x0], $0xffff  }
0xd9: {  	[tilespmem:s24+$0xB0] =	vst v23;
	v23 =	vor.u32 v5, v11;
	v18 =	vld.idx.msk [tilespmem:v18+s4+$0x0], $0xffff  }
0xda: {  	v20 =	vor.u32 v6, v15;
	v17 =	vld.idx.msk [tilespmem:v17+s4+$0x0], $0xffff;
	[tilespmem:s24+$0x1B0] =	vst v26  }
0xdb: {  	v26 =	vor.u32 v5, v10;
	v21 =	vld.idx.msk [tilespmem:v21+s4+$0x0], $0xffff;
	[tilespmem:s24+$0xFFFFFEC0] =	vst v16  }
0xdc: {  	v16 =	vld.idx.msk [tilespmem:v22+s4+$0x0], $0xffff;
	v22 =	vor.u32 v5, v9;
	[tilespmem:s24+$0xFFFFFF40] =	vst v24  }
0xdd: {  	v24 =	vor.u32 v5, v12;
	v19 =	vld.idx.msk [tilespmem:v19+s4+$0x0], $0xffff;
	[tilespmem:s24+$0x150] =	vst v25  }
0xde: {  	v23 =	vld.idx.msk [tilespmem:v23+s4+$0x0], $0xffff;
	v25 =	vor.u32 v5, v13;
	[tilespmem:s24+$0xFFFFFFC0] =	vst v18  }
0xdf: {  	v18 =	vor.u32 v5, v14;
	v20 =	vld.idx.msk [tilespmem:v20+s4+$0x0], $0xffff;
	[tilespmem:s24+$0x40] =	vst v17  }
0xe0: {  	v17 =	vld.idx.msk [tilespmem:v26+s4+$0x0], $0xffff;
	v26 =	vor.u32 v5, v8;
	[tilespmem:s24+$0xC0] =	vst v21  }
0xe1: {  	v15 =	vor.u32 v7, v15;
	v21 =	vld.idx.msk [tilespmem:v22+s4+$0x0], $0xffff;
	[tilespmem:s24+$0xFFFFFE40] =	vst v16  }
0xe2: {  	v16 =	vor.u32 v6, v11;
	v22 =	vld.idx.msk [tilespmem:v24+s4+$0x0], $0xffff;
	[tilespmem:s24+$0x1C0] =	vst v19  }
0xe3: {  	v19 =	vor.u32 v6, v10;
	v24 =	vld.idx.msk [tilespmem:v25+s4+$0x0], $0xffff;
	[tilespmem:s24+$0xFFFFFED0] =	vst v23  }
0xe4: {  	v23 =	vor.u32 v6, v9;
	v18 =	vld.idx.msk [tilespmem:v18+s4+$0x0], $0xffff;
	[tilespmem:s24+$0x160] =	vst v20  }
0xe5: {  	v20 =	vor.u32 v6, v12;
	v25 =	vld.idx.msk [tilespmem:v26+s4+$0x0], $0xffff;
	[tilespmem:s24+$0xFFFFFF50] =	vst v17  }
0xe6: {  	v17 =	vor.u32 v6, v13;
	v15 =	vld.idx.msk [tilespmem:v15+s4+$0x0], $0xffff;
	[tilespmem:s24+$0xFFFFFFD0] =	vst v21  }
0xe7: {  	v16 =	vld.idx.msk [tilespmem:v16+s4+$0x0], $0xffff;
	v21 =	vor.u32 v6, v14;
	[tilespmem:s24+$0x50] =	vst v22  }
0xe8: {  	v19 =	vld.idx.msk [tilespmem:v19+s4+$0x0], $0xffff;
	v22 =	vor.u32 v6, v8;
	[tilespmem:s24+$0xD0] =	vst v24  }
0xe9: {  	v11 =	vor.u32 v7, v11;
	v23 =	vld.idx.msk [tilespmem:v23+s4+$0x0], $0xffff;
	[tilespmem:s24+$0xFFFFFE50] =	vst v18  }
0xea: {  	v10 =	vor.u32 v7, v10;
	v18 =	vld.idx.msk [tilespmem:v20+s4+$0x0], $0xffff;
	[tilespmem:s24+$0x1D0] =	vst v25  }
0xeb: {  	v9 =	vor.u32 v7, v9;
	v17 =	vld.idx.msk [tilespmem:v17+s4+$0x0], $0xffff;
	[tilespmem:s24+$0x170] =	vst v15  }
0xec: {  	v12 =	vor.u32 v7, v12;
	v15 =	vld.idx.msk [tilespmem:v21+s4+$0x0], $0xffff;
	[tilespmem:s24+$0xFFFFFEE0] =	vst v16  }
0xed: {  	v13 =	vor.u32 v7, v13;
	v16 =	vld.idx.msk [tilespmem:v22+s4+$0x0], $0xffff;
	[tilespmem:s24+$0xFFFFFF60] =	vst v19  }
0xee: {  	v14 =	vor.u32 v7, v14;
	v11 =	vld.idx.msk [tilespmem:v11+s4+$0x0], $0xffff;
	[tilespmem:s24+$0xFFFFFFE0] =	vst v23  }
0xef: {  	v8 =	vor.u32 v7, v8;
	v10 =	vld.idx.msk [tilespmem:v10+s4+$0x0], $0xffff;
	[tilespmem:s24+$0x60] =	vst v18  }
0xf0: {  	v9 =	vld.idx.msk [tilespmem:v9+s4+$0x0], $0xffff;
	[tilespmem:s24+$0xE0] =	vst v17  }
0xf1: {  	v12 =	vld.idx.msk [tilespmem:v12+s4+$0x0], $0xffff;
	[tilespmem:s24+$0xFFFFFE60] =	vst v15  }
0xf2: {  	v13 =	vld.idx.msk [tilespmem:v13+s4+$0x0], $0xffff;
	[tilespmem:s24+$0x1E0] =	vst v16  }
0xf3: {  	s28 =	simm.s32 $0x146;
	v14 =	vld.idx.msk [tilespmem:v14+s4+$0x0], $0xffff;
	[tilespmem:s24+$0xFFFFFEF0] =	vst v11  }
0xf4: {  	s25 =	simm.s32 $0x140;
	s26 =	simm.s32 $0x141;
	v11 =	vmov s28;
	[tilespmem:s24+$0xFFFFFF70] =	vst v10;
	v8 =	vld.idx.msk [tilespmem:v8+s4+$0x0], $0xffff  }
0xf5: {  	s29 =	simm.s32 $0x147;
	v10 =	vmov s25;
	[tilespmem:s24+$0xFFFFFFF0] =	vst v9;
	v9 =	vmov s26;
	v11 =	vand.u32 $0xFFFFFFFE, v11  }
0xf6: {  	s30 =	simm.s32 $0x142;
	v10 =	vand.u32 $0xFFFFFFF8, v10;
	[tilespmem:s24+$0x70] =	vst v12;
	v12 =	vmov s29;
	v11 =	vbroadcast v11, $0x0  }
0xf7: {  	s22 =	simm.s32 $0x145;
	v9 =	vand.u32 $0xFFFFFFF9, v9;
	v10 =	vbroadcast v10, $0x0;
	[tilespmem:s24+$0xF0] =	vst v13;
	v13 =	vmov s30  }
0xf8: {  	s31 =	simm.s32 $0x143;
	v15 =	vmov s22;
	v9 =	vbroadcast v9, $0x0;
	v13 =	vand.u32 $0xFFFFFFFA, v13;
	[tilespmem:s24+$0xFFFFFE70] =	vst v14  }
0xf9: {  	s21 =	simm.s32 $0x144;
	v15 =	vand.u32 $0xFFFFFFFD, v15;
	v14 =	vmov s31;
	[tilespmem:s24+$0x1F0] =	vst v8;
	v8 =	vbroadcast v13, $0x0  }
0xfa: {  	v15 =	vbroadcast v15, $0x0;
	v13 =	vand.u32 $0xFFFFFFFB, v14;
	v14 =	vmov s21;
	[hbm4b:s6+s4] =	stream.linear.scatter [tilespmem:s14], [sflag:$0x1], $0xA000, $0x38;
	[tilespmem:$0x1B800] =	vst v63  }
0xfb: {  	s23 =	simm.s32 $0x148;
	v13 =	vbroadcast v13, $0x0;
	v14 =	vand.u32 $0xFFFFFFFC, v14;
	v12 =	vld.idx.msk [tilespmem:v12+s13+$0x0], $0xffff  }
0xfc: {  	v16 =	vmov s23;
	s25 =	simm.s32 $0x14F;
	s24 =	simm.s32 $0x149;
	v14 =	vbroadcast v14, $0x0;
	v11 =	vld.idx.msk [tilespmem:v11+s13+$0x0], $0xffff  }
0xfd: {  	v16 =	vand.u32 $0xFFFFFFF8, v16;
	s26 =	simm.s32 $0x14A;
	v18 =	vmov s25;
	v17 =	vmov s24;
	v10 =	vld.idx.msk [tilespmem:v10+s13+$0x0], $0xffff  }
0xfe: {  	v16 =	vbroadcast v16, $0x0;
	v19 =	vmov s26;
	v17 =	vand.u32 $0xFFFFFFF9, v17;
	v9 =	vld.idx.msk [tilespmem:v9+s13+$0x0], $0xffff  }
0xff: {  	v21 =	vbroadcast v17, $0x0;
	v20 =	vld.idx.msk [tilespmem:v8+s13+$0x0], $0xffff;
	v8 =	vand.u32 $0xFFFFFFFA, v19  }
0x100: {  	v23 =	vld.idx.msk [tilespmem:v15+s13+$0x0], $0xffff;
	v22 =	vbroadcast v8, $0x0  }
0x101: {  	v13 =	vld.idx.msk [tilespmem:v13+s13+$0x0], $0xffff;
	v12 =	vshll.u32 v12, $0x7  }
0x102: {  	v19 =	vshll.u32 v11, $0x7;
	v14 =	vld.idx.msk [tilespmem:v14+s13+$0x0], $0xffff;
	v24 =	vor.u32 v0, v12  }
0x103: {  	v8 =	vld.idx.msk [tilespmem:v18+s13+$0x0], $0xffff;
	v17 =	vshll.u32 v10, $0x7;
	v25 =	vor.u32 v0, v19  }
0x104: {  	v11 =	vld.idx.msk [tilespmem:v16+s13+$0x0], $0xffff;
	v18 =	vshll.u32 v9, $0x7;
	v26 =	vor.u32 v0, v17  }
0x105: {  	v10 =	vld.idx.msk [tilespmem:v21+s13+$0x0], $0xffff;
	v21 =	vor.u32 v0, v18;
	v16 =	vshll.u32 v20, $0x7  }
0x106: {  	v20 =	vor.u32 v0, v16;
	v15 =	vshll.u32 v13, $0x7;
	v9 =	vld.idx.msk [tilespmem:v22+s13+$0x0], $0xffff  }
0x107: {  	v22 =	vor.u32 v0, v15;
	v14 =	vshll.u32 v14, $0x7;
	v24 =	vld.idx.msk [tilespmem:v24+s4+$0x0], $0xffff  }
0x108: {  	v13 =	vshll.u32 v23, $0x7;
	v23 =	vld.idx.msk [tilespmem:v25+s4+$0x0], $0xffff;
	v27 =	vor.u32 v0, v14  }
0x109: {  	v25 =	vld.idx.msk [tilespmem:v26+s4+$0x0], $0xffff;
	v26 =	vor.u32 v0, v13  }
0x10a: {  	v37 =	vor.u32 v1, v19;
	v21 =	vld.idx.msk [tilespmem:v21+s4+$0x0], $0xffff  }
0x10b: {  	v38 =	vor.u32 v1, v17;
	v20 =	vld.idx.msk [tilespmem:v20+s4+$0x0], $0xffff  }
0x10c: {  	s19 =	simm.s32 $0x11A00;
	v39 =	vor.u32 v1, v18;
	v22 =	vld.idx.msk [tilespmem:v22+s4+$0x0], $0xffff  }
0x10d: {  	v40 =	vor.u32 v1, v16;
	[tilespmem:s19+$0x100] =	vst v23;
	v27 =	vld.idx.msk [tilespmem:v27+s4+$0x0], $0xffff  }
0x10e: {  	v32 =	vor.u32 v1, v15;
	[tilespmem:s19+$0x180] =	vst v24;
	v26 =	vld.idx.msk [tilespmem:v26+s4+$0x0], $0xffff  }
0x10f: {  	v23 =	vor.u32 v1, v14;
	[tilespmem:s19+$0xFFFFFE00] =	vst v25;
	v25 =	vld.idx.msk [tilespmem:v37+s4+$0x0], $0xffff  }
0x110: {  	[tilespmem:s19+$0xFFFFFE80] =	vst v21;
	v21 =	vor.u32 v1, v13;
	v41 =	vld.idx.msk [tilespmem:v38+s4+$0x0], $0xffff  }
0x111: {  	v44 =	vor.u32 v2, v17;
	v42 =	vld.idx.msk [tilespmem:v39+s4+$0x0], $0xffff;
	[tilespmem:s19+$0xFFFFFF00] =	vst v20  }
0x112: {  	v20 =	vor.u32 v2, v19;
	v43 =	vld.idx.msk [tilespmem:v40+s4+$0x0], $0xffff;
	[tilespmem:s19+$0xFFFFFF80] =	vst v22  }
0x113: {  	v22 =	vor.u32 v1, v12;
	v32 =	vld.idx.msk [tilespmem:v32+s4+$0x0], $0xffff;
	[tilespmem:s19+$0x0] =	vst v27  }
0x114: {  	v27 =	vor.u32 v2, v18;
	[tilespmem:s19+$0x80] =	vst v26;
	v23 =	vld.idx.msk [tilespmem:v23+s4+$0x0], $0xffff  }
0x115: {  	v26 =	vor.u32 v2, v16;
	v21 =	vld.idx.msk [tilespmem:v21+s4+$0x0], $0xffff;
	[tilespmem:s19+$0xFFFFFE10] =	vst v41  }
0x116: {  	[tilespmem:s19+$0x110] =	vst v25;
	v25 =	vor.u32 v2, v15;
	v28 =	vld.idx.msk [tilespmem:v44+s4+$0x0], $0xffff  }
0x117: {  	v24 =	vor.u32 v2, v14;
	[tilespmem:s19+$0xFFFFFE90] =	vst v42;
	v20 =	vld.idx.msk [tilespmem:v20+s4+$0x0], $0xffff  }
0x118: {  	v46 =	vor.u32 v2, v13;
	v22 =	vld.idx.msk [tilespmem:v22+s4+$0x0], $0xffff;
	[tilespmem:s19+$0xFFFFFF10] =	vst v43  }
0x119: {  	v48 =	vor.u32 v3, v17;
	v27 =	vld.idx.msk [tilespmem:v27+s4+$0x0], $0xffff;
	[tilespmem:s19+$0xFFFFFF90] =	vst v32  }
0x11a: {  	v45 =	vor.u32 v3, v19;
	v26 =	vld.idx.msk [tilespmem:v26+s4+$0x0], $0xffff;
	[tilespmem:s19+$0x10] =	vst v23  }
0x11b: {  	v47 =	vor.u32 v2, v12;
	v25 =	vld.idx.msk [tilespmem:v25+s4+$0x0], $0xffff;
	[tilespmem:s19+$0x90] =	vst v21  }
0x11c: {  	v23 =	vor.u32 v3, v18;
	v24 =	vld.idx.msk [tilespmem:v24+s4+$0x0], $0xffff;
	[tilespmem:s19+$0xFFFFFE20] =	vst v28  }
0x11d: {  	v49 =	vor.u32 v3, v15;
	v30 =	vld.idx.msk [tilespmem:v46+s4+$0x0], $0xffff;
	[tilespmem:s19+$0x120] =	vst v20  }
0x11e: {  	v20 =	vor.u32 v3, v16;
	v51 =	vld.idx.msk [tilespmem:v48+s4+$0x0], $0xffff;
	[tilespmem:s19+$0x190] =	vst v22  }
0x11f: {  	v52 =	vor.u32 v4, v17;
	v21 =	vld.idx.msk [tilespmem:v45+s4+$0x0], $0xffff;
	[tilespmem:s19+$0xFFFFFEA0] =	vst v27  }
0x120: {  	v22 =	vor.u32 v4, v19;
	v50 =	vld.idx.msk [tilespmem:v47+s4+$0x0], $0xffff;
	[tilespmem:s19+$0xFFFFFF20] =	vst v26  }
0x121: {  	v27 =	vor.u32 v3, v14;
	v23 =	vld.idx.msk [tilespmem:v23+s4+$0x0], $0xffff;
	[tilespmem:s19+$0xFFFFFFA0] =	vst v25  }
0x122: {  	v26 =	vor.u32 v3, v13;
	v29 =	vld.idx.msk [tilespmem:v49+s4+$0x0], $0xffff;
	[tilespmem:s19+$0x20] =	vst v24  }
0x123: {  	v25 =	vor.u32 v3, v12;
	v20 =	vld.idx.msk [tilespmem:v20+s4+$0x0], $0xffff;
	[tilespmem:s19+$0xFFFFFE30] =	vst v51  }
0x124: {  	v54 =	vor.u32 v4, v15;
	[tilespmem:s19+$0x130] =	vst v21;
	v31 =	vld.idx.msk [tilespmem:v52+s4+$0x0], $0xffff  }
0x125: {  	[tilespmem:s19+$0xA0] =	vst v30;
	v21 =	vor.u32 v4, v18;
	v22 =	vld.idx.msk [tilespmem:v22+s4+$0x0], $0xffff  }
0x126: {  	v24 =	vor.u32 v4, v16;
	v27 =	vld.idx.msk [tilespmem:v27+s4+$0x0], $0xffff;
	[tilespmem:s19+$0x1A0] =	vst v50  }
0x127: {  	v55 =	vor.u32 v5, v17;
	v26 =	vld.idx.msk [tilespmem:v26+s4+$0x0], $0xffff;
	[tilespmem:s19+$0xFFFFFEB0] =	vst v23  }
0x128: {  	v53 =	vor.u32 v5, v19;
	v25 =	vld.idx.msk [tilespmem:v25+s4+$0x0], $0xffff;
	[tilespmem:s19+$0xFFFFFFB0] =	vst v29  }
0x129: {  	v23 =	vor.u32 v4, v14;
	[tilespmem:s19+$0xFFFFFF30] =	vst v20;
	v28 =	vld.idx.msk [tilespmem:v54+s4+$0x0], $0xffff  }
0x12a: {  	v20 =	vor.u32 v4, v13;
	v21 =	vld.idx.msk [tilespmem:v21+s4+$0x0], $0xffff;
	[tilespmem:s19+$0xFFFFFE40] =	vst v31  }
0x12b: {  	v24 =	vld.idx.msk [tilespmem:v24+s4+$0x0], $0xffff;
	[tilespmem:s19+$0x140] =	vst v22;
	v22 =	vor.u32 v4, v12  }
0x12c: {  	v57 =	vor.u32 v5, v18;
	[tilespmem:s19+$0x30] =	vst v27;
	v31 =	vld.idx.msk [tilespmem:v55+s4+$0x0], $0xffff  }
0x12d: {  	v56 =	vld.idx.msk [tilespmem:v53+s4+$0x0], $0xffff;
	[tilespmem:s19+$0x1B0] =	vst v25;
	v25 =	vor.u32 v5, v15  }
0x12e: {  	[tilespmem:s19+$0xB0] =	vst v26;
	v26 =	vor.u32 v6, v19;
	v23 =	vld.idx.msk [tilespmem:v23+s4+$0x0], $0xffff  }
0x12f: {  	v59 =	vor.u32 v6, v17;
	v20 =	vld.idx.msk [tilespmem:v20+s4+$0x0], $0xffff;
	[tilespmem:s19+$0xFFFFFFC0] =	vst v28  }
0x130: {  	v27 =	vor.u32 v5, v16;
	[tilespmem:s19+$0xFFFFFEC0] =	vst v21;
	v22 =	vld.idx.msk [tilespmem:v22+s4+$0x0], $0xffff  }
0x131: {  	v21 =	vor.u32 v5, v14;
	[tilespmem:s19+$0xFFFFFF40] =	vst v24;
	v30 =	vld.idx.msk [tilespmem:v57+s4+$0x0], $0xffff  }
0x132: {  	v58 =	vor.u32 v5, v13;
	[tilespmem:s19+$0x150] =	vst v56;
	v25 =	vld.idx.msk [tilespmem:v25+s4+$0x0], $0xffff  }
0x133: {  	[tilespmem:s19+$0xFFFFFE50] =	vst v31;
	v24 =	vld.idx.msk [tilespmem:v26+s4+$0x0], $0xffff;
	v26 =	vor.u32 v5, v12  }
0x134: {  	[tilespmem:s19+$0x40] =	vst v23;
	v23 =	vor.u32 v6, v18;
	v29 =	vld.idx.msk [tilespmem:v59+s4+$0x0], $0xffff  }
0x135: {  	v34 =	vor.u32 v7, v17;
	v27 =	vld.idx.msk [tilespmem:v27+s4+$0x0], $0xffff;
	[tilespmem:s19+$0xC0] =	vst v20  }
0x136: {  	v19 =	vor.u32 v7, v19;
	v60 =	vld.idx.msk [tilespmem:v21+s4+$0x0], $0xffff;
	[tilespmem:s19+$0x1C0] =	vst v22  }
0x137: {  	v20 =	vor.u32 v6, v16;
	v32 =	vld.idx.msk [tilespmem:v58+s4+$0x0], $0xffff;
	[tilespmem:s19+$0xFFFFFED0] =	vst v30  }
0x138: {  	s28 =	simm.s32 $0x14B;
	v21 =	vor.u32 v6, v15;
	[tilespmem:s19+$0xFFFFFFD0] =	vst v25;
	v22 =	vld.idx.msk [tilespmem:v26+s4+$0x0], $0xffff  }
0x139: {  	v33 =	vld.idx.msk [tilespmem:v23+s4+$0x0], $0xffff;
	v23 =	vor.u32 v6, v12;
	[tilespmem:s19+$0xFFFFFE60] =	vst v29;
	v26 =	vmov s28  }
0x13a: {  	v61 =	vor.u32 v6, v14;
	v25 =	vor.u32 v7, v16;
	[tilespmem:s19+$0x160] =	vst v24;
	v16 =	vld.idx.msk [tilespmem:v34+s4+$0x0], $0xffff;
	v24 =	vand.u32 $0xFFFFFFFB, v26  }
0x13b: {  	s29 =	simm.s32 $0x14E;
	[tilespmem:s19+$0xFFFFFF50] =	vst v27;
	v26 =	vor.u32 v6, v13;
	v62 =	vld.idx.msk [tilespmem:v19+s4+$0x0], $0xffff;
	v24 =	vbroadcast v24, $0x0  }
0x13c: {  	v17 =	vmov s29;
	v27 =	vld.idx.msk [tilespmem:v20+s4+$0x0], $0xffff  }
0x13d: {  	v63 =	vor.u32 v7, v18;
	v20 =	vand.u32 $0xFFFFFFFE, v17;
	v21 =	vld.idx.msk [tilespmem:v21+s4+$0x0], $0xffff;
	[tilespmem:s19+$0x1D0] =	vst v22  }
0x13e: {  	[tilespmem:s19+$0x50] =	vst v60;
	v17 =	vld.idx.msk [tilespmem:v23+s4+$0x0], $0xffff;
	v23 =	vbroadcast v20, $0x0  }
0x13f: {  	[tilespmem:s19+$0xD0] =	vst v32;
	v19 =	vld.idx.msk [tilespmem:v61+s4+$0x0], $0xffff  }
0x140: {  	s30 =	simm.s32 $0x14C;
	[tilespmem:s19+$0xFFFFFEE0] =	vst v33;
	v22 =	vor.u32 v7, v15;
	v18 =	vld.idx.msk [tilespmem:v26+s4+$0x0], $0xffff  }
0x141: {  	s31 =	simm.s32 $0x14D;
	v15 =	vmov s30;
	[tilespmem:s19+$0x170] =	vst v62;
	v20 =	vld.idx.msk [tilespmem:v24+s13+$0x0], $0xffff;
	v24 =	vor.u32 v7, v14  }
0x142: {  	s20 =	simm.s32 $0x8;
	v13 =	vor.u32 v7, v13;
	v15 =	vand.u32 $0xFFFFFFFC, v15;
	v26 =	vmov s31;
	[tilespmem:s19+$0xFFFFFF60] =	vst v27;
	v14 =	vld.idx.msk [tilespmem:v63+s4+$0x0], $0xffff  }
.LBB2_4:
0x143: {  	s22 =	sadd.s32 $0x148, s20;
	v15 =	vbroadcast v15, $0x0;
	v26 =	vand.u32 $0xFFFFFFFD, v26;
	v25 =	vld.idx.msk [tilespmem:v25+s4+$0x0], $0xffff;
	[tilespmem:s19+$0xFFFFFFE0] =	vst v21;
	v12 =	vor.u32 v7, v12;
	s21 =	smov.u32 s20  }
0x144: {  	s23 =	sadd.s32 $0x14F, s20;
	v21 =	vmov s22;
	s22 =	sadd.s32 $0x149, s20;
	v26 =	vbroadcast v26, $0x0;
	v23 =	vld.idx.msk [tilespmem:v23+s13+$0x0], $0xffff;
	[tilespmem:s19+$0x60] =	vst v19  }
0x145: {  	v27 =	vmov s23;
	v19 =	vand.u32 $0xFFFFFFF8, v21;
	v21 =	vmov s22;
	s22 =	sadd.s32 $0x14A, s20;
	v22 =	vld.idx.msk [tilespmem:v22+s4+$0x0], $0xffff;
	[tilespmem:s19+$0xE0] =	vst v18  }
0x146: {  	v18 =	vbroadcast v19, $0x0;
	v19 =	vand.u32 $0xFFFFFFF9, v21;
	v21 =	vmov s22;
	v24 =	vld.idx.msk [tilespmem:v24+s4+$0x0], $0xffff;
	[tilespmem:s19+$0x1E0] =	vst v17  }
0x147: {  	v28 =	vbroadcast v19, $0x0;
	v17 =	vand.u32 $0xFFFFFFFA, v21;
	[tilespmem:s19+$0xFFFFFE70] =	vst v16;
	v13 =	vld.idx.msk [tilespmem:v13+s4+$0x0], $0xffff  }
0x148: {  	v21 =	vbroadcast v17, $0x0;
	[tilespmem:s19+$0xFFFFFEF0] =	vst v14;
	v14 =	vld.idx.msk [tilespmem:v12+s4+$0x0], $0xffff  }
0x149: {  	v12 =	vshll.u32 v8, $0x7;
	v29 =	vld.idx.msk [tilespmem:v15+s13+$0x0], $0xffff;
	[tilespmem:s19+$0xFFFFFF70] =	vst v25  }
0x14a: {  	v19 =	vshll.u32 v23, $0x7;
	v23 =	vor.u32 v0, v12;
	v25 =	vld.idx.msk [tilespmem:v26+s13+$0x0], $0xffff  }
0x14b: {  	v16 =	vshll.u32 v11, $0x7;
	v26 =	vor.u32 v0, v19;
	v8 =	vld.idx.msk [tilespmem:v27+s13+$0x0], $0xffff;
	[tilespmem:s19+$0xFFFFFFF0] =	vst v22  }
0x14c: {  	v17 =	vshll.u32 v10, $0x7;
	v22 =	vor.u32 v0, v16;
	v11 =	vld.idx.msk [tilespmem:v18+s13+$0x0], $0xffff;
	[tilespmem:s19+$0x70] =	vst v24  }
0x14d: {  	v24 =	vor.u32 v0, v17;
	v18 =	vshll.u32 v9, $0x7;
	v10 =	vld.idx.msk [tilespmem:v28+s13+$0x0], $0xffff;
	[tilespmem:s19+$0xF0] =	vst v13  }
0x14e: {  	v15 =	vshll.u32 v20, $0x7;
	v9 =	vld.idx.msk [tilespmem:v21+s13+$0x0], $0xffff;
	v21 =	vor.u32 v0, v18;
	[tilespmem:s19+$0x1F0] =	vst v14  }
0x14f: {  	v20 =	vor.u32 v0, v15;
	v14 =	vshll.u32 v29, $0x7;
	v23 =	vld.idx.msk [tilespmem:v23+s4+$0x0], $0xffff  }
0x150: {  	v27 =	vor.u32 v0, v14;
	v13 =	vshll.u32 v25, $0x7;
	v25 =	vld.idx.msk [tilespmem:v26+s4+$0x0], $0xffff  }
0x151: {  	v26 =	vor.u32 v0, v13;
	v22 =	vld.idx.msk [tilespmem:v22+s4+$0x0], $0xffff  }
0x152: {  	v28 =	vor.u32 v1, v19;
	v24 =	vld.idx.msk [tilespmem:v24+s4+$0x0], $0xffff  }
0x153: {  	v29 =	vor.u32 v1, v16;
	v21 =	vld.idx.msk [tilespmem:v21+s4+$0x0], $0xffff  }
0x154: {  	v30 =	vor.u32 v1, v17;
	v20 =	vld.idx.msk [tilespmem:v20+s4+$0x0], $0xffff  }
0x155: {  	v31 =	vor.u32 v1, v18;
	s19 =	sadd.s32 $0x400, s19;
	v27 =	vld.idx.msk [tilespmem:v27+s4+$0x0], $0xffff  }
0x156: {  	v32 =	vor.u32 v1, v15;
	v26 =	vld.idx.msk [tilespmem:v26+s4+$0x0], $0xffff;
	[tilespmem:s19+$0x100] =	vst v25  }
0x157: {  	[tilespmem:s19+$0xFFFFFE00] =	vst v22;
	v22 =	vor.u32 v1, v14;
	v25 =	vld.idx.msk [tilespmem:v28+s4+$0x0], $0xffff  }
0x158: {  	v28 =	vld.idx.msk [tilespmem:v29+s4+$0x0], $0xffff;
	[tilespmem:s19+$0xFFFFFE80] =	vst v24;
	v24 =	vor.u32 v1, v13  }
0x159: {  	v29 =	vld.idx.msk [tilespmem:v30+s4+$0x0], $0xffff;
	[tilespmem:s19+$0xFFFFFF00] =	vst v21;
	v21 =	vor.u32 v2, v19  }
0x15a: {  	v30 =	vld.idx.msk [tilespmem:v31+s4+$0x0], $0xffff;
	[tilespmem:s19+$0xFFFFFF80] =	vst v20;
	v20 =	vor.u32 v1, v12  }
0x15b: {  	v31 =	vor.u32 v2, v16;
	v32 =	vld.idx.msk [tilespmem:v32+s4+$0x0], $0xffff;
	[tilespmem:s19+$0x0] =	vst v27  }
0x15c: {  	v27 =	vor.u32 v2, v17;
	v22 =	vld.idx.msk [tilespmem:v22+s4+$0x0], $0xffff;
	[tilespmem:s19+$0x80] =	vst v26  }
0x15d: {  	v26 =	vor.u32 v2, v18;
	v24 =	vld.idx.msk [tilespmem:v24+s4+$0x0], $0xffff;
	[tilespmem:s19+$0x110] =	vst v25  }
0x15e: {  	v25 =	vor.u32 v2, v15;
	v21 =	vld.idx.msk [tilespmem:v21+s4+$0x0], $0xffff;
	[tilespmem:s19+$0x180] =	vst v23  }
0x15f: {  	v23 =	vor.u32 v2, v14;
	[tilespmem:s19+$0xFFFFFE10] =	vst v28;
	v20 =	vld.idx.msk [tilespmem:v20+s4+$0x0], $0xffff  }
0x160: {  	v28 =	vld.idx.msk [tilespmem:v31+s4+$0x0], $0xffff;
	[tilespmem:s19+$0xFFFFFE90] =	vst v29;
	v29 =	vor.u32 v3, v19  }
0x161: {  	v27 =	vld.idx.msk [tilespmem:v27+s4+$0x0], $0xffff;
	[tilespmem:s19+$0xFFFFFF10] =	vst v30;
	v30 =	vor.u32 v2, v13  }
0x162: {  	v31 =	vor.u32 v2, v12;
	v26 =	vld.idx.msk [tilespmem:v26+s4+$0x0], $0xffff;
	[tilespmem:s19+$0xFFFFFF90] =	vst v32  }
0x163: {  	v32 =	vor.u32 v3, v16;
	v25 =	vld.idx.msk [tilespmem:v25+s4+$0x0], $0xffff;
	[tilespmem:s19+$0x10] =	vst v22  }
0x164: {  	v22 =	vor.u32 v3, v17;
	v23 =	vld.idx.msk [tilespmem:v23+s4+$0x0], $0xffff;
	[tilespmem:s19+$0x120] =	vst v21  }
0x165: {  	v21 =	vor.u32 v3, v18;
	[tilespmem:s19+$0x90] =	vst v24;
	v24 =	vld.idx.msk [tilespmem:v29+s4+$0x0], $0xffff  }
0x166: {  	v29 =	vor.u32 v3, v15;
	v30 =	vld.idx.msk [tilespmem:v30+s4+$0x0], $0xffff;
	[tilespmem:s19+$0x190] =	vst v20  }
0x167: {  	v20 =	vor.u32 v4, v19;
	[tilespmem:s19+$0xFFFFFE20] =	vst v28;
	v28 =	vld.idx.msk [tilespmem:v31+s4+$0x0], $0xffff  }
0x168: {  	v31 =	vld.idx.msk [tilespmem:v32+s4+$0x0], $0xffff;
	[tilespmem:s19+$0xFFFFFEA0] =	vst v27;
	v27 =	vor.u32 v3, v14  }
0x169: {  	v22 =	vld.idx.msk [tilespmem:v22+s4+$0x0], $0xffff;
	[tilespmem:s19+$0xFFFFFF20] =	vst v26;
	v26 =	vor.u32 v3, v13  }
0x16a: {  	v21 =	vld.idx.msk [tilespmem:v21+s4+$0x0], $0xffff;
	[tilespmem:s19+$0xFFFFFFA0] =	vst v25;
	v25 =	vor.u32 v3, v12  }
0x16b: {  	v32 =	vor.u32 v4, v16;
	v29 =	vld.idx.msk [tilespmem:v29+s4+$0x0], $0xffff;
	[tilespmem:s19+$0x130] =	vst v24  }
0x16c: {  	v24 =	vor.u32 v4, v17;
	[tilespmem:s19+$0x20] =	vst v23;
	v20 =	vld.idx.msk [tilespmem:v20+s4+$0x0], $0xffff  }
0x16d: {  	v23 =	vor.u32 v4, v18;
	v27 =	vld.idx.msk [tilespmem:v27+s4+$0x0], $0xffff;
	[tilespmem:s19+$0xA0] =	vst v30  }
0x16e: {  	v30 =	vor.u32 v5, v19;
	v26 =	vld.idx.msk [tilespmem:v26+s4+$0x0], $0xffff;
	[tilespmem:s19+$0x1A0] =	vst v28  }
0x16f: {  	v28 =	vor.u32 v4, v15;
	[tilespmem:s19+$0xFFFFFE30] =	vst v31;
	v25 =	vld.idx.msk [tilespmem:v25+s4+$0x0], $0xffff  }
0x170: {  	v31 =	vld.idx.msk [tilespmem:v32+s4+$0x0], $0xffff;
	[tilespmem:s19+$0xFFFFFEB0] =	vst v22;
	v22 =	vor.u32 v4, v14  }
0x171: {  	v24 =	vld.idx.msk [tilespmem:v24+s4+$0x0], $0xffff;
	[tilespmem:s19+$0xFFFFFF30] =	vst v21;
	v21 =	vor.u32 v4, v13  }
0x172: {  	v23 =	vld.idx.msk [tilespmem:v23+s4+$0x0], $0xffff;
	[tilespmem:s19+$0x140] =	vst v20;
	v20 =	vor.u32 v4, v12  }
0x173: {  	v32 =	vor.u32 v5, v16;
	[tilespmem:s19+$0xFFFFFFB0] =	vst v29;
	v29 =	vld.idx.msk [tilespmem:v30+s4+$0x0], $0xffff  }
0x174: {  	v30 =	vor.u32 v5, v17;
	v28 =	vld.idx.msk [tilespmem:v28+s4+$0x0], $0xffff;
	[tilespmem:s19+$0x30] =	vst v27  }
0x175: {  	v22 =	vld.idx.msk [tilespmem:v22+s4+$0x0], $0xffff;
	[tilespmem:s19+$0xB0] =	vst v26;
	v26 =	vor.u32 v6, v19  }
0x176: {  	v27 =	vor.u32 v5, v18;
	v21 =	vld.idx.msk [tilespmem:v21+s4+$0x0], $0xffff;
	[tilespmem:s19+$0x1B0] =	vst v25  }
0x177: {  	v25 =	vor.u32 v5, v15;
	[tilespmem:s19+$0xFFFFFE40] =	vst v31;
	v20 =	vld.idx.msk [tilespmem:v20+s4+$0x0], $0xffff  }
0x178: {  	v31 =	vld.idx.msk [tilespmem:v32+s4+$0x0], $0xffff;
	[tilespmem:s19+$0xFFFFFEC0] =	vst v24;
	v24 =	vor.u32 v5, v14  }
0x179: {  	v32 =	vor.u32 v5, v13;
	v30 =	vld.idx.msk [tilespmem:v30+s4+$0x0], $0xffff;
	[tilespmem:s19+$0x150] =	vst v29  }
0x17a: {  	[tilespmem:s19+$0xFFFFFF40] =	vst v23;
	v23 =	vld.idx.msk [tilespmem:v26+s4+$0x0], $0xffff;
	v26 =	vor.u32 v5, v12  }
0x17b: {  	v29 =	vor.u32 v6, v16;
	v27 =	vld.idx.msk [tilespmem:v27+s4+$0x0], $0xffff;
	[tilespmem:s19+$0xFFFFFFC0] =	vst v28  }
0x17c: {  	v19 =	vor.u32 v7, v19;
	v25 =	vld.idx.msk [tilespmem:v25+s4+$0x0], $0xffff;
	[tilespmem:s19+$0x40] =	vst v22  }
0x17d: {  	v22 =	vor.u32 v6, v17;
	v24 =	vld.idx.msk [tilespmem:v24+s4+$0x0], $0xffff;
	[tilespmem:s19+$0xC0] =	vst v21  }
0x17e: {  	v21 =	vor.u32 v6, v18;
	v28 =	vld.idx.msk [tilespmem:v32+s4+$0x0], $0xffff;
	[tilespmem:s19+$0x1C0] =	vst v20  }
0x17f: {  	s22 =	sadd.s32 $0x14B, s20;
	v20 =	vor.u32 v6, v15;
	[tilespmem:s19+$0xFFFFFE50] =	vst v31;
	v26 =	vld.idx.msk [tilespmem:v26+s4+$0x0], $0xffff  }
0x180: {  	v32 =	vor.u32 v6, v14;
	v31 =	vmov s22;
	v29 =	vld.idx.msk [tilespmem:v29+s4+$0x0], $0xffff;
	[tilespmem:s19+$0x160] =	vst v23  }
0x181: {  	v23 =	vand.u32 $0xFFFFFFFB, v31;
	[tilespmem:s19+$0xFFFFFED0] =	vst v30;
	v30 =	vor.u32 v6, v13;
	v31 =	vld.idx.msk [tilespmem:v19+s4+$0x0], $0xffff  }
0x182: {  	v33 =	vbroadcast v23, $0x0;
	v34 =	vld.idx.msk [tilespmem:v22+s4+$0x0], $0xffff;
	[tilespmem:s19+$0xFFFFFF50] =	vst v27;
	v22 =	vor.u32 v6, v12  }
0x183: {  	s20 =	sadd.s32 $0x8, s20;
	s22 =	sadd.s32 $0x14E, s21;
	v27 =	vld.idx.msk [tilespmem:v21+s4+$0x0], $0xffff;
	[tilespmem:s19+$0xFFFFFFD0] =	vst v25  }
0x184: {  	p0 =	slt.u32 s20, $0x138;
	v16 =	vor.u32 v7, v16;
	v19 =	vmov s22;
	v21 =	vld.idx.msk [tilespmem:v20+s4+$0x0], $0xffff;
	[tilespmem:s19+$0x50] =	vst v24  }
0x185: {  	v35 =	vor.u32 v7, v17;
	v20 =	vand.u32 $0xFFFFFFFE, v19;
	v19 =	vld.idx.msk [tilespmem:v32+s4+$0x0], $0xffff;
	[tilespmem:s19+$0xD0] =	vst v28  }
.Ltmp1:
0x186: {  	v25 =	vor.u32 v7, v18;
	v23 =	vbroadcast v20, $0x0;
	v18 =	vld.idx.msk [tilespmem:v30+s4+$0x0], $0xffff;
	[tilespmem:s19+$0x1D0] =	vst v26;
	(pc) =	sbr.rel @p0 .LBB2_4-.Ltmp1, $4  }
0x187: {  	[tilespmem:s19+$0x170] =	vst v31;
	v17 =	vld.idx.msk [tilespmem:v22+s4+$0x0], $0xffff  }
0x188: {  	s22 =	sadd.s32 $0x14C, s21;
	v22 =	vor.u32 v7, v15;
	v20 =	vld.idx.msk [tilespmem:v33+s13+$0x0], $0xffff;
	[tilespmem:s19+$0xFFFFFE60] =	vst v29  }
0x189: {  	s21 =	sadd.s32 $0x14D, s21;
	v24 =	vor.u32 v7, v14;
	v15 =	vmov s22;
	v16 =	vld.idx.msk [tilespmem:v16+s4+$0x0], $0xffff;
	[tilespmem:s19+$0xFFFFFEE0] =	vst v34  }
0x18a: {  	v13 =	vor.u32 v7, v13;
	v26 =	vmov s21;
	v15 =	vand.u32 $0xFFFFFFFC, v15;
	v14 =	vld.idx.msk [tilespmem:v35+s4+$0x0], $0xffff;
	[tilespmem:s19+$0xFFFFFF60] =	vst v27  }
0x18b: {  	_ =	sdelay $0x3  }
0x18c: {  	v15 =	vbroadcast v15, $0x0;
	v23 =	vld.idx.msk [tilespmem:v23+s13+$0x0], $0xffff;
	v62 =	vor.u32 v7, v12  }
0x18d: {  	v26 =	vand.u32 $0xFFFFFFFD, v26;
	v25 =	vld.idx.msk [tilespmem:v25+s4+$0x0], $0xffff;
	[tilespmem:s19+$0xFFFFFFE0] =	vst v21;
	v11 =	vshll.u32 v11, $0x7  }
0x18e: {  	[tilespmem:s19+$0x60] =	vst v19;
	v26 =	vbroadcast v26, $0x0;
	v22 =	vld.idx.msk [tilespmem:v22+s4+$0x0], $0xffff;
	v28 =	vor.u32 v0, v11  }
0x18f: {  	[tilespmem:s19+$0xE0] =	vst v18;
	v10 =	vshll.u32 v10, $0x7;
	v24 =	vld.idx.msk [tilespmem:v24+s4+$0x0], $0xffff  }
0x190: {  	v9 =	vshll.u32 v9, $0x7;
	[tilespmem:s19+$0x1E0] =	vst v17;
	v29 =	vor.u32 v0, v10;
	v30 =	vld.idx.msk [tilespmem:v13+s4+$0x0], $0xffff  }
0x191: {  	v31 =	vor.u32 v0, v9;
	v12 =	vshll.u32 v20, $0x7;
	v32 =	vld.idx.msk [tilespmem:v62+s4+$0x0], $0xffff  }
0x192: {  	v8 =	vshll.u32 v8, $0x7;
	[tilespmem:s19+$0xFFFFFE70] =	vst v16;
	v33 =	vor.u32 v0, v12;
	v27 =	vld.idx.msk [tilespmem:v15+s13+$0x0], $0xffff  }
0x193: {  	v38 =	vor.u32 v0, v8;
	[tilespmem:s19+$0xFFFFFEF0] =	vst v14;
	v15 =	vshll.u32 v23, $0x7;
	v18 =	vld.idx.msk [tilespmem:v28+s4+$0x0], $0xffff  }
0x194: {  	[tilespmem:s19+$0xFFFFFF70] =	vst v25;
	v63 =	vld.idx.msk [tilespmem:v26+s13+$0x0], $0xffff;
	v23 =	vor.u32 v0, v15  }
0x195: {  	v40 =	vor.u32 v1, v11;
	[tilespmem:s19+$0xFFFFFFF0] =	vst v22;
	v17 =	vld.idx.msk [tilespmem:v29+s4+$0x0], $0xffff  }
0x196: {  	v41 =	vor.u32 v1, v10;
	[tilespmem:s19+$0x70] =	vst v24;
	v39 =	vld.idx.msk [tilespmem:v31+s4+$0x0], $0xffff  }
0x197: {  	v42 =	vor.u32 v1, v9;
	[tilespmem:s19+$0xF0] =	vst v30;
	v21 =	vld.idx.msk [tilespmem:v33+s4+$0x0], $0xffff  }
0x198: {  	s31 =	sadd.s32 $0x400, s19;
	v43 =	vor.u32 v1, v12;
	v44 =	vld.idx.msk [tilespmem:v38+s4+$0x0], $0xffff;
	[tilespmem:s19+$0x1F0] =	vst v32;
	v13 =	vshll.u32 v27, $0x7  }
0x199: {  	[tilespmem:s31+$0xFFFFFE00] =	vst v18;
	v34 =	vor.u32 v0, v13;
	v14 =	vshll.u32 v63, $0x7;
	v35 =	vld.idx.msk [tilespmem:v23+s4+$0x0], $0xffff  }
0x19a: {  	[tilespmem:s31+$0xFFFFFE80] =	vst v17;
	v46 =	vld.idx.msk [tilespmem:v40+s4+$0x0], $0xffff;
	v36 =	vor.u32 v0, v14  }
0x19b: {  	v37 =	vor.u32 v1, v15;
	[tilespmem:s31+$0xFFFFFF00] =	vst v39;
	v26 =	vld.idx.msk [tilespmem:v41+s4+$0x0], $0xffff  }
0x19c: {  	v51 =	vor.u32 v2, v10;
	v19 =	vld.idx.msk [tilespmem:v42+s4+$0x0], $0xffff;
	[tilespmem:s31+$0xFFFFFF80] =	vst v21  }
0x19d: {  	v52 =	vor.u32 v2, v9;
	[tilespmem:s31+$0x180] =	vst v44;
	v18 =	vld.idx.msk [tilespmem:v43+s4+$0x0], $0xffff  }
0x19e: {  	v54 =	vor.u32 v2, v12;
	v25 =	vld.idx.msk [tilespmem:v34+s4+$0x0], $0xffff;
	[tilespmem:s31+$0x100] =	vst v35  }
0x19f: {  	v49 =	vor.u32 v1, v8;
	[tilespmem:s31+$0xFFFFFE10] =	vst v46;
	v22 =	vld.idx.msk [tilespmem:v36+s4+$0x0], $0xffff  }
0x1a0: {  	v45 =	vor.u32 v1, v13;
	[tilespmem:s31+$0xFFFFFE90] =	vst v26;
	v23 =	vld.idx.msk [tilespmem:v37+s4+$0x0], $0xffff  }
0x1a1: {  	v50 =	vor.u32 v2, v11;
	[tilespmem:s31+$0xFFFFFF10] =	vst v19;
	v57 =	vld.idx.msk [tilespmem:v51+s4+$0x0], $0xffff  }
0x1a2: {  	v47 =	vor.u32 v2, v15;
	v17 =	vld.idx.msk [tilespmem:v52+s4+$0x0], $0xffff;
	[tilespmem:s31+$0xFFFFFF90] =	vst v18  }
0x1a3: {  	v48 =	vor.u32 v1, v14;
	v21 =	vld.idx.msk [tilespmem:v54+s4+$0x0], $0xffff;
	[tilespmem:s31+$0x0] =	vst v25  }
0x1a4: {  	v61 =	vor.u32 v3, v10;
	v25 =	vld.idx.msk [tilespmem:v49+s4+$0x0], $0xffff;
	[tilespmem:s31+$0x80] =	vst v22  }
0x1a5: {  	v29 =	vor.u32 v3, v12;
	[tilespmem:s31+$0x110] =	vst v23;
	v24 =	vld.idx.msk [tilespmem:v45+s4+$0x0], $0xffff  }
0x1a6: {  	v62 =	vor.u32 v3, v9;
	v22 =	vld.idx.msk [tilespmem:v50+s4+$0x0], $0xffff;
	[tilespmem:s31+$0xFFFFFEA0] =	vst v57  }
0x1a7: {  	v59 =	vor.u32 v2, v8;
	[tilespmem:s31+$0xFFFFFF20] =	vst v17;
	v20 =	vld.idx.msk [tilespmem:v47+s4+$0x0], $0xffff  }
0x1a8: {  	v56 =	vor.u32 v2, v13;
	v53 =	vld.idx.msk [tilespmem:v48+s4+$0x0], $0xffff;
	[tilespmem:s31+$0xFFFFFFA0] =	vst v21  }
0x1a9: {  	v60 =	vor.u32 v3, v11;
	v16 =	vld.idx.msk [tilespmem:v61+s4+$0x0], $0xffff;
	[tilespmem:s31+$0x190] =	vst v25  }
0x1aa: {  	v55 =	vor.u32 v3, v15;
	v18 =	vld.idx.msk [tilespmem:v29+s4+$0x0], $0xffff;
	[tilespmem:s31+$0x10] =	vst v24  }
0x1ab: {  	v58 =	vor.u32 v2, v14;
	v25 =	vld.idx.msk [tilespmem:v62+s4+$0x0], $0xffff;
	[tilespmem:s31+$0xFFFFFE20] =	vst v22  }
0x1ac: {  	v35 =	vor.u32 v4, v10;
	v24 =	vld.idx.msk [tilespmem:v59+s4+$0x0], $0xffff;
	[tilespmem:s31+$0x120] =	vst v20  }
0x1ad: {  	v38 =	vor.u32 v4, v12;
	[tilespmem:s31+$0x90] =	vst v53;
	v19 =	vld.idx.msk [tilespmem:v56+s4+$0x0], $0xffff  }
0x1ae: {  	v37 =	vor.u32 v4, v9;
	v30 =	vld.idx.msk [tilespmem:v60+s4+$0x0], $0xffff;
	[tilespmem:s31+$0xFFFFFEB0] =	vst v16  }
0x1af: {  	v31 =	vor.u32 v3, v13;
	v26 =	vld.idx.msk [tilespmem:v55+s4+$0x0], $0xffff;
	[tilespmem:s31+$0xFFFFFFB0] =	vst v18  }
0x1b0: {  	v33 =	vor.u32 v3, v8;
	v63 =	vld.idx.msk [tilespmem:v58+s4+$0x0], $0xffff;
	[tilespmem:s31+$0xFFFFFF30] =	vst v25  }
0x1b1: {  	v34 =	vor.u32 v4, v11;
	v22 =	vld.idx.msk [tilespmem:v35+s4+$0x0], $0xffff;
	[tilespmem:s31+$0x1A0] =	vst v24  }
0x1b2: {  	v28 =	vor.u32 v4, v15;
	v16 =	vld.idx.msk [tilespmem:v38+s4+$0x0], $0xffff;
	[tilespmem:s31+$0x20] =	vst v19  }
0x1b3: {  	v32 =	vor.u32 v3, v14;
	v17 =	vld.idx.msk [tilespmem:v37+s4+$0x0], $0xffff;
	[tilespmem:s31+$0xFFFFFE30] =	vst v30  }
0x1b4: {  	v44 =	vor.u32 v5, v10;
	[tilespmem:s31+$0x130] =	vst v26;
	v20 =	vld.idx.msk [tilespmem:v31+s4+$0x0], $0xffff  }
0x1b5: {  	v46 =	vor.u32 v5, v12;
	[tilespmem:s31+$0xA0] =	vst v63;
	v26 =	vld.idx.msk [tilespmem:v33+s4+$0x0], $0xffff  }
0x1b6: {  	v45 =	vor.u32 v5, v9;
	v19 =	vld.idx.msk [tilespmem:v34+s4+$0x0], $0xffff;
	[tilespmem:s31+$0xFFFFFEC0] =	vst v22  }
0x1b7: {  	v39 =	vor.u32 v4, v13;
	v23 =	vld.idx.msk [tilespmem:v28+s4+$0x0], $0xffff;
	[tilespmem:s31+$0xFFFFFFC0] =	vst v16  }
0x1b8: {  	v41 =	vor.u32 v4, v8;
	v21 =	vld.idx.msk [tilespmem:v32+s4+$0x0], $0xffff;
	[tilespmem:s31+$0xFFFFFF40] =	vst v17  }
0x1b9: {  	v42 =	vor.u32 v5, v11;
	v49 =	vld.idx.msk [tilespmem:v44+s4+$0x0], $0xffff;
	[tilespmem:s31+$0x30] =	vst v20  }
0x1ba: {  	v36 =	vor.u32 v5, v15;
	v22 =	vld.idx.msk [tilespmem:v46+s4+$0x0], $0xffff;
	[tilespmem:s31+$0x1B0] =	vst v26  }
0x1bb: {  	v40 =	vor.u32 v4, v14;
	[tilespmem:s31+$0xFFFFFE40] =	vst v19;
	v19 =	vld.idx.msk [tilespmem:v45+s4+$0x0], $0xffff  }
0x1bc: {  	v54 =	vor.u32 v6, v12;
	[tilespmem:s31+$0x140] =	vst v23;
	v25 =	vld.idx.msk [tilespmem:v39+s4+$0x0], $0xffff  }
0x1bd: {  	v52 =	vor.u32 v6, v10;
	[tilespmem:s31+$0xB0] =	vst v21;
	v18 =	vld.idx.msk [tilespmem:v41+s4+$0x0], $0xffff  }
0x1be: {  	v53 =	vor.u32 v6, v9;
	v20 =	vld.idx.msk [tilespmem:v42+s4+$0x0], $0xffff;
	[tilespmem:s31+$0xFFFFFED0] =	vst v49  }
0x1bf: {  	v47 =	vor.u32 v5, v13;
	v24 =	vld.idx.msk [tilespmem:v36+s4+$0x0], $0xffff;
	[tilespmem:s31+$0xFFFFFFD0] =	vst v22  }
0x1c0: {  	v50 =	vor.u32 v5, v8;
	v23 =	vld.idx.msk [tilespmem:v40+s4+$0x0], $0xffff;
	[tilespmem:s31+$0xFFFFFF50] =	vst v19  }
0x1c1: {  	v51 =	vor.u32 v6, v11;
	v60 =	vld.idx.msk [tilespmem:v54+s4+$0x0], $0xffff;
	[tilespmem:s31+$0x40] =	vst v25  }
0x1c2: {  	v48 =	vor.u32 v5, v14;
	[tilespmem:s31+$0x1C0] =	vst v18;
	v18 =	vld.idx.msk [tilespmem:v52+s4+$0x0], $0xffff  }
0x1c3: {  	v43 =	vor.u32 v6, v15;
	[tilespmem:s31+$0xFFFFFE50] =	vst v20;
	v20 =	vld.idx.msk [tilespmem:v53+s4+$0x0], $0xffff  }
0x1c4: {  	v12 =	vor.u32 v7, v12;
	[tilespmem:s31+$0x150] =	vst v24;
	v24 =	vld.idx.msk [tilespmem:v47+s4+$0x0], $0xffff  }
0x1c5: {  	v10 =	vor.u32 v7, v10;
	[tilespmem:s31+$0xC0] =	vst v23;
	v55 =	vld.idx.msk [tilespmem:v50+s4+$0x0], $0xffff  }
0x1c6: {  	v56 =	vor.u32 v6, v13;
	v57 =	vld.idx.msk [tilespmem:v51+s4+$0x0], $0xffff;
	[tilespmem:s31+$0xFFFFFFE0] =	vst v60  }
0x1c7: {  	v59 =	vor.u32 v6, v8;
	v17 =	vld.idx.msk [tilespmem:v48+s4+$0x0], $0xffff;
	[tilespmem:s31+$0xFFFFFEE0] =	vst v18  }
0x1c8: {  	v58 =	vor.u32 v6, v14;
	v21 =	vld.idx.msk [tilespmem:v43+s4+$0x0], $0xffff;
	[tilespmem:s31+$0xFFFFFF60] =	vst v20  }
0x1c9: {  	v9 =	vor.u32 v7, v9;
	v12 =	vld.idx.msk [tilespmem:v12+s4+$0x0], $0xffff;
	[tilespmem:s31+$0x50] =	vst v24  }
0x1ca: {  	v11 =	vor.u32 v7, v11;
	[tilespmem:s31+$0x1D0] =	vst v55;
	v10 =	vld.idx.msk [tilespmem:v10+s4+$0x0], $0xffff  }
0x1cb: {  	v15 =	vor.u32 v7, v15;
	[tilespmem:s31+$0xFFFFFE60] =	vst v57;
	v16 =	vld.idx.msk [tilespmem:v56+s4+$0x0], $0xffff  }
0x1cc: {  	v13 =	vor.u32 v7, v13;
	[tilespmem:s31+$0xD0] =	vst v17;
	v62 =	vld.idx.msk [tilespmem:v59+s4+$0x0], $0xffff  }
0x1cd: {  	v8 =	vor.u32 v7, v8;
	[tilespmem:s31+$0x160] =	vst v21;
	v61 =	vld.idx.msk [tilespmem:v58+s4+$0x0], $0xffff  }
0x1ce: {  	v14 =	vor.u32 v7, v14;
	v9 =	vld.idx.msk [tilespmem:v9+s4+$0x0], $0xffff;
	[tilespmem:s31+$0xFFFFFFF0] =	vst v12  }
0x1cf: {  	v11 =	vld.idx.msk [tilespmem:v11+s4+$0x0], $0xffff;
	[tilespmem:s31+$0xFFFFFEF0] =	vst v10  }
0x1d0: {  	v15 =	vld.idx.msk [tilespmem:v15+s4+$0x0], $0xffff;
	[tilespmem:s31+$0x60] =	vst v16  }
0x1d1: {  	[tilespmem:s31+$0x1E0] =	vst v62;
	v13 =	vld.idx.msk [tilespmem:v13+s4+$0x0], $0xffff  }
0x1d2: {  	[tilespmem:s31+$0xE0] =	vst v61;
	v8 =	vld.idx.msk [tilespmem:v8+s4+$0x0], $0xffff  }
0x1d3: {  	[tilespmem:s31+$0xFFFFFF70] =	vst v9;
	v63 =	vld.idx.msk [tilespmem:v14+s4+$0x0], $0xffff  }
0x1d4: {  	[tilespmem:s31+$0xFFFFFE70] =	vst v11  }
0x1d5: {  	[tilespmem:s31+$0x170] =	vst v15  }
0x1d6: {  	[tilespmem:s31+$0x70] =	vst v13  }
0x1d7: {  	[tilespmem:s31+$0x1F0] =	vst v8  }
0x1d8: {  	s20 =	simm.s32 $0x0;
	s19 =	simm.s32 $0x0;
	[tilespmem:s31+$0xF0] =	vst v63  }
0x1d9: {  	[hbm4b:s8+s19] =	stream.linear.scatter [tilespmem:s15], [sflag:$0x2], $0xA000, $0x38;
	[tilespmem:$0x1B800] =	vst v63  }
.LBB2_6:
0x1da: {  	s21 =	sadd.s32 $0xFFFFFFF8, s19  }
0x1db: {  	s22 =	sadd.s32 $0x28E, s21  }
0x1dc: {  	s29 =	sadd.s32 $0x288, s21;
	v8 =	vmov s22  }
0x1dd: {  	s30 =	sadd.s32 $0x289, s21;
	v9 =	vmov s29;
	v8 =	vand.u32 $0xFFFFFFFE, v8  }
0x1de: {  	v10 =	vmov s30;
	v9 =	vand.u32 $0xFFFFFFF8, v9;
	v8 =	vbroadcast v8, $0x0  }
0x1df: {  	s23 =	sadd.s32 $0x28A, s21;
	v10 =	vand.u32 $0xFFFFFFF9, v10;
	v9 =	vbroadcast v9, $0x0  }
0x1e0: {  	s31 =	sadd.s32 $0x28B, s21;
	v11 =	vmov s23;
	v10 =	vbroadcast v10, $0x0  }
0x1e1: {  	_ =	swait.ge [sflag:s16], $0xA000;
	v12 =	vmov s31;
	s23 =	sadd.s32 $0x28C, s21;
	v11 =	vand.u32 $0xFFFFFFFA, v11  }
0x1e2: {  	[sflag:s16] =	ssyncset.done $0x0;
	v12 =	vand.u32 $0xFFFFFFFB, v12;
	v13 =	vmov s23;
	v11 =	vbroadcast v11, $0x0  }
0x1e3: {  	s24 =	sadd.s32 $0x28D, s21;
	[sflag:s16] =	ssyncadd.s32 $0xFFFF6000;
	v12 =	vbroadcast v12, $0x0;
	v13 =	vand.u32 $0xFFFFFFFC, v13  }
0x1e4: {  	v14 =	vmov s24;
	v13 =	vbroadcast v13, $0x0;
	v8 =	vld.idx.msk [tilespmem:v8+s13+$0x0], $0xffff  }
0x1e5: {  	s21 =	sadd.s32 $0x28F, s21;
	v14 =	vand.u32 $0xFFFFFFFD, v14;
	v9 =	vld.idx.msk [tilespmem:v9+s13+$0x0], $0xffff  }
0x1e6: {  	v17 =	vmov s21;
	v16 =	vbroadcast v14, $0x0;
	v10 =	vld.idx.msk [tilespmem:v10+s13+$0x0], $0xffff;
	_ =	sdelay $0x1  }
0x1e7: {  	v11 =	vld.idx.msk [tilespmem:v11+s13+$0x0], $0xffff  }
0x1e8: {  	v18 =	vld.idx.msk [tilespmem:v12+s13+$0x0], $0xffff  }
0x1e9: {  	v19 =	vld.idx.msk [tilespmem:v13+s13+$0x0], $0xffff;
	v15 =	vshll.u32 v8, $0x7  }
0x1ea: {  	v14 =	vshll.u32 v9, $0x7;
	v13 =	vshll.u32 v10, $0x7;
	v10 =	vld.idx.msk [tilespmem:v17+s13+$0x0], $0xffff;
	v8 =	vor.u32 v0, v15  }
0x1eb: {  	v16 =	vld.idx.msk [tilespmem:v16+s13+$0x0], $0xffff;
	v20 =	vor.u32 v0, v14  }
0x1ec: {  	v12 =	vshll.u32 v11, $0x7;
	v17 =	vor.u32 v0, v13  }
0x1ed: {  	v9 =	vshll.u32 v18, $0x7;
	v21 =	vor.u32 v0, v12  }
0x1ee: {  	v22 =	vor.u32 v0, v9;
	v11 =	vshll.u32 v19, $0x7  }
0x1ef: {  	v23 =	vor.u32 v0, v11;
	v10 =	vshll.u32 v10, $0x7;
	v18 =	vld.idx.msk [tilespmem:v8+s4+$0x0], $0xffff  }
0x1f0: {  	v8 =	vshll.u32 v16, $0x7;
	v16 =	vld.idx.msk [tilespmem:v20+s4+$0x0], $0xffff;
	v24 =	vor.u32 v0, v10  }
0x1f1: {  	v19 =	vor.u32 v1, v15;
	v17 =	vld.idx.msk [tilespmem:v17+s4+$0x0], $0xffff  }
0x1f2: {  	v21 =	vld.idx.msk [tilespmem:v21+s4+$0x0], $0xffff;
	v20 =	vor.u32 v0, v8  }
0x1f3: {  	s21 =	simm.s32 $0x7A00;
	v25 =	vor.u32 v1, v14;
	v22 =	vld.idx.msk [tilespmem:v22+s4+$0x0], $0xffff  }
0x1f4: {  	v26 =	vor.u32 v1, v12;
	v23 =	vld.idx.msk [tilespmem:v23+s4+$0x0], $0xffff;
	[tilespmem:s21+$0x100] =	vst v18  }
0x1f5: {  	v28 =	vor.u32 v1, v9;
	[tilespmem:s21+$0xFFFFFE00] =	vst v16;
	v16 =	vld.idx.msk [tilespmem:v24+s4+$0x0], $0xffff  }
0x1f6: {  	v18 =	vor.u32 v1, v13;
	v19 =	vld.idx.msk [tilespmem:v19+s4+$0x0], $0xffff  }
0x1f7: {  	v24 =	vor.u32 v1, v11;
	[tilespmem:s21+$0xFFFFFE80] =	vst v17;
	v20 =	vld.idx.msk [tilespmem:v20+s4+$0x0], $0xffff  }
0x1f8: {  	v27 =	vor.u32 v2, v15;
	[tilespmem:s21+$0xFFFFFF00] =	vst v21;
	v17 =	vld.idx.msk [tilespmem:v25+s4+$0x0], $0xffff  }
0x1f9: {  	[tilespmem:s21+$0xFFFFFF80] =	vst v22;
	v25 =	vor.u32 v1, v8;
	v26 =	vld.idx.msk [tilespmem:v26+s4+$0x0], $0xffff  }
0x1fa: {  	v21 =	vor.u32 v1, v10;
	[tilespmem:s21+$0x0] =	vst v23;
	v23 =	vld.idx.msk [tilespmem:v28+s4+$0x0], $0xffff  }
0x1fb: {  	v28 =	vor.u32 v2, v12;
	v18 =	vld.idx.msk [tilespmem:v18+s4+$0x0], $0xffff;
	[tilespmem:s21+$0x110] =	vst v19  }
0x1fc: {  	v19 =	vor.u32 v2, v14;
	[tilespmem:s21+$0x80] =	vst v20;
	v20 =	vld.idx.msk [tilespmem:v24+s4+$0x0], $0xffff  }
0x1fd: {  	[tilespmem:s21+$0x180] =	vst v16;
	v22 =	vld.idx.msk [tilespmem:v27+s4+$0x0], $0xffff;
	v27 =	vor.u32 v2, v13  }
0x1fe: {  	[tilespmem:s21+$0xFFFFFE10] =	vst v17;
	v16 =	vld.idx.msk [tilespmem:v25+s4+$0x0], $0xffff;
	v25 =	vor.u32 v2, v9  }
0x1ff: {  	v17 =	vld.idx.msk [tilespmem:v21+s4+$0x0], $0xffff;
	v21 =	vor.u32 v2, v11;
	[tilespmem:s21+$0xFFFFFF10] =	vst v26  }
0x200: {  	v24 =	vor.u32 v3, v15;
	[tilespmem:s21+$0xFFFFFF90] =	vst v23;
	v23 =	vld.idx.msk [tilespmem:v28+s4+$0x0], $0xffff  }
0x201: {  	[tilespmem:s21+$0xFFFFFE90] =	vst v18;
	v18 =	vld.idx.msk [tilespmem:v19+s4+$0x0], $0xffff  }
0x202: {  	v19 =	vor.u32 v2, v8;
	[tilespmem:s21+$0x10] =	vst v20;
	v27 =	vld.idx.msk [tilespmem:v27+s4+$0x0], $0xffff  }
0x203: {  	[tilespmem:s21+$0x120] =	vst v22;
	v22 =	vor.u32 v2, v10;
	v20 =	vld.idx.msk [tilespmem:v25+s4+$0x0], $0xffff  }
0x204: {  	v26 =	vor.u32 v3, v14;
	[tilespmem:s21+$0x90] =	vst v16;
	v16 =	vld.idx.msk [tilespmem:v21+s4+$0x0], $0xffff  }
0x205: {  	[tilespmem:s21+$0x190] =	vst v17;
	v21 =	vor.u32 v3, v12;
	v24 =	vld.idx.msk [tilespmem:v24+s4+$0x0], $0xffff  }
0x206: {  	v28 =	vor.u32 v3, v13;
	[tilespmem:s21+$0xFFFFFF20] =	vst v23  }
0x207: {  	v25 =	vor.u32 v4, v15;
	v17 =	vld.idx.msk [tilespmem:v19+s4+$0x0], $0xffff;
	[tilespmem:s21+$0xFFFFFE20] =	vst v18  }
0x208: {  	v19 =	vor.u32 v3, v9;
	v18 =	vld.idx.msk [tilespmem:v22+s4+$0x0], $0xffff;
	[tilespmem:s21+$0xFFFFFEA0] =	vst v27  }
0x209: {  	v22 =	vor.u32 v3, v11;
	v26 =	vld.idx.msk [tilespmem:v26+s4+$0x0], $0xffff;
	[tilespmem:s21+$0xFFFFFFA0] =	vst v20  }
0x20a: {  	v20 =	vld.idx.msk [tilespmem:v21+s4+$0x0], $0xffff;
	[tilespmem:s21+$0x130] =	vst v24;
	v24 =	vor.u32 v3, v8  }
0x20b: {  	v23 =	vld.idx.msk [tilespmem:v28+s4+$0x0], $0xffff;
	v28 =	vor.u32 v4, v14  }
0x20c: {  	v27 =	vor.u32 v3, v10;
	[tilespmem:s21+$0x20] =	vst v16;
	v25 =	vld.idx.msk [tilespmem:v25+s4+$0x0], $0xffff  }
0x20d: {  	v21 =	vor.u32 v5, v15;
	v16 =	vld.idx.msk [tilespmem:v19+s4+$0x0], $0xffff;
	[tilespmem:s21+$0xA0] =	vst v17  }
0x20e: {  	v19 =	vor.u32 v4, v13;
	v17 =	vld.idx.msk [tilespmem:v22+s4+$0x0], $0xffff;
	[tilespmem:s21+$0x1A0] =	vst v18  }
0x20f: {  	v22 =	vor.u32 v4, v12;
	[tilespmem:s21+$0xFFFFFE30] =	vst v26;
	v18 =	vld.idx.msk [tilespmem:v24+s4+$0x0], $0xffff  }
0x210: {  	v24 =	vor.u32 v4, v9;
	[tilespmem:s21+$0xFFFFFEB0] =	vst v23;
	v23 =	vld.idx.msk [tilespmem:v28+s4+$0x0], $0xffff  }
0x211: {  	[tilespmem:s21+$0x140] =	vst v25;
	v25 =	vld.idx.msk [tilespmem:v27+s4+$0x0], $0xffff;
	v27 =	vor.u32 v4, v11  }
0x212: {  	v26 =	vor.u32 v4, v8;
	[tilespmem:s21+$0xFFFFFF30] =	vst v20;
	v21 =	vld.idx.msk [tilespmem:v21+s4+$0x0], $0xffff  }
0x213: {  	v28 =	vor.u32 v4, v10;
	v19 =	vld.idx.msk [tilespmem:v19+s4+$0x0], $0xffff;
	[tilespmem:s21+$0xFFFFFFB0] =	vst v16  }
0x214: {  	v20 =	vor.u32 v6, v15;
	v16 =	vld.idx.msk [tilespmem:v22+s4+$0x0], $0xffff;
	[tilespmem:s21+$0x30] =	vst v17  }
0x215: {  	v22 =	vor.u32 v5, v14;
	v17 =	vld.idx.msk [tilespmem:v24+s4+$0x0], $0xffff;
	[tilespmem:s21+$0xB0] =	vst v18  }
0x216: {  	v24 =	vor.u32 v5, v13;
	[tilespmem:s21+$0xFFFFFE40] =	vst v23;
	v18 =	vld.idx.msk [tilespmem:v27+s4+$0x0], $0xffff  }
0x217: {  	v27 =	vor.u32 v5, v12;
	v26 =	vld.idx.msk [tilespmem:v26+s4+$0x0], $0xffff;
	[tilespmem:s21+$0x1B0] =	vst v25  }
0x218: {  	[tilespmem:s21+$0x150] =	vst v21;
	v21 =	vor.u32 v5, v9;
	v23 =	vld.idx.msk [tilespmem:v28+s4+$0x0], $0xffff  }
0x219: {  	v25 =	vor.u32 v5, v11;
	v20 =	vld.idx.msk [tilespmem:v20+s4+$0x0], $0xffff;
	[tilespmem:s21+$0xFFFFFEC0] =	vst v19  }
0x21a: {  	v15 =	vor.u32 v7, v15;
	v19 =	vld.idx.msk [tilespmem:v22+s4+$0x0], $0xffff;
	[tilespmem:s21+$0xFFFFFF40] =	vst v16  }
0x21b: {  	v22 =	vor.u32 v5, v8;
	v16 =	vld.idx.msk [tilespmem:v24+s4+$0x0], $0xffff;
	[tilespmem:s21+$0xFFFFFFC0] =	vst v17  }
0x21c: {  	v24 =	vor.u32 v5, v10;
	v17 =	vld.idx.msk [tilespmem:v27+s4+$0x0], $0xffff;
	[tilespmem:s21+$0x40] =	vst v18  }
0x21d: {  	v27 =	vor.u32 v6, v14;
	[tilespmem:s21+$0xC0] =	vst v26;
	v18 =	vld.idx.msk [tilespmem:v21+s4+$0x0], $0xffff  }
0x21e: {  	v21 =	vor.u32 v6, v13;
	v25 =	vld.idx.msk [tilespmem:v25+s4+$0x0], $0xffff;
	[tilespmem:s21+$0x160] =	vst v20  }
0x21f: {  	[tilespmem:s21+$0x1C0] =	vst v23;
	v20 =	vor.u32 v6, v12;
	v26 =	vld.idx.msk [tilespmem:v15+s4+$0x0], $0xffff  }
0x220: {  	s22 =	sadd.s32 $0x0, s19;
	v23 =	vor.u32 v6, v11;
	v22 =	vld.idx.msk [tilespmem:v22+s4+$0x0], $0xffff;
	[tilespmem:s21+$0xFFFFFE50] =	vst v19  }
0x221: {  	s25 =	sadd.s32 $0x28E, s22;
	v15 =	vor.u32 v6, v9;
	v19 =	vld.idx.msk [tilespmem:v24+s4+$0x0], $0xffff;
	[tilespmem:s21+$0xFFFFFED0] =	vst v16  }
0x222: {  	v24 =	vor.u32 v6, v8;
	v16 =	vmov s25;
	v27 =	vld.idx.msk [tilespmem:v27+s4+$0x0], $0xffff;
	[tilespmem:s21+$0xFFFFFF50] =	vst v17  }
0x223: {  	v28 =	vor.u32 v6, v10;
	v16 =	vand.u32 $0xFFFFFFFE, v16;
	v17 =	vld.idx.msk [tilespmem:v21+s4+$0x0], $0xffff;
	[tilespmem:s21+$0xFFFFFFD0] =	vst v18  }
0x224: {  	v14 =	vor.u32 v7, v14;
	v16 =	vbroadcast v16, $0x0;
	[tilespmem:s21+$0x50] =	vst v25;
	v18 =	vld.idx.msk [tilespmem:v20+s4+$0x0], $0xffff  }
0x225: {  	s26 =	sadd.s32 $0x288, s22;
	v23 =	vld.idx.msk [tilespmem:v23+s4+$0x0], $0xffff  }
0x226: {  	s28 =	sadd.s32 $0x289, s22;
	v13 =	vor.u32 v7, v13;
	v11 =	vor.u32 v7, v11;
	v20 =	vmov s26;
	v15 =	vld.idx.msk [tilespmem:v15+s4+$0x0], $0xffff;
	[tilespmem:s21+$0xD0] =	vst v22  }
0x227: {  	s24 =	sadd.s32 $0x28A, s22;
	v12 =	vor.u32 v7, v12;
	v21 =	vmov s28;
	v20 =	vand.u32 $0xFFFFFFF8, v20;
	v24 =	vld.idx.msk [tilespmem:v24+s4+$0x0], $0xffff;
	[tilespmem:s21+$0x1D0] =	vst v19  }
0x228: {  	s29 =	sadd.s32 $0x28B, s22;
	v21 =	vand.u32 $0xFFFFFFF9, v21;
	v22 =	vmov s24;
	v20 =	vbroadcast v20, $0x0;
	[tilespmem:s21+$0xFFFFFE60] =	vst v27;
	v25 =	vld.idx.msk [tilespmem:v28+s4+$0x0], $0xffff  }
0x229: {  	s30 =	sadd.s32 $0x28C, s22;
	v21 =	vbroadcast v21, $0x0;
	v19 =	vmov s29;
	v22 =	vand.u32 $0xFFFFFFFA, v22;
	v28 =	vld.idx.msk [tilespmem:v14+s4+$0x0], $0xffff  }
0x22a: {  	s31 =	sadd.s32 $0x28D, s22;
	v27 =	vmov s30;
	v19 =	vand.u32 $0xFFFFFFFB, v19;
	v22 =	vbroadcast v22, $0x0;
	[tilespmem:s21+$0xFFFFFEE0] =	vst v17;
	v16 =	vld.idx.msk [tilespmem:v16+s13+$0x0], $0xffff  }
0x22b: {  	v14 =	vmov s31;
	v27 =	vand.u32 $0xFFFFFFFC, v27;
	v19 =	vbroadcast v19, $0x0;
	[tilespmem:s21+$0xFFFFFF60] =	vst v18;
	v18 =	vld.idx.msk [tilespmem:v13+s4+$0x0], $0xffff  }
0x22c: {  	v14 =	vand.u32 $0xFFFFFFFD, v14;
	v17 =	vbroadcast v27, $0x0;
	[tilespmem:s21+$0x60] =	vst v23;
	v27 =	vld.idx.msk [tilespmem:v12+s4+$0x0], $0xffff  }
0x22d: {  	v30 =	vor.u32 v7, v8;
	v13 =	vbroadcast v14, $0x0;
	v8 =	vld.idx.msk [tilespmem:v11+s4+$0x0], $0xffff  }
0x22e: {  	v14 =	vld.idx.msk [tilespmem:v20+s13+$0x0], $0xffff  }
0x22f: {  	s22 =	sadd.s32 $0x28F, s22;
	v9 =	vor.u32 v7, v9;
	v21 =	vld.idx.msk [tilespmem:v21+s13+$0x0], $0xffff  }
0x230: {  	v20 =	vmov s22;
	v22 =	vld.idx.msk [tilespmem:v22+s13+$0x0], $0xffff  }
0x231: {  	v19 =	vld.idx.msk [tilespmem:v19+s13+$0x0], $0xffff;
	v12 =	vshll.u32 v16, $0x7  }
0x232: {  	v17 =	vld.idx.msk [tilespmem:v17+s13+$0x0], $0xffff;
	v29 =	vor.u32 v0, v12  }
0x233: {  	v32 =	vor.u32 v7, v10;
	[tilespmem:s21+$0xFFFFFFE0] =	vst v15;
	v31 =	vld.idx.msk [tilespmem:v13+s13+$0x0], $0xffff;
	v13 =	vshll.u32 v14, $0x7  }
0x234: {  	v9 =	vld.idx.msk [tilespmem:v9+s4+$0x0], $0xffff;
	v14 =	vshll.u32 v21, $0x7;
	v23 =	vor.u32 v0, v13  }
0x235: {  	[tilespmem:s21+$0xE0] =	vst v24;
	v20 =	vld.idx.msk [tilespmem:v20+s13+$0x0], $0xffff;
	v21 =	vor.u32 v0, v14;
	v15 =	vshll.u32 v22, $0x7  }
0x236: {  	v10 =	vld.idx.msk [tilespmem:v30+s4+$0x0], $0xffff;
	v22 =	vor.u32 v0, v15;
	v16 =	vshll.u32 v19, $0x7  }
0x237: {  	[tilespmem:s21+$0x1E0] =	vst v25;
	v19 =	vld.idx.msk [tilespmem:v29+s4+$0x0], $0xffff;
	v24 =	vor.u32 v0, v16  }
0x238: {  	v11 =	vld.idx.msk [tilespmem:v32+s4+$0x0], $0xffff;
	v30 =	vshll.u32 v17, $0x7;
	v17 =	vor.u32 v1, v12  }
0x239: {  	v25 =	vor.u32 v0, v30;
	v29 =	vshll.u32 v31, $0x7;
	v23 =	vld.idx.msk [tilespmem:v23+s4+$0x0], $0xffff  }
0x23a: {  	[tilespmem:s21+$0x170] =	vst v26;
	v26 =	vor.u32 v0, v29;
	v31 =	vshll.u32 v20, $0x7;
	v20 =	vld.idx.msk [tilespmem:v21+s4+$0x0], $0xffff  }
0x23b: {  	s22 =	simm.s32 $0x7E00;
	[tilespmem:s21+$0xFFFFFE70] =	vst v28;
	v21 =	vor.u32 v0, v31;
	v22 =	vld.idx.msk [tilespmem:v22+s4+$0x0], $0xffff  }
0x23c: {  	v28 =	vor.u32 v1, v13;
	v24 =	vld.idx.msk [tilespmem:v24+s4+$0x0], $0xffff;
	[tilespmem:s22+$0x100] =	vst v19  }
0x23d: {  	[tilespmem:s21+$0xFFFFFEF0] =	vst v18;
	v18 =	vor.u32 v1, v14;
	v17 =	vld.idx.msk [tilespmem:v17+s4+$0x0], $0xffff  }
0x23e: {  	[tilespmem:s21+$0xFFFFFF70] =	vst v27;
	v19 =	vor.u32 v1, v15;
	v25 =	vld.idx.msk [tilespmem:v25+s4+$0x0], $0xffff  }
0x23f: {  	v27 =	vor.u32 v1, v16;
	[tilespmem:s22+$0xFFFFFE00] =	vst v23;
	v23 =	vld.idx.msk [tilespmem:v26+s4+$0x0], $0xffff  }
0x240: {  	v26 =	vor.u32 v2, v12;
	[tilespmem:s22+$0xFFFFFE80] =	vst v20;
	v20 =	vld.idx.msk [tilespmem:v21+s4+$0x0], $0xffff  }
0x241: {  	v21 =	vor.u32 v1, v30;
	v28 =	vld.idx.msk [tilespmem:v28+s4+$0x0], $0xffff;
	[tilespmem:s22+$0xFFFFFF00] =	vst v22  }
0x242: {  	v22 =	vor.u32 v1, v29;
	v18 =	vld.idx.msk [tilespmem:v18+s4+$0x0], $0xffff;
	[tilespmem:s22+$0xFFFFFF80] =	vst v24  }
0x243: {  	v24 =	vor.u32 v1, v31;
	v19 =	vld.idx.msk [tilespmem:v19+s4+$0x0], $0xffff;
	[tilespmem:s22+$0x110] =	vst v17  }
0x244: {  	v17 =	vor.u32 v2, v13;
	[tilespmem:s22+$0x0] =	vst v25;
	v27 =	vld.idx.msk [tilespmem:v27+s4+$0x0], $0xffff  }
0x245: {  	v25 =	vld.idx.msk [tilespmem:v26+s4+$0x0], $0xffff;
	v26 =	vor.u32 v2, v14;
	[tilespmem:s22+$0x80] =	vst v23  }
0x246: {  	v21 =	vld.idx.msk [tilespmem:v21+s4+$0x0], $0xffff;
	[tilespmem:s22+$0x180] =	vst v20;
	v20 =	vor.u32 v2, v15  }
0x247: {  	v23 =	vor.u32 v3, v12;
	[tilespmem:s22+$0xFFFFFE10] =	vst v28;
	v22 =	vld.idx.msk [tilespmem:v22+s4+$0x0], $0xffff  }
0x248: {  	v28 =	vor.u32 v2, v16;
	[tilespmem:s22+$0xFFFFFE90] =	vst v18;
	v18 =	vld.idx.msk [tilespmem:v24+s4+$0x0], $0xffff  }
0x249: {  	v24 =	vor.u32 v2, v30;
	[tilespmem:s22+$0xFFFFFF10] =	vst v19;
	v17 =	vld.idx.msk [tilespmem:v17+s4+$0x0], $0xffff  }
0x24a: {  	v19 =	vor.u32 v2, v29;
	[tilespmem:s22+$0xFFFFFF90] =	vst v27;
	v26 =	vld.idx.msk [tilespmem:v26+s4+$0x0], $0xffff  }
0x24b: {  	v27 =	vor.u32 v3, v13;
	[tilespmem:s22+$0x120] =	vst v25;
	v20 =	vld.idx.msk [tilespmem:v20+s4+$0x0], $0xffff  }
0x24c: {  	v25 =	vor.u32 v2, v31;
	[tilespmem:s22+$0x10] =	vst v21;
	v23 =	vld.idx.msk [tilespmem:v23+s4+$0x0], $0xffff  }
0x24d: {  	v21 =	vld.idx.msk [tilespmem:v28+s4+$0x0], $0xffff;
	[tilespmem:s22+$0x90] =	vst v22;
	v28 =	vor.u32 v3, v14  }
0x24e: {  	v22 =	vor.u32 v4, v12;
	v24 =	vld.idx.msk [tilespmem:v24+s4+$0x0], $0xffff;
	[tilespmem:s22+$0x190] =	vst v18  }
0x24f: {  	v18 =	vor.u32 v3, v15;
	[tilespmem:s22+$0xFFFFFE20] =	vst v17;
	v17 =	vld.idx.msk [tilespmem:v19+s4+$0x0], $0xffff  }
0x250: {  	v19 =	vor.u32 v3, v16;
	v27 =	vld.idx.msk [tilespmem:v27+s4+$0x0], $0xffff;
	[tilespmem:s22+$0xFFFFFEA0] =	vst v26  }
0x251: {  	v25 =	vld.idx.msk [tilespmem:v25+s4+$0x0], $0xffff;
	v26 =	vor.u32 v3, v30;
	[tilespmem:s22+$0xFFFFFF20] =	vst v20  }
0x252: {  	[tilespmem:s22+$0x130] =	vst v23;
	v23 =	vor.u32 v3, v29;
	v28 =	vld.idx.msk [tilespmem:v28+s4+$0x0], $0xffff  }
0x253: {  	[tilespmem:s22+$0xFFFFFFA0] =	vst v21;
	v20 =	vld.idx.msk [tilespmem:v22+s4+$0x0], $0xffff;
	v22 =	vor.u32 v3, v31  }
0x254: {  	v18 =	vld.idx.msk [tilespmem:v18+s4+$0x0], $0xffff;
	[tilespmem:s22+$0x20] =	vst v24;
	v24 =	vor.u32 v4, v13  }
0x255: {  	v21 =	vor.u32 v5, v12;
	v19 =	vld.idx.msk [tilespmem:v19+s4+$0x0], $0xffff;
	[tilespmem:s22+$0xA0] =	vst v17  }
0x256: {  	v17 =	vor.u32 v4, v14;
	[tilespmem:s22+$0xFFFFFE30] =	vst v27;
	v26 =	vld.idx.msk [tilespmem:v26+s4+$0x0], $0xffff  }
0x257: {  	v27 =	vor.u32 v4, v16;
	[tilespmem:s22+$0x1A0] =	vst v25;
	v23 =	vld.idx.msk [tilespmem:v23+s4+$0x0], $0xffff  }
0x258: {  	v25 =	vor.u32 v4, v15;
	[tilespmem:s22+$0x140] =	vst v20;
	v20 =	vld.idx.msk [tilespmem:v22+s4+$0x0], $0xffff  }
0x259: {  	[tilespmem:s22+$0xFFFFFEB0] =	vst v28;
	v22 =	vor.u32 v4, v30;
	v24 =	vld.idx.msk [tilespmem:v24+s4+$0x0], $0xffff  }
0x25a: {  	v28 =	vor.u32 v4, v29;
	[tilespmem:s22+$0xFFFFFF30] =	vst v18;
	v21 =	vld.idx.msk [tilespmem:v21+s4+$0x0], $0xffff  }
0x25b: {  	v17 =	vld.idx.msk [tilespmem:v17+s4+$0x0], $0xffff;
	[tilespmem:s22+$0xFFFFFFB0] =	vst v19;
	v19 =	vor.u32 v4, v31  }
0x25c: {  	v18 =	vor.u32 v6, v12;
	v36 =	vld.idx.msk [tilespmem:v27+s4+$0x0], $0xffff;
	[tilespmem:s22+$0x30] =	vst v26  }
0x25d: {  	v44 =	vor.u32 v7, v12;
	v33 =	vor.u32 v5, v13;
	v63 =	vld.idx.msk [tilespmem:v25+s4+$0x0], $0xffff;
	[tilespmem:s22+$0xB0] =	vst v23  }
0x25e: {  	v35 =	vor.u32 v5, v14;
	v37 =	vor.u32 v5, v15;
	v39 =	vld.idx.msk [tilespmem:v22+s4+$0x0], $0xffff;
	[tilespmem:s22+$0x1B0] =	vst v20  }
0x25f: {  	v38 =	vor.u32 v5, v16;
	v40 =	vor.u32 v5, v30;
	v41 =	vld.idx.msk [tilespmem:v28+s4+$0x0], $0xffff;
	[tilespmem:s22+$0xFFFFFE40] =	vst v24  }
0x260: {  	v12 =	vor.u32 v7, v31;
	v27 =	vor.u32 v5, v29;
	[tilespmem:s22+$0x150] =	vst v21;
	v43 =	vld.idx.msk [tilespmem:v19+s4+$0x0], $0xffff  }
0x261: {  	v26 =	vor.u32 v6, v13;
	v25 =	vor.u32 v6, v14;
	[tilespmem:s22+$0xFFFFFEC0] =	vst v17;
	v42 =	vld.idx.msk [tilespmem:v18+s4+$0x0], $0xffff  }
0x262: {  	v23 =	vor.u32 v6, v16;
	v28 =	vor.u32 v5, v31;
	v34 =	vld.idx.msk [tilespmem:v33+s4+$0x0], $0xffff;
	[tilespmem:s22+$0xFFFFFFC0] =	vst v36  }
0x263: {  	v24 =	vor.u32 v6, v15;
	v22 =	vor.u32 v6, v30;
	v35 =	vld.idx.msk [tilespmem:v35+s4+$0x0], $0xffff;
	[tilespmem:s22+$0xFFFFFF40] =	vst v63  }
0x264: {  	v20 =	vor.u32 v6, v31;
	v21 =	vor.u32 v6, v29;
	v32 =	vld.idx.msk [tilespmem:v38+s4+$0x0], $0xffff;
	[tilespmem:s22+$0x40] =	vst v39  }
0x265: {  	v19 =	vor.u32 v7, v13;
	v17 =	vor.u32 v7, v14;
	v33 =	vld.idx.msk [tilespmem:v37+s4+$0x0], $0xffff;
	[tilespmem:s22+$0xC0] =	vst v41  }
0x266: {  	v18 =	vor.u32 v7, v15;
	v15 =	vor.u32 v7, v16;
	v16 =	vld.idx.msk [tilespmem:v40+s4+$0x0], $0xffff;
	[tilespmem:s22+$0x160] =	vst v42  }
0x267: {  	s20 =	sadd.s32 $0x1, s20;
	s23 =	simm.s32 $0x8;
	v14 =	vor.u32 v7, v30;
	v13 =	vor.u32 v7, v29;
	[tilespmem:s22+$0x1C0] =	vst v43;
	v29 =	vld.idx.msk [tilespmem:v44+s4+$0x0], $0xffff  }
.LBB2_7:
0x268: {  	s24 =	sadd.s32 s23, s19;
	s23 =	sadd.s32 $0x8, s23;
	[tilespmem:s22+$0xFFFFFE50] =	vst v34;
	v27 =	vld.idx.msk [tilespmem:v27+s4+$0x0], $0xffff  }
0x269: {  	s25 =	sadd.s32 $0x288, s24;
	s26 =	sadd.s32 $0x28E, s24;
	p0 =	slt.u32 s23, $0x138;
	[tilespmem:s22+$0xFFFFFED0] =	vst v35;
	v28 =	vld.idx.msk [tilespmem:v28+s4+$0x0], $0xffff  }
0x26a: {  	s28 =	sadd.s32 $0x28A, s24;
	s29 =	sadd.s32 $0x28B, s24;
	v30 =	vmov s25;
	s25 =	sadd.s32 $0x289, s24;
	v31 =	vmov s26;
	v26 =	vld.idx.msk [tilespmem:v26+s4+$0x0], $0xffff;
	[tilespmem:s22+$0xFFFFFF50] =	vst v33  }
0x26b: {  	v34 =	vmov s28;
	s26 =	sadd.s32 $0x28D, s24;
	v33 =	vmov s25;
	s25 =	sadd.s32 $0x28C, s24;
	v31 =	vand.u32 $0xFFFFFFFE, v31;
	s24 =	sadd.s32 $0x28F, s24;
	v25 =	vld.idx.msk [tilespmem:v25+s4+$0x0], $0xffff;
	[tilespmem:s22+$0xFFFFFFD0] =	vst v32  }
0x26c: {  	v32 =	vmov s29;
	v35 =	vmov s25;
	v31 =	vbroadcast v31, $0x0;
	v24 =	vld.idx.msk [tilespmem:v24+s4+$0x0], $0xffff;
	[tilespmem:s22+$0x50] =	vst v16  }
0x26d: {  	v16 =	vand.u32 $0xFFFFFFF8, v30;
	v30 =	vand.u32 $0xFFFFFFF9, v33;
	v33 =	vmov s26;
	v23 =	vld.idx.msk [tilespmem:v23+s4+$0x0], $0xffff;
	[tilespmem:s22+$0x170] =	vst v29  }
0x26e: {  	v32 =	vand.u32 $0xFFFFFFFB, v32;
	v29 =	vand.u32 $0xFFFFFFFA, v34;
	v34 =	vand.u32 $0xFFFFFFFC, v35;
	v22 =	vld.idx.msk [tilespmem:v22+s4+$0x0], $0xffff;
	[tilespmem:s22+$0xD0] =	vst v27  }
0x26f: {  	v16 =	vbroadcast v16, $0x0;
	v27 =	vbroadcast v30, $0x0;
	v30 =	vand.u32 $0xFFFFFFFD, v33;
	v21 =	vld.idx.msk [tilespmem:v21+s4+$0x0], $0xffff;
	[tilespmem:s22+$0x1D0] =	vst v28  }
0x270: {  	v28 =	vbroadcast v29, $0x0;
	v29 =	vbroadcast v32, $0x0;
	v32 =	vmov s24;
	[tilespmem:s22+$0xFFFFFE60] =	vst v26;
	v20 =	vld.idx.msk [tilespmem:v20+s4+$0x0], $0xffff  }
0x271: {  	v30 =	vbroadcast v30, $0x0;
	v26 =	vbroadcast v34, $0x0;
	v19 =	vld.idx.msk [tilespmem:v19+s4+$0x0], $0xffff;
	[tilespmem:s22+$0xFFFFFEE0] =	vst v25  }
0x272: {  	v25 =	vld.idx.msk [tilespmem:v31+s13+$0x0], $0xffff;
	[tilespmem:s22+$0xFFFFFF60] =	vst v24  }
0x273: {  	v17 =	vld.idx.msk [tilespmem:v17+s4+$0x0], $0xffff;
	[tilespmem:s22+$0xFFFFFFE0] =	vst v23  }
0x274: {  	v18 =	vld.idx.msk [tilespmem:v18+s4+$0x0], $0xffff;
	[tilespmem:s22+$0x60] =	vst v22  }
0x275: {  	v22 =	vld.idx.msk [tilespmem:v16+s13+$0x0], $0xffff;
	[tilespmem:s22+$0xE0] =	vst v21  }
0x276: {  	v21 =	vld.idx.msk [tilespmem:v27+s13+$0x0], $0xffff;
	[tilespmem:s22+$0x1E0] =	vst v20  }
0x277: {  	v20 =	vld.idx.msk [tilespmem:v28+s13+$0x0], $0xffff;
	[tilespmem:s22+$0xFFFFFE70] =	vst v19  }
0x278: {  	v16 =	vshll.u32 v25, $0x7;
	v19 =	vld.idx.msk [tilespmem:v29+s13+$0x0], $0xffff;
	[tilespmem:s21+$0xFFFFFFF0] =	vst v9  }
0x279: {  	v24 =	vor.u32 v0, v16;
	v23 =	vld.idx.msk [tilespmem:v26+s13+$0x0], $0xffff;
	[tilespmem:s22+$0xFFFFFEF0] =	vst v17  }
0x27a: {  	v17 =	vld.idx.msk [tilespmem:v30+s13+$0x0], $0xffff;
	[tilespmem:s22+$0xFFFFFF70] =	vst v18  }
0x27b: {  	v18 =	vshll.u32 v22, $0x7;
	v22 =	vld.idx.msk [tilespmem:v32+s13+$0x0], $0xffff;
	[tilespmem:s21+$0x70] =	vst v8  }
0x27c: {  	v25 =	vor.u32 v0, v18;
	v26 =	vor.u32 v1, v18;
	v29 =	vshll.u32 v21, $0x7;
	v9 =	vld.idx.msk [tilespmem:v15+s4+$0x0], $0xffff;
	[tilespmem:s21+$0xF0] =	vst v10  }
0x27d: {  	v15 =	vor.u32 v0, v29;
	v21 =	vor.u32 v1, v29;
	v30 =	vshll.u32 v20, $0x7;
	v8 =	vld.idx.msk [tilespmem:v14+s4+$0x0], $0xffff;
	[tilespmem:s21+$0x1F0] =	vst v11;
	s21 =	smov.u32 s22  }
0x27e: {  	v14 =	vor.u32 v0, v30;
	v20 =	vor.u32 v1, v30;
	v31 =	vshll.u32 v19, $0x7;
	v19 =	vld.idx.msk [tilespmem:v24+s4+$0x0], $0xffff  }
0x27f: {  	v24 =	vor.u32 v0, v31;
	v27 =	vor.u32 v1, v31;
	v32 =	vshll.u32 v23, $0x7;
	v10 =	vld.idx.msk [tilespmem:v13+s4+$0x0], $0xffff  }
0x280: {  	v13 =	vor.u32 v0, v32;
	v33 =	vshll.u32 v17, $0x7;
	v17 =	vor.u32 v1, v16;
	v11 =	vld.idx.msk [tilespmem:v12+s4+$0x0], $0xffff  }
0x281: {  	v23 =	vor.u32 v1, v32;
	v34 =	vshll.u32 v22, $0x7;
	v12 =	vld.idx.msk [tilespmem:v25+s4+$0x0], $0xffff;
	v25 =	vor.u32 v0, v33  }
0x282: {  	v22 =	vor.u32 v1, v33;
	v28 =	vor.u32 v0, v34;
	v35 =	vor.u32 v1, v34;
	v15 =	vld.idx.msk [tilespmem:v15+s4+$0x0], $0xffff  }
0x283: {  	v36 =	vor.u32 v2, v18;
	v37 =	vor.u32 v2, v29;
	v38 =	vor.u32 v2, v30;
	s22 =	sadd.s32 $0x400, s22;
	v14 =	vld.idx.msk [tilespmem:v14+s4+$0x0], $0xffff  }
0x284: {  	v39 =	vor.u32 v2, v31;
	v40 =	vor.u32 v2, v32;
	v24 =	vld.idx.msk [tilespmem:v24+s4+$0x0], $0xffff;
	[tilespmem:s22+$0x100] =	vst v19  }
0x285: {  	v41 =	vor.u32 v3, v18;
	v42 =	vor.u32 v2, v33;
	v43 =	vor.u32 v2, v34;
	v17 =	vld.idx.msk [tilespmem:v17+s4+$0x0], $0xffff  }
0x286: {  	v44 =	vor.u32 v3, v29;
	v45 =	vor.u32 v3, v30;
	v46 =	vor.u32 v3, v31;
	v13 =	vld.idx.msk [tilespmem:v13+s4+$0x0], $0xffff  }
0x287: {  	v47 =	vor.u32 v3, v32;
	v19 =	vor.u32 v2, v16;
	[tilespmem:s22+$0xFFFFFE00] =	vst v12;
	v12 =	vld.idx.msk [tilespmem:v25+s4+$0x0], $0xffff  }
0x288: {  	v48 =	vor.u32 v3, v33;
	v49 =	vor.u32 v3, v34;
	[tilespmem:s22+$0xFFFFFE80] =	vst v15;
	v15 =	vld.idx.msk [tilespmem:v28+s4+$0x0], $0xffff  }
0x289: {  	v50 =	vor.u32 v4, v18;
	v51 =	vor.u32 v4, v29;
	v25 =	vld.idx.msk [tilespmem:v26+s4+$0x0], $0xffff;
	[tilespmem:s22+$0xFFFFFF00] =	vst v14  }
0x28a: {  	v52 =	vor.u32 v4, v30;
	v53 =	vor.u32 v4, v31;
	v14 =	vld.idx.msk [tilespmem:v21+s4+$0x0], $0xffff;
	[tilespmem:s22+$0xFFFFFF80] =	vst v24  }
0x28b: {  	v54 =	vor.u32 v4, v32;
	v55 =	vor.u32 v4, v33;
	v20 =	vld.idx.msk [tilespmem:v20+s4+$0x0], $0xffff;
	[tilespmem:s22+$0x110] =	vst v17  }
0x28c: {  	v56 =	vor.u32 v5, v18;
	v57 =	vor.u32 v4, v34;
	[tilespmem:s22+$0x0] =	vst v13;
	v13 =	vld.idx.msk [tilespmem:v19+s4+$0x0], $0xffff  }
0x28d: {  	v58 =	vor.u32 v5, v29;
	v59 =	vor.u32 v5, v30;
	v17 =	vld.idx.msk [tilespmem:v27+s4+$0x0], $0xffff;
	[tilespmem:s22+$0x80] =	vst v12  }
0x28e: {  	v60 =	vor.u32 v5, v31;
	v19 =	vor.u32 v3, v16;
	v12 =	vld.idx.msk [tilespmem:v23+s4+$0x0], $0xffff;
	[tilespmem:s22+$0x180] =	vst v15  }
0x28f: {  	v61 =	vor.u32 v5, v32;
	v27 =	vor.u32 v5, v33;
	[tilespmem:s22+$0xFFFFFE10] =	vst v25;
	v15 =	vld.idx.msk [tilespmem:v22+s4+$0x0], $0xffff  }
0x290: {  	v28 =	vor.u32 v5, v34;
	v26 =	vor.u32 v6, v18;
	[tilespmem:s22+$0xFFFFFE90] =	vst v14;
	v35 =	vld.idx.msk [tilespmem:v35+s4+$0x0], $0xffff  }
0x291: {  	v24 =	vor.u32 v6, v30;
	v25 =	vor.u32 v6, v29;
	v36 =	vld.idx.msk [tilespmem:v36+s4+$0x0], $0xffff;
	[tilespmem:s22+$0xFFFFFF10] =	vst v20  }
0x292: {  	v23 =	vor.u32 v6, v31;
	v22 =	vor.u32 v6, v32;
	v37 =	vld.idx.msk [tilespmem:v37+s4+$0x0], $0xffff;
	[tilespmem:s22+$0x120] =	vst v13  }
0x293: {  	v21 =	vor.u32 v6, v33;
	v20 =	vor.u32 v6, v34;
	[tilespmem:s22+$0xFFFFFF90] =	vst v17;
	v62 =	vld.idx.msk [tilespmem:v19+s4+$0x0], $0xffff  }
0x294: {  	v19 =	vor.u32 v7, v18;
	v17 =	vor.u32 v7, v29;
	v29 =	vld.idx.msk [tilespmem:v38+s4+$0x0], $0xffff;
	[tilespmem:s22+$0x10] =	vst v12  }
0x295: {  	v18 =	vor.u32 v7, v30;
	v38 =	vor.u32 v4, v16;
	v30 =	vld.idx.msk [tilespmem:v39+s4+$0x0], $0xffff;
	[tilespmem:s22+$0x90] =	vst v15  }
0x296: {  	v14 =	vor.u32 v7, v32;
	v15 =	vor.u32 v7, v31;
	v31 =	vld.idx.msk [tilespmem:v40+s4+$0x0], $0xffff;
	[tilespmem:s22+$0x190] =	vst v35  }
0x297: {  	v13 =	vor.u32 v7, v33;
	v12 =	vor.u32 v7, v34;
	[tilespmem:s22+$0xFFFFFE20] =	vst v36;
	v32 =	vld.idx.msk [tilespmem:v42+s4+$0x0], $0xffff  }
0x298: {  	[tilespmem:s22+$0xFFFFFEA0] =	vst v37;
	v33 =	vld.idx.msk [tilespmem:v43+s4+$0x0], $0xffff  }
0x299: {  	v34 =	vld.idx.msk [tilespmem:v41+s4+$0x0], $0xffff;
	[tilespmem:s22+$0x130] =	vst v62  }
0x29a: {  	[tilespmem:s22+$0xFFFFFF20] =	vst v29;
	v29 =	vld.idx.msk [tilespmem:v38+s4+$0x0], $0xffff  }
0x29b: {  	v35 =	vld.idx.msk [tilespmem:v44+s4+$0x0], $0xffff;
	[tilespmem:s22+$0xFFFFFFA0] =	vst v30  }
0x29c: {  	v30 =	vld.idx.msk [tilespmem:v45+s4+$0x0], $0xffff;
	[tilespmem:s22+$0x20] =	vst v31;
	v31 =	vor.u32 v5, v16  }
0x29d: {  	v36 =	vld.idx.msk [tilespmem:v46+s4+$0x0], $0xffff;
	[tilespmem:s22+$0xA0] =	vst v32  }
0x29e: {  	v32 =	vld.idx.msk [tilespmem:v47+s4+$0x0], $0xffff;
	[tilespmem:s22+$0x1A0] =	vst v33  }
0x29f: {  	[tilespmem:s22+$0xFFFFFE30] =	vst v34;
	v33 =	vld.idx.msk [tilespmem:v48+s4+$0x0], $0xffff  }
0x2a0: {  	[tilespmem:s22+$0x140] =	vst v29;
	v29 =	vld.idx.msk [tilespmem:v49+s4+$0x0], $0xffff  }
0x2a1: {  	[tilespmem:s22+$0xFFFFFEB0] =	vst v35;
	v31 =	vld.idx.msk [tilespmem:v31+s4+$0x0], $0xffff  }
0x2a2: {  	v34 =	vld.idx.msk [tilespmem:v50+s4+$0x0], $0xffff;
	[tilespmem:s22+$0xFFFFFF30] =	vst v30  }
0x2a3: {  	v35 =	vor.u32 v6, v16;
	v30 =	vld.idx.msk [tilespmem:v51+s4+$0x0], $0xffff;
	[tilespmem:s22+$0xFFFFFFB0] =	vst v36  }
0x2a4: {  	v36 =	vld.idx.msk [tilespmem:v52+s4+$0x0], $0xffff;
	[tilespmem:s22+$0x30] =	vst v32  }
0x2a5: {  	v32 =	vld.idx.msk [tilespmem:v53+s4+$0x0], $0xffff;
	[tilespmem:s22+$0xB0] =	vst v33  }
0x2a6: {  	v37 =	vld.idx.msk [tilespmem:v54+s4+$0x0], $0xffff;
	[tilespmem:s22+$0x1B0] =	vst v29  }
0x2a7: {  	v29 =	vld.idx.msk [tilespmem:v55+s4+$0x0], $0xffff;
	[tilespmem:s22+$0x150] =	vst v31  }
0x2a8: {  	[tilespmem:s22+$0xFFFFFE40] =	vst v34;
	v31 =	vld.idx.msk [tilespmem:v35+s4+$0x0], $0xffff  }
0x2a9: {  	[tilespmem:s22+$0xFFFFFEC0] =	vst v30;
	v30 =	vld.idx.msk [tilespmem:v57+s4+$0x0], $0xffff  }
0x2aa: {  	v34 =	vld.idx.msk [tilespmem:v56+s4+$0x0], $0xffff;
	[tilespmem:s22+$0xFFFFFF40] =	vst v36;
	v36 =	vor.u32 v7, v16  }
.Ltmp2:
0x2ab: {  	v35 =	vld.idx.msk [tilespmem:v58+s4+$0x0], $0xffff;
	[tilespmem:s22+$0xFFFFFFC0] =	vst v32;
	(pc) =	sbr.rel @p0 .LBB2_7-.Ltmp2, $4  }
0x2ac: {  	v33 =	vld.idx.msk [tilespmem:v59+s4+$0x0], $0xffff;
	[tilespmem:s22+$0x40] =	vst v37  }
0x2ad: {  	v32 =	vld.idx.msk [tilespmem:v60+s4+$0x0], $0xffff;
	[tilespmem:s22+$0xC0] =	vst v29  }
0x2ae: {  	v16 =	vld.idx.msk [tilespmem:v61+s4+$0x0], $0xffff;
	[tilespmem:s22+$0x160] =	vst v31  }
0x2af: {  	v29 =	vld.idx.msk [tilespmem:v36+s4+$0x0], $0xffff;
	[tilespmem:s22+$0x1C0] =	vst v30  }
0x2b0: {  	[tilespmem:s22+$0xFFFFFE50] =	vst v34  }
0x2b1: {  	[tilespmem:s22+$0xFFFFFED0] =	vst v35  }
0x2b2: {  	[tilespmem:s21+$0xFFFFFFF0] =	vst v9  }
0x2b3: {  	[tilespmem:s21+$0x70] =	vst v8  }
0x2b4: {  	[tilespmem:s21+$0xF0] =	vst v10  }
0x2b5: {  	v27 =	vld.idx.msk [tilespmem:v27+s4+$0x0], $0xffff;
	[tilespmem:s21+$0x1F0] =	vst v11  }
0x2b6: {  	v28 =	vld.idx.msk [tilespmem:v28+s4+$0x0], $0xffff;
	[tilespmem:s22+$0xFFFFFF50] =	vst v33  }
0x2b7: {  	v26 =	vld.idx.msk [tilespmem:v26+s4+$0x0], $0xffff;
	[tilespmem:s22+$0xFFFFFFD0] =	vst v32  }
0x2b8: {  	v25 =	vld.idx.msk [tilespmem:v25+s4+$0x0], $0xffff;
	[tilespmem:s22+$0x50] =	vst v16  }
0x2b9: {  	v16 =	vld.idx.msk [tilespmem:v24+s4+$0x0], $0xffff;
	[tilespmem:s22+$0x170] =	vst v29  }
0x2ba: {  	v23 =	vld.idx.msk [tilespmem:v23+s4+$0x0], $0xffff;
	[tilespmem:s22+$0xD0] =	vst v27  }
0x2bb: {  	v22 =	vld.idx.msk [tilespmem:v22+s4+$0x0], $0xffff;
	[tilespmem:s22+$0x1D0] =	vst v28  }
0x2bc: {  	v21 =	vld.idx.msk [tilespmem:v21+s4+$0x0], $0xffff;
	[tilespmem:s22+$0xFFFFFE60] =	vst v26  }
0x2bd: {  	v20 =	vld.idx.msk [tilespmem:v20+s4+$0x0], $0xffff;
	[tilespmem:s22+$0xFFFFFEE0] =	vst v25  }
0x2be: {  	v19 =	vld.idx.msk [tilespmem:v19+s4+$0x0], $0xffff;
	[tilespmem:s22+$0xFFFFFF60] =	vst v16  }
0x2bf: {  	[tilespmem:s22+$0xFFFFFFE0] =	vst v23;
	v16 =	vld.idx.msk [tilespmem:v17+s4+$0x0], $0xffff  }
0x2c0: {  	[tilespmem:s22+$0x60] =	vst v22;
	v17 =	vld.idx.msk [tilespmem:v18+s4+$0x0], $0xffff  }
0x2c1: {  	v9 =	vld.idx.msk [tilespmem:v15+s4+$0x0], $0xffff;
	[tilespmem:s22+$0xE0] =	vst v21  }
0x2c2: {  	s23 =	smul.u32 $0x14000, s20;
	[tilespmem:s22+$0x1E0] =	vst v20;
	v8 =	vld.idx.msk [tilespmem:v13+s4+$0x0], $0xffff  }
0x2c3: {  	[tilespmem:s22+$0xFFFFFE70] =	vst v19;
	v10 =	vld.idx.msk [tilespmem:v12+s4+$0x0], $0xffff  }
0x2c4: {  	s21 =	sadd.s32 s5, s23;
	s23 =	sadd.s32 $0xFFFFFFF8, s19;
	v14 =	vld.idx.msk [tilespmem:v14+s4+$0x0], $0xffff;
	[tilespmem:s22+$0xFFFFFEF0] =	vst v16  }
0x2c5: {  	s25 =	sadd.s32 $0x3C8, s23;
	[tilespmem:s22+$0xFFFFFF70] =	vst v17  }
0x2c6: {  	s24 =	sadd.s32 $0x3CE, s23;
	[tilespmem:s22+$0xFFFFFFF0] =	vst v9;
	v9 =	vmov s25  }
0x2c7: {  	s26 =	sadd.s32 $0x3C9, s23;
	v9 =	vand.u32 $0xFFFFFFF8, v9;
	[tilespmem:s22+$0xF0] =	vst v8;
	v8 =	vmov s24  }
0x2c8: {  	s21 =	sshrl.u32 s21, $0x3;
	s28 =	sadd.s32 $0x3CA, s23;
	v9 =	vbroadcast v9, $0x0;
	[tilespmem:s22+$0x1F0] =	vst v10;
	v10 =	vmov s26;
	v8 =	vand.u32 $0xFFFFFFFE, v8  }
0x2c9: {  	s29 =	sadd.s32 $0x3CB, s23;
	s30 =	sadd.s32 $0x3CC, s23;
	s21 =	sadd.s32 s3, s21;
	v11 =	vmov s28;
	[tilespmem:s22+$0x70] =	vst v14;
	v10 =	vand.u32 $0xFFFFFFF9, v10;
	v8 =	vbroadcast v8, $0x0  }
0x2ca: {  	v11 =	vand.u32 $0xFFFFFFFA, v11;
	v12 =	vmov s29;
	[hbm4b:s21+s4] =	stream.linear.scatter [tilespmem:s14], [sflag:$0x1], $0xA000, $0x38;
	v10 =	vbroadcast v10, $0x0;
	[tilespmem:$0x1B800] =	vst v63  }
0x2cb: {  	v11 =	vbroadcast v11, $0x0;
	v13 =	vmov s30;
	v12 =	vand.u32 $0xFFFFFFFB, v12;
	_ =	swait.ge [sflag:s17], $0xA000  }
0x2cc: {  	v13 =	vand.u32 $0xFFFFFFFC, v13;
	v12 =	vbroadcast v12, $0x0;
	[sflag:s17] =	ssyncset.done $0x0  }
0x2cd: {  	s31 =	sadd.s32 $0x3CD, s23;
	v13 =	vbroadcast v13, $0x0;
	[sflag:s17] =	ssyncadd.s32 $0xFFFF6000  }
0x2ce: {  	v14 =	vmov s31;
	v9 =	vld.idx.msk [tilespmem:v9+s13+$0x0], $0xffff  }
0x2cf: {  	v14 =	vand.u32 $0xFFFFFFFD, v14;
	s24 =	sadd.s32 $0x3CF, s23;
	v8 =	vld.idx.msk [tilespmem:v8+s13+$0x0], $0xffff  }
0x2d0: {  	v16 =	vbroadcast v14, $0x0;
	v17 =	vmov s24;
	v10 =	vld.idx.msk [tilespmem:v10+s13+$0x0], $0xffff  }
0x2d1: {  	v11 =	vld.idx.msk [tilespmem:v11+s13+$0x0], $0xffff  }
0x2d2: {  	v18 =	vld.idx.msk [tilespmem:v12+s13+$0x0], $0xffff  }
0x2d3: {  	v19 =	vld.idx.msk [tilespmem:v13+s13+$0x0], $0xffff  }
0x2d4: {  	v15 =	vshll.u32 v8, $0x7  }
0x2d5: {  	v14 =	vshll.u32 v9, $0x7;
	v13 =	vshll.u32 v10, $0x7;
	v10 =	vld.idx.msk [tilespmem:v17+s13+$0x0], $0xffff;
	v8 =	vor.u32 v0, v15  }
0x2d6: {  	v16 =	vld.idx.msk [tilespmem:v16+s13+$0x0], $0xffff;
	v12 =	vshll.u32 v11, $0x7;
	v20 =	vor.u32 v0, v14  }
0x2d7: {  	v9 =	vshll.u32 v18, $0x7;
	v21 =	vor.u32 v0, v12  }
0x2d8: {  	v11 =	vshll.u32 v19, $0x7;
	v22 =	vor.u32 v0, v9  }
0x2d9: {  	v23 =	vor.u32 v0, v11  }
0x2da: {  	v17 =	vor.u32 v0, v13;
	v10 =	vshll.u32 v10, $0x7;
	v18 =	vld.idx.msk [tilespmem:v8+s4+$0x0], $0xffff  }
0x2db: {  	v8 =	vshll.u32 v16, $0x7;
	v16 =	vld.idx.msk [tilespmem:v20+s4+$0x0], $0xffff;
	v24 =	vor.u32 v0, v10  }
0x2dc: {  	v19 =	vor.u32 v1, v15;
	v21 =	vld.idx.msk [tilespmem:v21+s4+$0x0], $0xffff  }
0x2dd: {  	v22 =	vld.idx.msk [tilespmem:v22+s4+$0x0], $0xffff;
	v20 =	vor.u32 v0, v8  }
0x2de: {  	s21 =	simm.s32 $0x11A00;
	v26 =	vor.u32 v1, v12;
	v23 =	vld.idx.msk [tilespmem:v23+s4+$0x0], $0xffff  }
0x2df: {  	v25 =	vor.u32 v1, v14;
	v17 =	vld.idx.msk [tilespmem:v17+s4+$0x0], $0xffff;
	[tilespmem:s21+$0x100] =	vst v18  }
0x2e0: {  	v28 =	vor.u32 v1, v9;
	[tilespmem:s21+$0xFFFFFE00] =	vst v16;
	v16 =	vld.idx.msk [tilespmem:v24+s4+$0x0], $0xffff  }
0x2e1: {  	v18 =	vor.u32 v1, v13;
	v19 =	vld.idx.msk [tilespmem:v19+s4+$0x0], $0xffff  }
0x2e2: {  	[tilespmem:s21+$0xFFFFFF00] =	vst v21;
	v24 =	vor.u32 v1, v11;
	v20 =	vld.idx.msk [tilespmem:v20+s4+$0x0], $0xffff  }
0x2e3: {  	v27 =	vor.u32 v2, v15;
	[tilespmem:s21+$0xFFFFFF80] =	vst v22;
	v26 =	vld.idx.msk [tilespmem:v26+s4+$0x0], $0xffff  }
0x2e4: {  	[tilespmem:s21+$0xFFFFFE80] =	vst v17;
	v17 =	vld.idx.msk [tilespmem:v25+s4+$0x0], $0xffff;
	v25 =	vor.u32 v1, v8  }
0x2e5: {  	v21 =	vor.u32 v1, v10;
	[tilespmem:s21+$0x0] =	vst v23;
	v23 =	vld.idx.msk [tilespmem:v28+s4+$0x0], $0xffff  }
0x2e6: {  	v28 =	vor.u32 v2, v12;
	v18 =	vld.idx.msk [tilespmem:v18+s4+$0x0], $0xffff;
	[tilespmem:s21+$0x110] =	vst v19  }
0x2e7: {  	v19 =	vor.u32 v2, v14;
	[tilespmem:s21+$0x80] =	vst v20;
	v20 =	vld.idx.msk [tilespmem:v24+s4+$0x0], $0xffff  }
0x2e8: {  	[tilespmem:s21+$0xFFFFFF10] =	vst v26;
	v22 =	vld.idx.msk [tilespmem:v27+s4+$0x0], $0xffff;
	v27 =	vor.u32 v2, v13  }
0x2e9: {  	[tilespmem:s21+$0x180] =	vst v16;
	v16 =	vld.idx.msk [tilespmem:v25+s4+$0x0], $0xffff;
	v25 =	vor.u32 v2, v9  }
0x2ea: {  	[tilespmem:s21+$0xFFFFFE10] =	vst v17;
	v17 =	vld.idx.msk [tilespmem:v21+s4+$0x0], $0xffff;
	v21 =	vor.u32 v2, v11  }
0x2eb: {  	[tilespmem:s21+$0xFFFFFF90] =	vst v23;
	v23 =	vld.idx.msk [tilespmem:v28+s4+$0x0], $0xffff;
	v24 =	vor.u32 v3, v15  }
0x2ec: {  	[tilespmem:s21+$0xFFFFFE90] =	vst v18;
	v18 =	vld.idx.msk [tilespmem:v19+s4+$0x0], $0xffff  }
0x2ed: {  	v19 =	vor.u32 v2, v8;
	[tilespmem:s21+$0x10] =	vst v20;
	v27 =	vld.idx.msk [tilespmem:v27+s4+$0x0], $0xffff  }
0x2ee: {  	[tilespmem:s21+$0x120] =	vst v22;
	v22 =	vor.u32 v2, v10;
	v20 =	vld.idx.msk [tilespmem:v25+s4+$0x0], $0xffff  }
0x2ef: {  	v26 =	vor.u32 v3, v14;
	[tilespmem:s21+$0x90] =	vst v16;
	v16 =	vld.idx.msk [tilespmem:v21+s4+$0x0], $0xffff  }
0x2f0: {  	[tilespmem:s21+$0xFFFFFF20] =	vst v23;
	v21 =	vor.u32 v3, v12;
	v24 =	vld.idx.msk [tilespmem:v24+s4+$0x0], $0xffff  }
0x2f1: {  	v28 =	vor.u32 v3, v13;
	[tilespmem:s21+$0x190] =	vst v17  }
0x2f2: {  	v25 =	vor.u32 v4, v15;
	v17 =	vld.idx.msk [tilespmem:v19+s4+$0x0], $0xffff;
	[tilespmem:s21+$0xFFFFFE20] =	vst v18  }
0x2f3: {  	v19 =	vor.u32 v3, v9;
	v18 =	vld.idx.msk [tilespmem:v22+s4+$0x0], $0xffff;
	[tilespmem:s21+$0xFFFFFEA0] =	vst v27  }
0x2f4: {  	v22 =	vor.u32 v3, v11;
	v26 =	vld.idx.msk [tilespmem:v26+s4+$0x0], $0xffff;
	[tilespmem:s21+$0xFFFFFFA0] =	vst v20  }
0x2f5: {  	v20 =	vld.idx.msk [tilespmem:v21+s4+$0x0], $0xffff;
	[tilespmem:s21+$0x130] =	vst v24;
	v24 =	vor.u32 v3, v8  }
0x2f6: {  	v23 =	vld.idx.msk [tilespmem:v28+s4+$0x0], $0xffff;
	v28 =	vor.u32 v4, v14  }
0x2f7: {  	v27 =	vor.u32 v3, v10;
	[tilespmem:s21+$0x20] =	vst v16;
	v25 =	vld.idx.msk [tilespmem:v25+s4+$0x0], $0xffff  }
0x2f8: {  	v21 =	vor.u32 v5, v15;
	v16 =	vld.idx.msk [tilespmem:v19+s4+$0x0], $0xffff;
	[tilespmem:s21+$0xA0] =	vst v17  }
0x2f9: {  	v19 =	vor.u32 v4, v13;
	v17 =	vld.idx.msk [tilespmem:v22+s4+$0x0], $0xffff;
	[tilespmem:s21+$0x1A0] =	vst v18  }
0x2fa: {  	v22 =	vor.u32 v4, v12;
	[tilespmem:s21+$0xFFFFFE30] =	vst v26;
	v18 =	vld.idx.msk [tilespmem:v24+s4+$0x0], $0xffff  }
0x2fb: {  	v24 =	vor.u32 v4, v9;
	[tilespmem:s21+$0xFFFFFEB0] =	vst v23;
	v23 =	vld.idx.msk [tilespmem:v28+s4+$0x0], $0xffff  }
0x2fc: {  	[tilespmem:s21+$0x140] =	vst v25;
	v25 =	vld.idx.msk [tilespmem:v27+s4+$0x0], $0xffff;
	v27 =	vor.u32 v4, v11  }
0x2fd: {  	v26 =	vor.u32 v4, v8;
	[tilespmem:s21+$0xFFFFFF30] =	vst v20;
	v21 =	vld.idx.msk [tilespmem:v21+s4+$0x0], $0xffff  }
0x2fe: {  	v28 =	vor.u32 v4, v10;
	v19 =	vld.idx.msk [tilespmem:v19+s4+$0x0], $0xffff;
	[tilespmem:s21+$0xFFFFFFB0] =	vst v16  }
0x2ff: {  	v20 =	vor.u32 v6, v15;
	v16 =	vld.idx.msk [tilespmem:v22+s4+$0x0], $0xffff;
	[tilespmem:s21+$0x30] =	vst v17  }
0x300: {  	v22 =	vor.u32 v5, v14;
	v17 =	vld.idx.msk [tilespmem:v24+s4+$0x0], $0xffff;
	[tilespmem:s21+$0xB0] =	vst v18  }
0x301: {  	v24 =	vor.u32 v5, v13;
	[tilespmem:s21+$0xFFFFFE40] =	vst v23;
	v18 =	vld.idx.msk [tilespmem:v27+s4+$0x0], $0xffff  }
0x302: {  	v27 =	vor.u32 v5, v12;
	v26 =	vld.idx.msk [tilespmem:v26+s4+$0x0], $0xffff;
	[tilespmem:s21+$0x1B0] =	vst v25  }
0x303: {  	[tilespmem:s21+$0x150] =	vst v21;
	v21 =	vor.u32 v5, v9;
	v23 =	vld.idx.msk [tilespmem:v28+s4+$0x0], $0xffff  }
0x304: {  	v25 =	vor.u32 v5, v11;
	v20 =	vld.idx.msk [tilespmem:v20+s4+$0x0], $0xffff;
	[tilespmem:s21+$0xFFFFFEC0] =	vst v19  }
0x305: {  	v15 =	vor.u32 v7, v15;
	v19 =	vld.idx.msk [tilespmem:v22+s4+$0x0], $0xffff;
	[tilespmem:s21+$0xFFFFFF40] =	vst v16  }
0x306: {  	v22 =	vor.u32 v5, v8;
	v16 =	vld.idx.msk [tilespmem:v24+s4+$0x0], $0xffff;
	[tilespmem:s21+$0xFFFFFFC0] =	vst v17  }
0x307: {  	v24 =	vor.u32 v5, v10;
	v17 =	vld.idx.msk [tilespmem:v27+s4+$0x0], $0xffff;
	[tilespmem:s21+$0x40] =	vst v18  }
0x308: {  	v27 =	vor.u32 v6, v14;
	[tilespmem:s21+$0xC0] =	vst v26;
	v18 =	vld.idx.msk [tilespmem:v21+s4+$0x0], $0xffff  }
0x309: {  	v21 =	vor.u32 v6, v13;
	v25 =	vld.idx.msk [tilespmem:v25+s4+$0x0], $0xffff;
	[tilespmem:s21+$0x160] =	vst v20  }
0x30a: {  	[tilespmem:s21+$0x1C0] =	vst v23;
	v20 =	vor.u32 v6, v12;
	v26 =	vld.idx.msk [tilespmem:v15+s4+$0x0], $0xffff  }
0x30b: {  	s22 =	sadd.s32 $0x0, s19;
	v23 =	vor.u32 v6, v11;
	v22 =	vld.idx.msk [tilespmem:v22+s4+$0x0], $0xffff;
	[tilespmem:s21+$0xFFFFFE50] =	vst v19  }
0x30c: {  	s25 =	sadd.s32 $0x3CE, s22;
	v15 =	vor.u32 v6, v9;
	v19 =	vld.idx.msk [tilespmem:v24+s4+$0x0], $0xffff;
	[tilespmem:s21+$0xFFFFFED0] =	vst v16  }
0x30d: {  	v24 =	vor.u32 v6, v8;
	v16 =	vmov s25;
	v27 =	vld.idx.msk [tilespmem:v27+s4+$0x0], $0xffff;
	[tilespmem:s21+$0xFFFFFF50] =	vst v17  }
0x30e: {  	v28 =	vor.u32 v6, v10;
	v16 =	vand.u32 $0xFFFFFFFE, v16;
	v17 =	vld.idx.msk [tilespmem:v21+s4+$0x0], $0xffff;
	[tilespmem:s21+$0xFFFFFFD0] =	vst v18  }
0x30f: {  	v14 =	vor.u32 v7, v14;
	v16 =	vbroadcast v16, $0x0;
	[tilespmem:s21+$0x50] =	vst v25;
	v18 =	vld.idx.msk [tilespmem:v20+s4+$0x0], $0xffff  }
0x310: {  	s26 =	sadd.s32 $0x3C8, s22;
	v23 =	vld.idx.msk [tilespmem:v23+s4+$0x0], $0xffff  }
0x311: {  	s28 =	sadd.s32 $0x3C9, s22;
	v13 =	vor.u32 v7, v13;
	v11 =	vor.u32 v7, v11;
	v20 =	vmov s26;
	v15 =	vld.idx.msk [tilespmem:v15+s4+$0x0], $0xffff;
	[tilespmem:s21+$0xD0] =	vst v22  }
0x312: {  	s24 =	sadd.s32 $0x3CA, s22;
	v12 =	vor.u32 v7, v12;
	v21 =	vmov s28;
	v20 =	vand.u32 $0xFFFFFFF8, v20;
	v24 =	vld.idx.msk [tilespmem:v24+s4+$0x0], $0xffff;
	[tilespmem:s21+$0x1D0] =	vst v19  }
0x313: {  	s29 =	sadd.s32 $0x3CB, s22;
	v21 =	vand.u32 $0xFFFFFFF9, v21;
	v22 =	vmov s24;
	v20 =	vbroadcast v20, $0x0;
	[tilespmem:s21+$0xFFFFFE60] =	vst v27;
	v25 =	vld.idx.msk [tilespmem:v28+s4+$0x0], $0xffff  }
0x314: {  	s30 =	sadd.s32 $0x3CC, s22;
	v21 =	vbroadcast v21, $0x0;
	v19 =	vmov s29;
	v22 =	vand.u32 $0xFFFFFFFA, v22;
	v28 =	vld.idx.msk [tilespmem:v14+s4+$0x0], $0xffff  }
0x315: {  	s31 =	sadd.s32 $0x3CD, s22;
	v27 =	vmov s30;
	v19 =	vand.u32 $0xFFFFFFFB, v19;
	v22 =	vbroadcast v22, $0x0;
	[tilespmem:s21+$0xFFFFFEE0] =	vst v17;
	v16 =	vld.idx.msk [tilespmem:v16+s13+$0x0], $0xffff  }
0x316: {  	v14 =	vmov s31;
	v27 =	vand.u32 $0xFFFFFFFC, v27;
	v19 =	vbroadcast v19, $0x0;
	[tilespmem:s21+$0xFFFFFF60] =	vst v18;
	v18 =	vld.idx.msk [tilespmem:v13+s4+$0x0], $0xffff  }
0x317: {  	v14 =	vand.u32 $0xFFFFFFFD, v14;
	v17 =	vbroadcast v27, $0x0;
	[tilespmem:s21+$0x60] =	vst v23;
	v27 =	vld.idx.msk [tilespmem:v12+s4+$0x0], $0xffff  }
0x318: {  	v30 =	vor.u32 v7, v8;
	v13 =	vbroadcast v14, $0x0;
	v8 =	vld.idx.msk [tilespmem:v11+s4+$0x0], $0xffff  }
0x319: {  	v14 =	vld.idx.msk [tilespmem:v20+s13+$0x0], $0xffff  }
0x31a: {  	s22 =	sadd.s32 $0x3CF, s22;
	v9 =	vor.u32 v7, v9;
	v21 =	vld.idx.msk [tilespmem:v21+s13+$0x0], $0xffff  }
0x31b: {  	v20 =	vmov s22;
	v22 =	vld.idx.msk [tilespmem:v22+s13+$0x0], $0xffff  }
0x31c: {  	v19 =	vld.idx.msk [tilespmem:v19+s13+$0x0], $0xffff;
	v12 =	vshll.u32 v16, $0x7  }
0x31d: {  	v17 =	vld.idx.msk [tilespmem:v17+s13+$0x0], $0xffff;
	v29 =	vor.u32 v0, v12  }
0x31e: {  	v60 =	vor.u32 v7, v10;
	[tilespmem:s21+$0xFFFFFFE0] =	vst v15;
	v31 =	vld.idx.msk [tilespmem:v13+s13+$0x0], $0xffff;
	v13 =	vshll.u32 v14, $0x7  }
0x31f: {  	v9 =	vld.idx.msk [tilespmem:v9+s4+$0x0], $0xffff;
	v14 =	vshll.u32 v21, $0x7;
	v23 =	vor.u32 v0, v13  }
0x320: {  	[tilespmem:s21+$0xE0] =	vst v24;
	v20 =	vld.idx.msk [tilespmem:v20+s13+$0x0], $0xffff;
	v21 =	vor.u32 v0, v14;
	v15 =	vshll.u32 v22, $0x7  }
0x321: {  	v10 =	vld.idx.msk [tilespmem:v30+s4+$0x0], $0xffff;
	v22 =	vor.u32 v0, v15;
	v16 =	vshll.u32 v19, $0x7  }
0x322: {  	[tilespmem:s21+$0x1E0] =	vst v25;
	v19 =	vld.idx.msk [tilespmem:v29+s4+$0x0], $0xffff;
	v24 =	vor.u32 v0, v16  }
0x323: {  	v11 =	vld.idx.msk [tilespmem:v60+s4+$0x0], $0xffff;
	v30 =	vshll.u32 v17, $0x7;
	v17 =	vor.u32 v1, v12  }
0x324: {  	v25 =	vor.u32 v0, v30;
	v29 =	vshll.u32 v31, $0x7;
	v23 =	vld.idx.msk [tilespmem:v23+s4+$0x0], $0xffff  }
0x325: {  	[tilespmem:s21+$0x170] =	vst v26;
	v26 =	vor.u32 v0, v29;
	v31 =	vshll.u32 v20, $0x7;
	v20 =	vld.idx.msk [tilespmem:v21+s4+$0x0], $0xffff  }
0x326: {  	s22 =	simm.s32 $0x11E00;
	[tilespmem:s21+$0xFFFFFE70] =	vst v28;
	v21 =	vor.u32 v0, v31;
	v22 =	vld.idx.msk [tilespmem:v22+s4+$0x0], $0xffff  }
0x327: {  	v28 =	vor.u32 v1, v13;
	v24 =	vld.idx.msk [tilespmem:v24+s4+$0x0], $0xffff;
	[tilespmem:s22+$0x100] =	vst v19  }
0x328: {  	[tilespmem:s21+$0xFFFFFEF0] =	vst v18;
	v18 =	vor.u32 v1, v14;
	v17 =	vld.idx.msk [tilespmem:v17+s4+$0x0], $0xffff  }
0x329: {  	[tilespmem:s21+$0xFFFFFF70] =	vst v27;
	v19 =	vor.u32 v1, v15;
	v25 =	vld.idx.msk [tilespmem:v25+s4+$0x0], $0xffff  }
0x32a: {  	v27 =	vor.u32 v1, v16;
	[tilespmem:s22+$0xFFFFFE00] =	vst v23;
	v23 =	vld.idx.msk [tilespmem:v26+s4+$0x0], $0xffff  }
0x32b: {  	v26 =	vor.u32 v2, v12;
	[tilespmem:s22+$0xFFFFFE80] =	vst v20;
	v20 =	vld.idx.msk [tilespmem:v21+s4+$0x0], $0xffff  }
0x32c: {  	v21 =	vor.u32 v1, v30;
	v28 =	vld.idx.msk [tilespmem:v28+s4+$0x0], $0xffff;
	[tilespmem:s22+$0xFFFFFF00] =	vst v22  }
0x32d: {  	v22 =	vor.u32 v1, v29;
	v18 =	vld.idx.msk [tilespmem:v18+s4+$0x0], $0xffff;
	[tilespmem:s22+$0xFFFFFF80] =	vst v24  }
0x32e: {  	v24 =	vor.u32 v1, v31;
	v19 =	vld.idx.msk [tilespmem:v19+s4+$0x0], $0xffff;
	[tilespmem:s22+$0x110] =	vst v17  }
0x32f: {  	v17 =	vor.u32 v2, v13;
	[tilespmem:s22+$0x0] =	vst v25;
	v27 =	vld.idx.msk [tilespmem:v27+s4+$0x0], $0xffff  }
0x330: {  	v25 =	vld.idx.msk [tilespmem:v26+s4+$0x0], $0xffff;
	v26 =	vor.u32 v2, v14;
	[tilespmem:s22+$0x80] =	vst v23  }
0x331: {  	v21 =	vld.idx.msk [tilespmem:v21+s4+$0x0], $0xffff;
	[tilespmem:s22+$0x180] =	vst v20;
	v20 =	vor.u32 v2, v15  }
0x332: {  	v23 =	vor.u32 v3, v12;
	[tilespmem:s22+$0xFFFFFE10] =	vst v28;
	v22 =	vld.idx.msk [tilespmem:v22+s4+$0x0], $0xffff  }
0x333: {  	v28 =	vor.u32 v2, v16;
	[tilespmem:s22+$0xFFFFFE90] =	vst v18;
	v18 =	vld.idx.msk [tilespmem:v24+s4+$0x0], $0xffff  }
0x334: {  	v24 =	vor.u32 v2, v30;
	[tilespmem:s22+$0xFFFFFF10] =	vst v19;
	v17 =	vld.idx.msk [tilespmem:v17+s4+$0x0], $0xffff  }
0x335: {  	v19 =	vor.u32 v2, v29;
	[tilespmem:s22+$0xFFFFFF90] =	vst v27;
	v26 =	vld.idx.msk [tilespmem:v26+s4+$0x0], $0xffff  }
0x336: {  	v27 =	vor.u32 v3, v13;
	[tilespmem:s22+$0x120] =	vst v25;
	v20 =	vld.idx.msk [tilespmem:v20+s4+$0x0], $0xffff  }
0x337: {  	v25 =	vor.u32 v2, v31;
	[tilespmem:s22+$0x10] =	vst v21;
	v23 =	vld.idx.msk [tilespmem:v23+s4+$0x0], $0xffff  }
0x338: {  	v21 =	vld.idx.msk [tilespmem:v28+s4+$0x0], $0xffff;
	[tilespmem:s22+$0x90] =	vst v22;
	v28 =	vor.u32 v3, v14  }
0x339: {  	v22 =	vor.u32 v4, v12;
	v24 =	vld.idx.msk [tilespmem:v24+s4+$0x0], $0xffff;
	[tilespmem:s22+$0x190] =	vst v18  }
0x33a: {  	v18 =	vor.u32 v3, v15;
	[tilespmem:s22+$0xFFFFFE20] =	vst v17;
	v17 =	vld.idx.msk [tilespmem:v19+s4+$0x0], $0xffff  }
0x33b: {  	v19 =	vor.u32 v3, v16;
	v27 =	vld.idx.msk [tilespmem:v27+s4+$0x0], $0xffff;
	[tilespmem:s22+$0xFFFFFEA0] =	vst v26  }
0x33c: {  	v25 =	vld.idx.msk [tilespmem:v25+s4+$0x0], $0xffff;
	v26 =	vor.u32 v3, v30;
	[tilespmem:s22+$0xFFFFFF20] =	vst v20  }
0x33d: {  	[tilespmem:s22+$0x130] =	vst v23;
	v23 =	vor.u32 v3, v29;
	v28 =	vld.idx.msk [tilespmem:v28+s4+$0x0], $0xffff  }
0x33e: {  	[tilespmem:s22+$0xFFFFFFA0] =	vst v21;
	v20 =	vld.idx.msk [tilespmem:v22+s4+$0x0], $0xffff;
	v22 =	vor.u32 v3, v31  }
0x33f: {  	v18 =	vld.idx.msk [tilespmem:v18+s4+$0x0], $0xffff;
	[tilespmem:s22+$0x20] =	vst v24;
	v24 =	vor.u32 v4, v13  }
0x340: {  	v21 =	vor.u32 v5, v12;
	v19 =	vld.idx.msk [tilespmem:v19+s4+$0x0], $0xffff;
	[tilespmem:s22+$0xA0] =	vst v17  }
0x341: {  	v17 =	vor.u32 v4, v14;
	[tilespmem:s22+$0xFFFFFE30] =	vst v27;
	v26 =	vld.idx.msk [tilespmem:v26+s4+$0x0], $0xffff  }
0x342: {  	v27 =	vor.u32 v4, v16;
	[tilespmem:s22+$0x1A0] =	vst v25;
	v23 =	vld.idx.msk [tilespmem:v23+s4+$0x0], $0xffff  }
0x343: {  	v25 =	vor.u32 v4, v15;
	[tilespmem:s22+$0x140] =	vst v20;
	v20 =	vld.idx.msk [tilespmem:v22+s4+$0x0], $0xffff  }
0x344: {  	[tilespmem:s22+$0xFFFFFEB0] =	vst v28;
	v22 =	vor.u32 v4, v30;
	v24 =	vld.idx.msk [tilespmem:v24+s4+$0x0], $0xffff  }
0x345: {  	v28 =	vor.u32 v4, v29;
	[tilespmem:s22+$0xFFFFFF30] =	vst v18;
	v21 =	vld.idx.msk [tilespmem:v21+s4+$0x0], $0xffff  }
0x346: {  	v17 =	vld.idx.msk [tilespmem:v17+s4+$0x0], $0xffff;
	[tilespmem:s22+$0xFFFFFFB0] =	vst v19;
	v19 =	vor.u32 v4, v31  }
0x347: {  	v18 =	vor.u32 v6, v12;
	v36 =	vld.idx.msk [tilespmem:v27+s4+$0x0], $0xffff;
	[tilespmem:s22+$0x30] =	vst v26  }
0x348: {  	v44 =	vor.u32 v7, v12;
	v62 =	vor.u32 v5, v13;
	v61 =	vld.idx.msk [tilespmem:v25+s4+$0x0], $0xffff;
	[tilespmem:s22+$0xB0] =	vst v23  }
0x349: {  	v63 =	vor.u32 v5, v14;
	v37 =	vor.u32 v5, v15;
	v39 =	vld.idx.msk [tilespmem:v22+s4+$0x0], $0xffff;
	[tilespmem:s22+$0x1B0] =	vst v20  }
0x34a: {  	v38 =	vor.u32 v5, v16;
	v40 =	vor.u32 v5, v30;
	v41 =	vld.idx.msk [tilespmem:v28+s4+$0x0], $0xffff;
	[tilespmem:s22+$0xFFFFFE40] =	vst v24  }
0x34b: {  	v12 =	vor.u32 v7, v31;
	v27 =	vor.u32 v5, v29;
	[tilespmem:s22+$0x150] =	vst v21;
	v43 =	vld.idx.msk [tilespmem:v19+s4+$0x0], $0xffff  }
0x34c: {  	v26 =	vor.u32 v6, v13;
	v25 =	vor.u32 v6, v14;
	[tilespmem:s22+$0xFFFFFEC0] =	vst v17;
	v42 =	vld.idx.msk [tilespmem:v18+s4+$0x0], $0xffff  }
0x34d: {  	v23 =	vor.u32 v6, v16;
	v28 =	vor.u32 v5, v31;
	v34 =	vld.idx.msk [tilespmem:v62+s4+$0x0], $0xffff;
	[tilespmem:s22+$0xFFFFFFC0] =	vst v36  }
0x34e: {  	v24 =	vor.u32 v6, v15;
	v22 =	vor.u32 v6, v30;
	v35 =	vld.idx.msk [tilespmem:v63+s4+$0x0], $0xffff;
	[tilespmem:s22+$0xFFFFFF40] =	vst v61  }
0x34f: {  	v20 =	vor.u32 v6, v31;
	v21 =	vor.u32 v6, v29;
	v32 =	vld.idx.msk [tilespmem:v38+s4+$0x0], $0xffff;
	[tilespmem:s22+$0x40] =	vst v39  }
0x350: {  	v19 =	vor.u32 v7, v13;
	v17 =	vor.u32 v7, v14;
	v33 =	vld.idx.msk [tilespmem:v37+s4+$0x0], $0xffff;
	[tilespmem:s22+$0xC0] =	vst v41  }
0x351: {  	v18 =	vor.u32 v7, v15;
	v15 =	vor.u32 v7, v16;
	v16 =	vld.idx.msk [tilespmem:v40+s4+$0x0], $0xffff;
	[tilespmem:s22+$0x160] =	vst v42  }
0x352: {  	s23 =	sshllo.u32 s20, $0x1;
	s24 =	simm.s32 $0x8;
	v14 =	vor.u32 v7, v30;
	v13 =	vor.u32 v7, v29;
	[tilespmem:s22+$0x1C0] =	vst v43;
	v29 =	vld.idx.msk [tilespmem:v44+s4+$0x0], $0xffff  }
.LBB2_9:
0x353: {  	s25 =	sadd.s32 s24, s19;
	s24 =	sadd.s32 $0x8, s24;
	[tilespmem:s22+$0xFFFFFE50] =	vst v34;
	v27 =	vld.idx.msk [tilespmem:v27+s4+$0x0], $0xffff  }
0x354: {  	s26 =	sadd.s32 $0x3C8, s25;
	s28 =	sadd.s32 $0x3CE, s25;
	p0 =	slt.u32 s24, $0x138;
	[tilespmem:s22+$0xFFFFFED0] =	vst v35;
	v28 =	vld.idx.msk [tilespmem:v28+s4+$0x0], $0xffff  }
0x355: {  	s29 =	sadd.s32 $0x3CA, s25;
	s30 =	sadd.s32 $0x3CB, s25;
	v30 =	vmov s26;
	s26 =	sadd.s32 $0x3C9, s25;
	v31 =	vmov s28;
	v26 =	vld.idx.msk [tilespmem:v26+s4+$0x0], $0xffff;
	[tilespmem:s22+$0xFFFFFF50] =	vst v33  }
0x356: {  	v34 =	vmov s29;
	s28 =	sadd.s32 $0x3CD, s25;
	v33 =	vmov s26;
	s26 =	sadd.s32 $0x3CC, s25;
	v31 =	vand.u32 $0xFFFFFFFE, v31;
	s25 =	sadd.s32 $0x3CF, s25;
	v25 =	vld.idx.msk [tilespmem:v25+s4+$0x0], $0xffff;
	[tilespmem:s22+$0xFFFFFFD0] =	vst v32  }
0x357: {  	v32 =	vmov s30;
	v35 =	vmov s26;
	v31 =	vbroadcast v31, $0x0;
	v24 =	vld.idx.msk [tilespmem:v24+s4+$0x0], $0xffff;
	[tilespmem:s22+$0x50] =	vst v16  }
0x358: {  	v16 =	vand.u32 $0xFFFFFFF8, v30;
	v30 =	vand.u32 $0xFFFFFFF9, v33;
	v33 =	vmov s28;
	v23 =	vld.idx.msk [tilespmem:v23+s4+$0x0], $0xffff;
	[tilespmem:s22+$0x170] =	vst v29  }
0x359: {  	v32 =	vand.u32 $0xFFFFFFFB, v32;
	v29 =	vand.u32 $0xFFFFFFFA, v34;
	v34 =	vand.u32 $0xFFFFFFFC, v35;
	v22 =	vld.idx.msk [tilespmem:v22+s4+$0x0], $0xffff;
	[tilespmem:s22+$0xD0] =	vst v27  }
0x35a: {  	v16 =	vbroadcast v16, $0x0;
	v27 =	vbroadcast v30, $0x0;
	v30 =	vand.u32 $0xFFFFFFFD, v33;
	v21 =	vld.idx.msk [tilespmem:v21+s4+$0x0], $0xffff;
	[tilespmem:s22+$0x1D0] =	vst v28  }
0x35b: {  	v28 =	vbroadcast v29, $0x0;
	v29 =	vbroadcast v32, $0x0;
	v32 =	vmov s25;
	[tilespmem:s22+$0xFFFFFE60] =	vst v26;
	v20 =	vld.idx.msk [tilespmem:v20+s4+$0x0], $0xffff  }
0x35c: {  	v30 =	vbroadcast v30, $0x0;
	v26 =	vbroadcast v34, $0x0;
	v19 =	vld.idx.msk [tilespmem:v19+s4+$0x0], $0xffff;
	[tilespmem:s22+$0xFFFFFEE0] =	vst v25  }
0x35d: {  	v25 =	vld.idx.msk [tilespmem:v31+s13+$0x0], $0xffff;
	[tilespmem:s22+$0xFFFFFF60] =	vst v24  }
0x35e: {  	v17 =	vld.idx.msk [tilespmem:v17+s4+$0x0], $0xffff;
	[tilespmem:s22+$0xFFFFFFE0] =	vst v23  }
0x35f: {  	v18 =	vld.idx.msk [tilespmem:v18+s4+$0x0], $0xffff;
	[tilespmem:s22+$0x60] =	vst v22  }
0x360: {  	v22 =	vld.idx.msk [tilespmem:v16+s13+$0x0], $0xffff;
	[tilespmem:s22+$0xE0] =	vst v21  }
0x361: {  	v21 =	vld.idx.msk [tilespmem:v27+s13+$0x0], $0xffff;
	[tilespmem:s22+$0x1E0] =	vst v20  }
0x362: {  	v20 =	vld.idx.msk [tilespmem:v28+s13+$0x0], $0xffff;
	[tilespmem:s22+$0xFFFFFE70] =	vst v19  }
0x363: {  	v16 =	vshll.u32 v25, $0x7;
	v19 =	vld.idx.msk [tilespmem:v29+s13+$0x0], $0xffff;
	[tilespmem:s21+$0xFFFFFFF0] =	vst v9  }
0x364: {  	v24 =	vor.u32 v0, v16;
	v23 =	vld.idx.msk [tilespmem:v26+s13+$0x0], $0xffff;
	[tilespmem:s22+$0xFFFFFEF0] =	vst v17  }
0x365: {  	v17 =	vld.idx.msk [tilespmem:v30+s13+$0x0], $0xffff;
	[tilespmem:s22+$0xFFFFFF70] =	vst v18  }
0x366: {  	v18 =	vshll.u32 v22, $0x7;
	v22 =	vld.idx.msk [tilespmem:v32+s13+$0x0], $0xffff;
	[tilespmem:s21+$0x70] =	vst v8  }
0x367: {  	v25 =	vor.u32 v0, v18;
	v26 =	vor.u32 v1, v18;
	v29 =	vshll.u32 v21, $0x7;
	v9 =	vld.idx.msk [tilespmem:v15+s4+$0x0], $0xffff;
	[tilespmem:s21+$0xF0] =	vst v10  }
0x368: {  	v15 =	vor.u32 v0, v29;
	v21 =	vor.u32 v1, v29;
	v30 =	vshll.u32 v20, $0x7;
	v8 =	vld.idx.msk [tilespmem:v14+s4+$0x0], $0xffff;
	[tilespmem:s21+$0x1F0] =	vst v11;
	s21 =	smov.u32 s22  }
0x369: {  	v14 =	vor.u32 v0, v30;
	v20 =	vor.u32 v1, v30;
	v31 =	vshll.u32 v19, $0x7;
	v19 =	vld.idx.msk [tilespmem:v24+s4+$0x0], $0xffff  }
0x36a: {  	v24 =	vor.u32 v0, v31;
	v27 =	vor.u32 v1, v31;
	v32 =	vshll.u32 v23, $0x7;
	v10 =	vld.idx.msk [tilespmem:v13+s4+$0x0], $0xffff  }
0x36b: {  	v13 =	vor.u32 v0, v32;
	v33 =	vshll.u32 v17, $0x7;
	v17 =	vor.u32 v1, v16;
	v11 =	vld.idx.msk [tilespmem:v12+s4+$0x0], $0xffff  }
0x36c: {  	v23 =	vor.u32 v1, v32;
	v34 =	vshll.u32 v22, $0x7;
	v12 =	vld.idx.msk [tilespmem:v25+s4+$0x0], $0xffff;
	v25 =	vor.u32 v0, v33  }
0x36d: {  	v22 =	vor.u32 v1, v33;
	v28 =	vor.u32 v0, v34;
	v35 =	vor.u32 v1, v34;
	v15 =	vld.idx.msk [tilespmem:v15+s4+$0x0], $0xffff  }
0x36e: {  	v36 =	vor.u32 v2, v18;
	v37 =	vor.u32 v2, v29;
	v38 =	vor.u32 v2, v30;
	s22 =	sadd.s32 $0x400, s22;
	v14 =	vld.idx.msk [tilespmem:v14+s4+$0x0], $0xffff  }
0x36f: {  	v39 =	vor.u32 v2, v31;
	v40 =	vor.u32 v2, v32;
	v24 =	vld.idx.msk [tilespmem:v24+s4+$0x0], $0xffff;
	[tilespmem:s22+$0x100] =	vst v19  }
0x370: {  	v41 =	vor.u32 v3, v18;
	v42 =	vor.u32 v2, v33;
	v43 =	vor.u32 v2, v34;
	v17 =	vld.idx.msk [tilespmem:v17+s4+$0x0], $0xffff  }
0x371: {  	v44 =	vor.u32 v3, v29;
	v45 =	vor.u32 v3, v30;
	v46 =	vor.u32 v3, v31;
	v13 =	vld.idx.msk [tilespmem:v13+s4+$0x0], $0xffff  }
0x372: {  	v47 =	vor.u32 v3, v32;
	v19 =	vor.u32 v2, v16;
	[tilespmem:s22+$0xFFFFFE00] =	vst v12;
	v12 =	vld.idx.msk [tilespmem:v25+s4+$0x0], $0xffff  }
0x373: {  	v48 =	vor.u32 v3, v33;
	v49 =	vor.u32 v3, v34;
	[tilespmem:s22+$0xFFFFFE80] =	vst v15;
	v15 =	vld.idx.msk [tilespmem:v28+s4+$0x0], $0xffff  }
0x374: {  	v50 =	vor.u32 v4, v18;
	v51 =	vor.u32 v4, v29;
	v25 =	vld.idx.msk [tilespmem:v26+s4+$0x0], $0xffff;
	[tilespmem:s22+$0xFFFFFF00] =	vst v14  }
0x375: {  	v52 =	vor.u32 v4, v30;
	v53 =	vor.u32 v4, v31;
	v14 =	vld.idx.msk [tilespmem:v21+s4+$0x0], $0xffff;
	[tilespmem:s22+$0xFFFFFF80] =	vst v24  }
0x376: {  	v54 =	vor.u32 v4, v32;
	v55 =	vor.u32 v4, v33;
	v20 =	vld.idx.msk [tilespmem:v20+s4+$0x0], $0xffff;
	[tilespmem:s22+$0x110] =	vst v17  }
0x377: {  	v56 =	vor.u32 v5, v18;
	v57 =	vor.u32 v4, v34;
	[tilespmem:s22+$0x0] =	vst v13;
	v13 =	vld.idx.msk [tilespmem:v19+s4+$0x0], $0xffff  }
0x378: {  	v58 =	vor.u32 v5, v29;
	v59 =	vor.u32 v5, v30;
	v17 =	vld.idx.msk [tilespmem:v27+s4+$0x0], $0xffff;
	[tilespmem:s22+$0x80] =	vst v12  }
0x379: {  	v60 =	vor.u32 v5, v31;
	v19 =	vor.u32 v3, v16;
	v12 =	vld.idx.msk [tilespmem:v23+s4+$0x0], $0xffff;
	[tilespmem:s22+$0x180] =	vst v15  }
0x37a: {  	v61 =	vor.u32 v5, v32;
	v27 =	vor.u32 v5, v33;
	[tilespmem:s22+$0xFFFFFE10] =	vst v25;
	v15 =	vld.idx.msk [tilespmem:v22+s4+$0x0], $0xffff  }
0x37b: {  	v28 =	vor.u32 v5, v34;
	v26 =	vor.u32 v6, v18;
	[tilespmem:s22+$0xFFFFFE90] =	vst v14;
	v35 =	vld.idx.msk [tilespmem:v35+s4+$0x0], $0xffff  }
0x37c: {  	v24 =	vor.u32 v6, v30;
	v25 =	vor.u32 v6, v29;
	v36 =	vld.idx.msk [tilespmem:v36+s4+$0x0], $0xffff;
	[tilespmem:s22+$0xFFFFFF10] =	vst v20  }
0x37d: {  	v23 =	vor.u32 v6, v31;
	v22 =	vor.u32 v6, v32;
	v37 =	vld.idx.msk [tilespmem:v37+s4+$0x0], $0xffff;
	[tilespmem:s22+$0x120] =	vst v13  }
0x37e: {  	v21 =	vor.u32 v6, v33;
	v20 =	vor.u32 v6, v34;
	[tilespmem:s22+$0xFFFFFF90] =	vst v17;
	v62 =	vld.idx.msk [tilespmem:v19+s4+$0x0], $0xffff  }
0x37f: {  	v19 =	vor.u32 v7, v18;
	v17 =	vor.u32 v7, v29;
	v29 =	vld.idx.msk [tilespmem:v38+s4+$0x0], $0xffff;
	[tilespmem:s22+$0x10] =	vst v12  }
0x380: {  	v18 =	vor.u32 v7, v30;
	v38 =	vor.u32 v4, v16;
	v30 =	vld.idx.msk [tilespmem:v39+s4+$0x0], $0xffff;
	[tilespmem:s22+$0x90] =	vst v15  }
0x381: {  	v14 =	vor.u32 v7, v32;
	v15 =	vor.u32 v7, v31;
	v31 =	vld.idx.msk [tilespmem:v40+s4+$0x0], $0xffff;
	[tilespmem:s22+$0x190] =	vst v35  }
0x382: {  	v13 =	vor.u32 v7, v33;
	v12 =	vor.u32 v7, v34;
	[tilespmem:s22+$0xFFFFFE20] =	vst v36;
	v32 =	vld.idx.msk [tilespmem:v42+s4+$0x0], $0xffff  }
0x383: {  	[tilespmem:s22+$0xFFFFFEA0] =	vst v37;
	v33 =	vld.idx.msk [tilespmem:v43+s4+$0x0], $0xffff  }
0x384: {  	v34 =	vld.idx.msk [tilespmem:v41+s4+$0x0], $0xffff;
	[tilespmem:s22+$0x130] =	vst v62  }
0x385: {  	[tilespmem:s22+$0xFFFFFF20] =	vst v29;
	v29 =	vld.idx.msk [tilespmem:v38+s4+$0x0], $0xffff  }
0x386: {  	v35 =	vld.idx.msk [tilespmem:v44+s4+$0x0], $0xffff;
	[tilespmem:s22+$0xFFFFFFA0] =	vst v30  }
0x387: {  	v30 =	vld.idx.msk [tilespmem:v45+s4+$0x0], $0xffff;
	[tilespmem:s22+$0x20] =	vst v31;
	v31 =	vor.u32 v5, v16  }
0x388: {  	v36 =	vld.idx.msk [tilespmem:v46+s4+$0x0], $0xffff;
	[tilespmem:s22+$0xA0] =	vst v32  }
0x389: {  	v32 =	vld.idx.msk [tilespmem:v47+s4+$0x0], $0xffff;
	[tilespmem:s22+$0x1A0] =	vst v33  }
0x38a: {  	[tilespmem:s22+$0xFFFFFE30] =	vst v34;
	v33 =	vld.idx.msk [tilespmem:v48+s4+$0x0], $0xffff  }
0x38b: {  	[tilespmem:s22+$0x140] =	vst v29;
	v29 =	vld.idx.msk [tilespmem:v49+s4+$0x0], $0xffff  }
0x38c: {  	[tilespmem:s22+$0xFFFFFEB0] =	vst v35;
	v31 =	vld.idx.msk [tilespmem:v31+s4+$0x0], $0xffff  }
0x38d: {  	v34 =	vld.idx.msk [tilespmem:v50+s4+$0x0], $0xffff;
	[tilespmem:s22+$0xFFFFFF30] =	vst v30  }
0x38e: {  	v35 =	vor.u32 v6, v16;
	v30 =	vld.idx.msk [tilespmem:v51+s4+$0x0], $0xffff;
	[tilespmem:s22+$0xFFFFFFB0] =	vst v36  }
0x38f: {  	v36 =	vld.idx.msk [tilespmem:v52+s4+$0x0], $0xffff;
	[tilespmem:s22+$0x30] =	vst v32  }
0x390: {  	v32 =	vld.idx.msk [tilespmem:v53+s4+$0x0], $0xffff;
	[tilespmem:s22+$0xB0] =	vst v33  }
0x391: {  	v37 =	vld.idx.msk [tilespmem:v54+s4+$0x0], $0xffff;
	[tilespmem:s22+$0x1B0] =	vst v29  }
0x392: {  	v29 =	vld.idx.msk [tilespmem:v55+s4+$0x0], $0xffff;
	[tilespmem:s22+$0x150] =	vst v31  }
0x393: {  	[tilespmem:s22+$0xFFFFFE40] =	vst v34;
	v31 =	vld.idx.msk [tilespmem:v35+s4+$0x0], $0xffff  }
0x394: {  	[tilespmem:s22+$0xFFFFFEC0] =	vst v30;
	v30 =	vld.idx.msk [tilespmem:v57+s4+$0x0], $0xffff  }
0x395: {  	v34 =	vld.idx.msk [tilespmem:v56+s4+$0x0], $0xffff;
	[tilespmem:s22+$0xFFFFFF40] =	vst v36;
	v36 =	vor.u32 v7, v16  }
.Ltmp3:
0x396: {  	v35 =	vld.idx.msk [tilespmem:v58+s4+$0x0], $0xffff;
	[tilespmem:s22+$0xFFFFFFC0] =	vst v32;
	(pc) =	sbr.rel @p0 .LBB2_9-.Ltmp3, $4  }
0x397: {  	v33 =	vld.idx.msk [tilespmem:v59+s4+$0x0], $0xffff;
	[tilespmem:s22+$0x40] =	vst v37  }
0x398: {  	v32 =	vld.idx.msk [tilespmem:v60+s4+$0x0], $0xffff;
	[tilespmem:s22+$0xC0] =	vst v29  }
0x399: {  	v16 =	vld.idx.msk [tilespmem:v61+s4+$0x0], $0xffff;
	[tilespmem:s22+$0x160] =	vst v31  }
0x39a: {  	v29 =	vld.idx.msk [tilespmem:v36+s4+$0x0], $0xffff;
	[tilespmem:s22+$0x1C0] =	vst v30  }
0x39b: {  	[tilespmem:s22+$0xFFFFFE50] =	vst v34  }
0x39c: {  	[tilespmem:s22+$0xFFFFFED0] =	vst v35  }
0x39d: {  	[tilespmem:s21+$0xFFFFFFF0] =	vst v9  }
0x39e: {  	[tilespmem:s21+$0x70] =	vst v8  }
0x39f: {  	[tilespmem:s21+$0xF0] =	vst v10  }
0x3a0: {  	v27 =	vld.idx.msk [tilespmem:v27+s4+$0x0], $0xffff;
	[tilespmem:s21+$0x1F0] =	vst v11  }
0x3a1: {  	v28 =	vld.idx.msk [tilespmem:v28+s4+$0x0], $0xffff;
	[tilespmem:s22+$0xFFFFFF50] =	vst v33  }
0x3a2: {  	v26 =	vld.idx.msk [tilespmem:v26+s4+$0x0], $0xffff;
	[tilespmem:s22+$0xFFFFFFD0] =	vst v32  }
0x3a3: {  	v25 =	vld.idx.msk [tilespmem:v25+s4+$0x0], $0xffff;
	[tilespmem:s22+$0x50] =	vst v16  }
0x3a4: {  	v59 =	vld.idx.msk [tilespmem:v24+s4+$0x0], $0xffff;
	[tilespmem:s22+$0x170] =	vst v29  }
0x3a5: {  	v23 =	vld.idx.msk [tilespmem:v23+s4+$0x0], $0xffff;
	[tilespmem:s22+$0xD0] =	vst v27  }
0x3a6: {  	v22 =	vld.idx.msk [tilespmem:v22+s4+$0x0], $0xffff;
	[tilespmem:s22+$0x1D0] =	vst v28  }
0x3a7: {  	v21 =	vld.idx.msk [tilespmem:v21+s4+$0x0], $0xffff;
	[tilespmem:s22+$0xFFFFFE60] =	vst v26  }
0x3a8: {  	v20 =	vld.idx.msk [tilespmem:v20+s4+$0x0], $0xffff;
	[tilespmem:s22+$0xFFFFFEE0] =	vst v25  }
0x3a9: {  	v19 =	vld.idx.msk [tilespmem:v19+s4+$0x0], $0xffff;
	[tilespmem:s22+$0xFFFFFF60] =	vst v59  }
0x3aa: {  	v60 =	vld.idx.msk [tilespmem:v17+s4+$0x0], $0xffff;
	[tilespmem:s22+$0xFFFFFFE0] =	vst v23  }
0x3ab: {  	v61 =	vld.idx.msk [tilespmem:v18+s4+$0x0], $0xffff;
	[tilespmem:s22+$0x60] =	vst v22  }
0x3ac: {  	v62 =	vld.idx.msk [tilespmem:v15+s4+$0x0], $0xffff;
	[tilespmem:s22+$0xE0] =	vst v21  }
0x3ad: {  	v14 =	vld.idx.msk [tilespmem:v14+s4+$0x0], $0xffff;
	[tilespmem:s22+$0x1E0] =	vst v20  }
0x3ae: {  	[tilespmem:s22+$0xFFFFFE70] =	vst v19;
	v8 =	vld.idx.msk [tilespmem:v13+s4+$0x0], $0xffff  }
0x3af: {  	[tilespmem:s22+$0xFFFFFEF0] =	vst v60;
	v63 =	vld.idx.msk [tilespmem:v12+s4+$0x0], $0xffff  }
0x3b0: {  	s31 =	smul.u32 $0xA000, s23;
	p0 =	sne.s32 s20, $0x27;
	[tilespmem:s22+$0xFFFFFF70] =	vst v61  }
.Ltmp4:
0x3b1: {  	[tilespmem:s22+$0xFFFFFFF0] =	vst v62;
	(pc) =	sbr.rel @p0 .LBB2_6-.Ltmp4, $4  }
0x3b2: {  	s21 =	sadd.s32 s5, s31;
	[tilespmem:s22+$0x70] =	vst v14  }
0x3b3: {  	s21 =	sshrl.u32 s21, $0x3;
	[tilespmem:s22+$0xF0] =	vst v8  }
0x3b4: {  	s19 =	sadd.s32 $0x280, s19;
	s21 =	sadd.s32 s3, s21;
	[tilespmem:s22+$0x1F0] =	vst v63  }
0x3b5: {  	[hbm4b:s21+s4] =	stream.linear.scatter [tilespmem:s15], [sflag:$0x2], $0xA000, $0x38;
	[tilespmem:$0x1B800] =	vst v63  }
0x3b6: {  	s18 =	sadd.s32 $0x1, s18  }
0x3b7: {  	_ =	swait.ge [sflag:s16], $0xA000;
	p0 =	sne.s32 s18, s9  }
.Ltmp5:
0x3b8: {  	[sflag:s16] =	ssyncset.done $0x0;
	(pc) =	sbr.rel @p0 .LBB2_1-.Ltmp5, $4  }
0x3b9: {  	[sflag:s16] =	ssyncadd.s32 $0xFFFF6000  }
0x3ba: {  	_ =	swait.ge [sflag:s17], $0xA000  }
0x3bb: {  	[sflag:s17] =	ssyncset.done $0x0  }
0x3bc: {  	[sflag:s17] =	ssyncadd.s32 $0xFFFF6000  }
0x3bd: {  	_ =	sfence.sel $0x180000  }
0x3be: {  	[bflag:$0x0] =	sbarrier.arrive $0xFFFF  }
0x3bf: {  	p0 =	sne.s32 s0, $0x0;
	_ =	strace $0x90000047  }
0x3c0: {  	s0 =	sadd.s32 @!p0 $0x100000, s2;
	[bflag:$0x2] =	sbarrier.arrive $0xFFFF  }
0x3c1: {  	[sflag:s0] =	ssyncadd.tile.s32 @!p0 $0x1;
	_ =	shalt  }
.Lfunc_end2:
_tile_overlayer_lowered:
.L_overlay_start_2:
0x3c2: {  	(tag) =	ssettag $0x2  }
0x3c3: {  	s0 =	rddreg [dreg:$0x0];
	s2 =	stileid.u32  }
0x3c4: {  	s1 =	rddreg [dreg:$0x1];
	p0 =	sne.s32 s2, $0x0  }
0x3c5: {  	s3 =	rddreg [dreg:$0x2];
	[bflag:$0x3] =	sbarrier.arrive $0xFFFF;
	s2 =	simm.s32 @!p0 $0x1C03  }
0x3c6: {  	[timem:s3], [sflag:s2] =	dma.local @!p0 [hbm:s0], s1  }
0x3c7: {  	s0 =	simm.s32 @!p0 $0x3  }
0x3c8: {  	_ =	swait.ge @!p0 [sflag:s0], s1  }
0x3c9: {  	s1 =	ssub.s32 @!p0 $0x0, s1;
	[sflag:s0] =	ssyncset.done @!p0 $0x0  }
0x3ca: {  	[sflag:s0] =	ssyncadd.s32 @!p0 s1  }
0x3cb: {  	[bflag:$0x3] =	sbarrier.arrive $0xFFFF  }
0x3cc: {  	_ =	shalt  }

</sc_bundles>
